<compile_context>
chip_gen: v7x
topology: tpu7x:2x2x1
jax: 0.10.2.dev20260603
libtpu: 0.0.44.dev20260713+nightly
codegen_flags: <defaults>
</compile_context>

<pallas_src>
import functools

import jax
import jax.numpy as jnp
from jax import lax
from jax.experimental import pallas as pl
from jax.experimental.pallas import tpu as pltpu
from jax.experimental.pallas import tpu_sc as plsc

VOCAB = 100000
EMB = 128
HID = 256
B = 1024
T = 50

_NC = 2
_NS = 16
_NW = _NC * _NS
_N_IDX = B * T
_PER_W = _N_IDX // _NW
_CHUNK = 80
_N_CHUNK = _PER_W // _CHUNK


_NBUF = 4


def _sc_gather(table, idx2d):
    mesh = plsc.VectorSubcoreMesh(core_axis_name="c", subcore_axis_name="s")
    n_chunk = idx2d.shape[1]
    per_w = n_chunk * _CHUNK
    n_rows = _NW * per_w

    @functools.partial(
        pl.kernel,
        out_type=jax.ShapeDtypeStruct((n_rows, EMB), jnp.float32),
        mesh=mesh,
        scratch_types=[
            pltpu.VMEM((n_chunk, _CHUNK), jnp.int32),
            [pltpu.VMEM((_CHUNK, EMB), jnp.float32) for _ in range(_NBUF)],
            [pltpu.SemaphoreType.DMA for _ in range(_NBUF)],
            [pltpu.SemaphoreType.DMA for _ in range(_NBUF)],
        ],
    )
    def gather_kernel(table_hbm, idx_hbm, out_hbm, idx_v, bufs, gsems, ssems):
        wid = lax.axis_index("s") * _NC + lax.axis_index("c")
        base = wid * per_w
        pltpu.sync_copy(idx_hbm.at[wid], idx_v)

        gathers = [None] * n_chunk
        stores = [None] * n_chunk

        def start_gather(j):
            b = j % _NBUF
            gathers[j] = pltpu.async_copy(
                table_hbm.at[idx_v.at[j]], bufs[b], gsems[b]
            )

        for j in range(_NBUF):
            start_gather(j)
        for j in range(n_chunk):
            b = j % _NBUF
            gathers[j].wait()
            stores[j] = pltpu.async_copy(
                bufs[b], out_hbm.at[pl.ds(base + j * _CHUNK, _CHUNK)], ssems[b]
            )
            nxt = j + _NBUF
            if nxt < n_chunk:
                stores[j].wait()
                start_gather(nxt)
        for j in range(n_chunk - _NBUF, n_chunk):
            stores[j].wait()

    return gather_kernel(table, idx2d)


_STEPS_PER_BLOCK = 5


def _lstm_step(emb_ref, w_ref, b_ref, h0_ref, c0_ref, h_out, c_out,
               xh_s, c_s):
    t = pl.program_id(0)

    @pl.when(t == 0)
    def _():
        xh_s[:, EMB:] = h0_ref[...].astype(jnp.bfloat16)
        c_s[...] = c0_ref[...]

    for s in range(_STEPS_PER_BLOCK):
        xh_s[:, :EMB] = emb_ref[s].astype(jnp.bfloat16)
        gates = (
            jnp.dot(xh_s[...], w_ref[...],
                    preferred_element_type=jnp.float32)
            + b_ref[...]
        )
        i = 0.5 * jnp.tanh(gates[:, 0 * HID : 1 * HID]) + 0.5
        f = 0.5 * jnp.tanh(gates[:, 1 * HID : 2 * HID]) + 0.5
        g = jnp.tanh(gates[:, 2 * HID : 3 * HID])
        o = 0.5 * jnp.tanh(gates[:, 3 * HID : 4 * HID]) + 0.5
        c_new = f * c_s[...] + i * g
        h_new = o * jnp.tanh(c_new)
        c_s[...] = c_new
        xh_s[:, EMB:] = h_new.astype(jnp.bfloat16)

    @pl.when(t == pl.num_programs(0) - 1)
    def _():
        h_out[...] = h_new
        c_out[...] = c_new


def _tc_lstm(emb, w_cat, bias, h0, c0):
    out_shape = [
        jax.ShapeDtypeStruct((B, HID), jnp.float32),
        jax.ShapeDtypeStruct((B, HID), jnp.float32),
    ]
    grid = (emb.shape[0] // _STEPS_PER_BLOCK,)
    return pl.pallas_call(
        _lstm_step,
        grid=grid,
        in_specs=[
            pl.BlockSpec((_STEPS_PER_BLOCK, B, EMB), lambda t: (t, 0, 0)),
            pl.BlockSpec((EMB + HID, 4 * HID), lambda t: (0, 0)),
            pl.BlockSpec((1, 4 * HID), lambda t: (0, 0)),
            pl.BlockSpec((B, HID), lambda t: (0, 0)),
            pl.BlockSpec((B, HID), lambda t: (0, 0)),
        ],
        out_specs=[
            pl.BlockSpec((B, HID), lambda t: (0, 0)),
            pl.BlockSpec((B, HID), lambda t: (0, 0)),
        ],
        out_shape=out_shape,
        scratch_shapes=[
            pltpu.VMEM((B, EMB + HID), jnp.bfloat16),
            pltpu.VMEM((B, HID), jnp.float32),
        ],
    )(emb, w_cat, bias, h0, c0)


def kernel(x, embedding_matrix, W_ih, W_hh, b_ih, b_hh):
    xt = jnp.transpose(x).astype(jnp.int32)
    idx_a = jnp.reshape(xt[: T // 2], (_NW, _N_CHUNK // 2, _CHUNK))
    idx_b = jnp.reshape(xt[T // 2 :], (_NW, _N_CHUNK // 2, _CHUNK))
    emb_a = jnp.reshape(
        _sc_gather(embedding_matrix, idx_a), (T // 2, B, EMB)
    )
    emb_b = jnp.reshape(
        _sc_gather(embedding_matrix, idx_b), (T // 2, B, EMB)
    )
    scale = jnp.concatenate([
        jnp.full((HID,), 0.5, jnp.float32),
        jnp.full((HID,), 0.5, jnp.float32),
        jnp.ones((HID,), jnp.float32),
        jnp.full((HID,), 0.5, jnp.float32),
    ])
    w_cat = (
        jnp.concatenate([jnp.transpose(W_ih), jnp.transpose(W_hh)], axis=0)
        * scale[None, :]
    ).astype(jnp.bfloat16)
    bias = jnp.reshape((b_ih + b_hh) * scale, (1, 4 * HID))
    zeros = jnp.zeros((B, HID), jnp.float32)
    h1, c1 = _tc_lstm(emb_a, w_cat, bias, zeros, zeros)
    h, c = _tc_lstm(emb_b, w_cat, bias, h1, c1)
    return (h[None, :, :], c[None, :, :])

# --- scband reference (transcript-rebuilt; emitter-appended) ---
"""Pipeline reference for scband-encoder-75522704933160 (READ-ONLY COPY).

The authoritative reference and input builder live on the scoring server;
editing this copy changes nothing except your own understanding.
"""

import jax, jax.numpy as jnp
import numpy as np

VOCAB = 100000
EMB = 128
HID = 256
B = 1024
T = 50


def setup_inputs(seed: int = 0) -> dict:
    key = jax.random.key(seed)
    k1, k2, k3, k4, k5, k6 = jax.random.split(key, 6)
    x = jax.random.randint(k1, (B, T), 0, VOCAB)
    embedding_matrix = jax.random.normal(k2, (VOCAB, EMB), dtype=jnp.float32) * 0.1
    s = 1.0 / np.sqrt(HID)
    W_ih = jax.random.uniform(k3, (4 * HID, EMB), minval=-s, maxval=s, dtype=jnp.float32)
    W_hh = jax.random.uniform(k4, (4 * HID, HID), minval=-s, maxval=s, dtype=jnp.float32)
    b_ih = jax.random.uniform(k5, (4 * HID,), minval=-s, maxval=s, dtype=jnp.float32)
    b_hh = jax.random.uniform(k6, (4 * HID,), minval=-s, maxval=s, dtype=jnp.float32)
    return {"x": x, "embedding_matrix": embedding_matrix, "W_ih": W_ih,
            "W_hh": W_hh, "b_ih": b_ih, "b_hh": b_hh}


def _lstm(emb, W_ih, W_hh, b_ih, b_hh):
    # emb: [B, T, E]; single-layer batch_first LSTM, torch gate order (i, f, g, o)
    Bn = emb.shape[0]
    h0 = jnp.zeros((Bn, HID), dtype=emb.dtype)
    c0 = jnp.zeros((Bn, HID), dtype=emb.dtype)

    def step(carry, x_t):
        h, c = carry
        gates = x_t @ W_ih.T + h @ W_hh.T + b_ih + b_hh
        i, f, g, o = jnp.split(gates, 4, axis=-1)
        i = jax.nn.sigmoid(i)
        f = jax.nn.sigmoid(f)
        g = jnp.tanh(g)
        o = jax.nn.sigmoid(o)
        c_new = f * c + i * g
        h_new = o * jnp.tanh(c_new)
        return (h_new, c_new), None

    (h, c), _ = jax.lax.scan(step, (h0, c0), jnp.swapaxes(emb, 0, 1))
    return h, c


def reference(x, embedding_matrix, W_ih, W_hh, b_ih, b_hh):
    # embedding lookup (gather) -> SparseCore-friendly
    embedded = jnp.take(embedding_matrix, x, axis=0)  # [B, T, E]
    h, c = _lstm(embedded, W_ih, W_hh, b_ih, b_hh)
    hidden = h[None, :, :]  # [1, B, H] to match torch (num_layers, B, H)
    cell = c[None, :, :]
    return (hidden, cell)

if __name__ == "__main__":
    import jax
    _d = setup_inputs()
    print(jax.jit(kernel)(*tuple(_d.values())))

</pallas_src>

<mosaic_0001>
#map = affine_map<(d0, d1) -> (0, 0)>
#map1 = affine_map<(d0, d1) -> (0, 0, 0)>
module attributes {stable_mosaic.version = 14 : i64} {
  func.func @gather_kernel(%arg0: i32, %arg1: i32, %arg2: memref<100000x128xf32, #tpu.memory_space<hbm>>, %arg3: memref<32x10x80xi32, #tpu.memory_space<hbm>>, %arg4: memref<25600x128xf32, #tpu.memory_space<hbm>>, %arg5: memref<10x80xi32, #tpu.memory_space<vmem>>, %arg6: memref<80x128xf32, #tpu.memory_space<vmem>>, %arg7: memref<80x128xf32, #tpu.memory_space<vmem>>, %arg8: memref<80x128xf32, #tpu.memory_space<vmem>>, %arg9: memref<80x128xf32, #tpu.memory_space<vmem>>, %arg10: memref<!tpu.dma_semaphore, #tpu.memory_space<semaphore_mem>>, %arg11: memref<!tpu.dma_semaphore, #tpu.memory_space<semaphore_mem>>, %arg12: memref<!tpu.dma_semaphore, #tpu.memory_space<semaphore_mem>>, %arg13: memref<!tpu.dma_semaphore, #tpu.memory_space<semaphore_mem>>, %arg14: memref<!tpu.dma_semaphore, #tpu.memory_space<semaphore_mem>>, %arg15: memref<!tpu.dma_semaphore, #tpu.memory_space<semaphore_mem>>, %arg16: memref<!tpu.dma_semaphore, #tpu.memory_space<semaphore_mem>>, %arg17: memref<!tpu.dma_semaphore, #tpu.memory_space<semaphore_mem>>) attributes {dimension_semantics = [#tpu.dimension_semantics<core_parallel>, #tpu.dimension_semantics<subcore_parallel>], iteration_bounds = array<i64: 2, 16>, scalar_prefetch = 0 : i64, scratch_operands = 13 : i64, tpu.core_type = #tpu.core_type<sc_vector_subcore>, window_params = [{transform_indices = #map}, {transform_indices = #map1}, {transform_indices = #map}]} {
    %mul3A = arith.constant 2 : i32
    %mul3A_0 = arith.muli %arg1, %mul3A : i32
    %add3A = arith.addi %mul3A_0, %arg0 : i32
    %mul3A_1 = arith.constant 800 : i32
    %mul3A_2 = arith.muli %add3A, %mul3A_1 : i32
    "tpu.region"() ({
      %run_scoped3A = tpu.sem_alloc : memref<!tpu.dma_semaphore, #tpu.memory_space<semaphore_mem>>
      %dma_start3A_241 = arith.constant 0 : i32
      %dma_start3A_242 = arith.constant 0 : i32
      %dma_start3A_243 = tpu.memref_slice %arg3[%add3A, %dma_start3A_241, %dma_start3A_242] : memref<32x10x80xi32, #tpu.memory_space<hbm>> -> memref<1x10x80xi32, #tpu.memory_space<hbm>>
      %dma_start3A_244 = tpu.memref_squeeze %dma_start3A_243 : memref<1x10x80xi32, #tpu.memory_space<hbm>> -> memref<10x80xi32, #tpu.memory_space<hbm>>
      %dma_start3A_245 = arith.constant 0 : i32
      %dma_start3A_246 = arith.constant 0 : i32
      %dma_start3A_247 = tpu.memref_slice %arg3[%add3A, %dma_start3A_245, %dma_start3A_246] : memref<32x10x80xi32, #tpu.memory_space<hbm>> -> memref<1x10x80xi32, #tpu.memory_space<hbm>>
      %dma_start3A_248 = tpu.memref_squeeze %dma_start3A_247 : memref<1x10x80xi32, #tpu.memory_space<hbm>> -> memref<10x80xi32, #tpu.memory_space<hbm>>
      tpu.enqueue_dma source(%dma_start3A_248 : memref<10x80xi32, #tpu.memory_space<hbm>>) target(%arg5 : memref<10x80xi32, #tpu.memory_space<vmem>>) target_semaphore(%run_scoped3A : memref<!tpu.dma_semaphore, #tpu.memory_space<semaphore_mem>>)
      %dma_wait3A_249 = arith.constant 0 : i32
      %dma_wait3A_250 = arith.constant 0 : i32
      %dma_wait3A_251 = tpu.memref_slice %arg3[%add3A, %dma_wait3A_249, %dma_wait3A_250] : memref<32x10x80xi32, #tpu.memory_space<hbm>> -> memref<1x10x80xi32, #tpu.memory_space<hbm>>
      %dma_wait3A_252 = tpu.memref_squeeze %dma_wait3A_251 : memref<1x10x80xi32, #tpu.memory_space<hbm>> -> memref<10x80xi32, #tpu.memory_space<hbm>>
      %dma_wait3A_253 = arith.constant 0 : i32
      %dma_wait3A_254 = arith.constant 0 : i32
      %dma_wait3A_255 = tpu.memref_slice %arg3[%add3A, %dma_wait3A_253, %dma_wait3A_254] : memref<32x10x80xi32, #tpu.memory_space<hbm>> -> memref<1x10x80xi32, #tpu.memory_space<hbm>>
      %dma_wait3A_256 = tpu.memref_squeeze %dma_wait3A_255 : memref<1x10x80xi32, #tpu.memory_space<hbm>> -> memref<10x80xi32, #tpu.memory_space<hbm>>
      tpu.wait_dma2 semaphore(%run_scoped3A : memref<!tpu.dma_semaphore, #tpu.memory_space<semaphore_mem>>) src(%dma_wait3A_256 : memref<10x80xi32, #tpu.memory_space<hbm>>) dst(%arg5 : memref<10x80xi32, #tpu.memory_space<vmem>>)
      tpu.yield
    }) : () -> ()
    %dma_start3A = arith.constant 0 : i32
    %dma_start3A_3 = arith.constant 0 : i32
    %dma_start3A_4 = tpu.memref_slice %arg5[%dma_start3A, %dma_start3A_3] : memref<10x80xi32, #tpu.memory_space<vmem>> -> memref<1x80xi32, #tpu.memory_space<vmem>>
    %dma_start3A_5 = tpu.memref_squeeze %dma_start3A_4 : memref<1x80xi32, #tpu.memory_space<vmem>> -> memref<80xi32, #tpu.memory_space<vmem>>
    %dma_start3A_6 = arith.constant 0 : i32
    %dma_start3A_7 = arith.constant 0 : i32
    %dma_start3A_8 = tpu.memref_slice %arg2[%dma_start3A_6, %dma_start3A_7] : memref<100000x128xf32, #tpu.memory_space<hbm>> -> memref<100000x128xf32, #tpu.memory_space<hbm>>
    tpu.enqueue_indirect_dma source(%dma_start3A_8 : memref<100000x128xf32, #tpu.memory_space<hbm>>) target(%arg6 : memref<80x128xf32, #tpu.memory_space<vmem>>) offsets(%dma_start3A_5 : memref<80xi32, #tpu.memory_space<vmem>>) semaphore(%arg10 : memref<!tpu.dma_semaphore, #tpu.memory_space<semaphore_mem>>)
    %dma_start3A_9 = arith.constant 1 : i32
    %dma_start3A_10 = arith.constant 0 : i32
    %dma_start3A_11 = tpu.memref_slice %arg5[%dma_start3A_9, %dma_start3A_10] : memref<10x80xi32, #tpu.memory_space<vmem>> -> memref<1x80xi32, #tpu.memory_space<vmem>>
    %dma_start3A_12 = tpu.memref_squeeze %dma_start3A_11 : memref<1x80xi32, #tpu.memory_space<vmem>> -> memref<80xi32, #tpu.memory_space<vmem>>
    %dma_start3A_13 = arith.constant 0 : i32
    %dma_start3A_14 = arith.constant 0 : i32
    %dma_start3A_15 = tpu.memref_slice %arg2[%dma_start3A_13, %dma_start3A_14] : memref<100000x128xf32, #tpu.memory_space<hbm>> -> memref<100000x128xf32, #tpu.memory_space<hbm>>
    tpu.enqueue_indirect_dma source(%dma_start3A_15 : memref<100000x128xf32, #tpu.memory_space<hbm>>) target(%arg7 : memref<80x128xf32, #tpu.memory_space<vmem>>) offsets(%dma_start3A_12 : memref<80xi32, #tpu.memory_space<vmem>>) semaphore(%arg11 : memref<!tpu.dma_semaphore, #tpu.memory_space<semaphore_mem>>)
    %dma_start3A_16 = arith.constant 2 : i32
    %dma_start3A_17 = arith.constant 0 : i32
    %dma_start3A_18 = tpu.memref_slice %arg5[%dma_start3A_16, %dma_start3A_17] : memref<10x80xi32, #tpu.memory_space<vmem>> -> memref<1x80xi32, #tpu.memory_space<vmem>>
    %dma_start3A_19 = tpu.memref_squeeze %dma_start3A_18 : memref<1x80xi32, #tpu.memory_space<vmem>> -> memref<80xi32, #tpu.memory_space<vmem>>
    %dma_start3A_20 = arith.constant 0 : i32
    %dma_start3A_21 = arith.constant 0 : i32
    %dma_start3A_22 = tpu.memref_slice %arg2[%dma_start3A_20, %dma_start3A_21] : memref<100000x128xf32, #tpu.memory_space<hbm>> -> memref<100000x128xf32, #tpu.memory_space<hbm>>
    tpu.enqueue_indirect_dma source(%dma_start3A_22 : memref<100000x128xf32, #tpu.memory_space<hbm>>) target(%arg8 : memref<80x128xf32, #tpu.memory_space<vmem>>) offsets(%dma_start3A_19 : memref<80xi32, #tpu.memory_space<vmem>>) semaphore(%arg12 : memref<!tpu.dma_semaphore, #tpu.memory_space<semaphore_mem>>)
    %dma_start3A_23 = arith.constant 3 : i32
    %dma_start3A_24 = arith.constant 0 : i32
    %dma_start3A_25 = tpu.memref_slice %arg5[%dma_start3A_23, %dma_start3A_24] : memref<10x80xi32, #tpu.memory_space<vmem>> -> memref<1x80xi32, #tpu.memory_space<vmem>>
    %dma_start3A_26 = tpu.memref_squeeze %dma_start3A_25 : memref<1x80xi32, #tpu.memory_space<vmem>> -> memref<80xi32, #tpu.memory_space<vmem>>
    %dma_start3A_27 = arith.constant 0 : i32
    %dma_start3A_28 = arith.constant 0 : i32
    %dma_start3A_29 = tpu.memref_slice %arg2[%dma_start3A_27, %dma_start3A_28] : memref<100000x128xf32, #tpu.memory_space<hbm>> -> memref<100000x128xf32, #tpu.memory_space<hbm>>
    tpu.enqueue_indirect_dma source(%dma_start3A_29 : memref<100000x128xf32, #tpu.memory_space<hbm>>) target(%arg9 : memref<80x128xf32, #tpu.memory_space<vmem>>) offsets(%dma_start3A_26 : memref<80xi32, #tpu.memory_space<vmem>>) semaphore(%arg13 : memref<!tpu.dma_semaphore, #tpu.memory_space<semaphore_mem>>)
    %dma_wait3A = arith.constant 0 : i32
    %dma_wait3A_30 = arith.constant 0 : i32
    %dma_wait3A_31 = tpu.memref_slice %arg5[%dma_wait3A, %dma_wait3A_30] : memref<10x80xi32, #tpu.memory_space<vmem>> -> memref<1x80xi32, #tpu.memory_space<vmem>>
    %dma_wait3A_32 = tpu.memref_squeeze %dma_wait3A_31 : memref<1x80xi32, #tpu.memory_space<vmem>> -> memref<80xi32, #tpu.memory_space<vmem>>
    %dma_wait3A_33 = arith.constant 0 : i32
    %dma_wait3A_34 = arith.constant 0 : i32
    %dma_wait3A_35 = tpu.memref_slice %arg2[%dma_wait3A_33, %dma_wait3A_34] : memref<100000x128xf32, #tpu.memory_space<hbm>> -> memref<100000x128xf32, #tpu.memory_space<hbm>>
    tpu.wait_indirect_dma semaphore(%arg10 : memref<!tpu.dma_semaphore, #tpu.memory_space<semaphore_mem>>) src(%dma_wait3A_35 : memref<100000x128xf32, #tpu.memory_space<hbm>>) dst(%arg6 : memref<80x128xf32, #tpu.memory_space<vmem>>)
    %add3A_36 = arith.constant 0 : i32
    %add3A_37 = arith.addi %mul3A_2, %add3A_36 : i32
    %dma_start3A_38 = arith.constant 0 : i32
    %dma_start3A_39 = tpu.memref_slice %arg4[%add3A_37, %dma_start3A_38] : memref<25600x128xf32, #tpu.memory_space<hbm>> -> memref<80x128xf32, #tpu.memory_space<hbm>>
    %dma_start3A_40 = arith.constant 0 : i32
    %dma_start3A_41 = tpu.memref_slice %arg4[%add3A_37, %dma_start3A_40] : memref<25600x128xf32, #tpu.memory_space<hbm>> -> memref<80x128xf32, #tpu.memory_space<hbm>>
    tpu.enqueue_dma source(%arg6 : memref<80x128xf32, #tpu.memory_space<vmem>>) target(%dma_start3A_41 : memref<80x128xf32, #tpu.memory_space<hbm>>) target_semaphore(%arg14 : memref<!tpu.dma_semaphore, #tpu.memory_space<semaphore_mem>>)
    %dma_wait3A_42 = arith.constant 0 : i32
    %dma_wait3A_43 = tpu.memref_slice %arg4[%add3A_37, %dma_wait3A_42] : memref<25600x128xf32, #tpu.memory_space<hbm>> -> memref<80x128xf32, #tpu.memory_space<hbm>>
    %dma_wait3A_44 = arith.constant 0 : i32
    %dma_wait3A_45 = tpu.memref_slice %arg4[%add3A_37, %dma_wait3A_44] : memref<25600x128xf32, #tpu.memory_space<hbm>> -> memref<80x128xf32, #tpu.memory_space<hbm>>
    tpu.wait_dma2 semaphore(%arg14 : memref<!tpu.dma_semaphore, #tpu.memory_space<semaphore_mem>>) src(%arg6 : memref<80x128xf32, #tpu.memory_space<vmem>>) dst(%dma_wait3A_45 : memref<80x128xf32, #tpu.memory_space<hbm>>)
    %dma_start3A_46 = arith.constant 4 : i32
    %dma_start3A_47 = arith.constant 0 : i32
    %dma_start3A_48 = tpu.memref_slice %arg5[%dma_start3A_46, %dma_start3A_47] : memref<10x80xi32, #tpu.memory_space<vmem>> -> memref<1x80xi32, #tpu.memory_space<vmem>>
    %dma_start3A_49 = tpu.memref_squeeze %dma_start3A_48 : memref<1x80xi32, #tpu.memory_space<vmem>> -> memref<80xi32, #tpu.memory_space<vmem>>
    %dma_start3A_50 = arith.constant 0 : i32
    %dma_start3A_51 = arith.constant 0 : i32
    %dma_start3A_52 = tpu.memref_slice %arg2[%dma_start3A_50, %dma_start3A_51] : memref<100000x128xf32, #tpu.memory_space<hbm>> -> memref<100000x128xf32, #tpu.memory_space<hbm>>
    tpu.enqueue_indirect_dma source(%dma_start3A_52 : memref<100000x128xf32, #tpu.memory_space<hbm>>) target(%arg6 : memref<80x128xf32, #tpu.memory_space<vmem>>) offsets(%dma_start3A_49 : memref<80xi32, #tpu.memory_space<vmem>>) semaphore(%arg10 : memref<!tpu.dma_semaphore, #tpu.memory_space<semaphore_mem>>)
    %dma_wait3A_53 = arith.constant 1 : i32
    %dma_wait3A_54 = arith.constant 0 : i32
    %dma_wait3A_55 = tpu.memref_slice %arg5[%dma_wait3A_53, %dma_wait3A_54] : memref<10x80xi32, #tpu.memory_space<vmem>> -> memref<1x80xi32, #tpu.memory_space<vmem>>
    %dma_wait3A_56 = tpu.memref_squeeze %dma_wait3A_55 : memref<1x80xi32, #tpu.memory_space<vmem>> -> memref<80xi32, #tpu.memory_space<vmem>>
    %dma_wait3A_57 = arith.constant 0 : i32
    %dma_wait3A_58 = arith.constant 0 : i32
    %dma_wait3A_59 = tpu.memref_slice %arg2[%dma_wait3A_57, %dma_wait3A_58] : memref<100000x128xf32, #tpu.memory_space<hbm>> -> memref<100000x128xf32, #tpu.memory_space<hbm>>
    tpu.wait_indirect_dma semaphore(%arg11 : memref<!tpu.dma_semaphore, #tpu.memory_space<semaphore_mem>>) src(%dma_wait3A_59 : memref<100000x128xf32, #tpu.memory_space<hbm>>) dst(%arg7 : memref<80x128xf32, #tpu.memory_space<vmem>>)
    %add3A_60 = arith.constant 80 : i32
    %add3A_61 = arith.addi %mul3A_2, %add3A_60 : i32
    %dma_start3A_62 = arith.constant 0 : i32
    %dma_start3A_63 = tpu.memref_slice %arg4[%add3A_61, %dma_start3A_62] : memref<25600x128xf32, #tpu.memory_space<hbm>> -> memref<80x128xf32, #tpu.memory_space<hbm>>
    %dma_start3A_64 = arith.constant 0 : i32
    %dma_start3A_65 = tpu.memref_slice %arg4[%add3A_61, %dma_start3A_64] : memref<25600x128xf32, #tpu.memory_space<hbm>> -> memref<80x128xf32, #tpu.memory_space<hbm>>
    tpu.enqueue_dma source(%arg7 : memref<80x128xf32, #tpu.memory_space<vmem>>) target(%dma_start3A_65 : memref<80x128xf32, #tpu.memory_space<hbm>>) target_semaphore(%arg15 : memref<!tpu.dma_semaphore, #tpu.memory_space<semaphore_mem>>)
    %dma_wait3A_66 = arith.constant 0 : i32
    %dma_wait3A_67 = tpu.memref_slice %arg4[%add3A_61, %dma_wait3A_66] : memref<25600x128xf32, #tpu.memory_space<hbm>> -> memref<80x128xf32, #tpu.memory_space<hbm>>
    %dma_wait3A_68 = arith.constant 0 : i32
    %dma_wait3A_69 = tpu.memref_slice %arg4[%add3A_61, %dma_wait3A_68] : memref<25600x128xf32, #tpu.memory_space<hbm>> -> memref<80x128xf32, #tpu.memory_space<hbm>>
    tpu.wait_dma2 semaphore(%arg15 : memref<!tpu.dma_semaphore, #tpu.memory_space<semaphore_mem>>) src(%arg7 : memref<80x128xf32, #tpu.memory_space<vmem>>) dst(%dma_wait3A_69 : memref<80x128xf32, #tpu.memory_space<hbm>>)
    %dma_start3A_70 = arith.constant 5 : i32
    %dma_start3A_71 = arith.constant 0 : i32
    %dma_start3A_72 = tpu.memref_slice %arg5[%dma_start3A_70, %dma_start3A_71] : memref<10x80xi32, #tpu.memory_space<vmem>> -> memref<1x80xi32, #tpu.memory_space<vmem>>
    %dma_start3A_73 = tpu.memref_squeeze %dma_start3A_72 : memref<1x80xi32, #tpu.memory_space<vmem>> -> memref<80xi32, #tpu.memory_space<vmem>>
    %dma_start3A_74 = arith.constant 0 : i32
    %dma_start3A_75 = arith.constant 0 : i32
    %dma_start3A_76 = tpu.memref_slice %arg2[%dma_start3A_74, %dma_start3A_75] : memref<100000x128xf32, #tpu.memory_space<hbm>> -> memref<100000x128xf32, #tpu.memory_space<hbm>>
    tpu.enqueue_indirect_dma source(%dma_start3A_76 : memref<100000x128xf32, #tpu.memory_space<hbm>>) target(%arg7 : memref<80x128xf32, #tpu.memory_space<vmem>>) offsets(%dma_start3A_73 : memref<80xi32, #tpu.memory_space<vmem>>) semaphore(%arg11 : memref<!tpu.dma_semaphore, #tpu.memory_space<semaphore_mem>>)
    %dma_wait3A_77 = arith.constant 2 : i32
    %dma_wait3A_78 = arith.constant 0 : i32
    %dma_wait3A_79 = tpu.memref_slice %arg5[%dma_wait3A_77, %dma_wait3A_78] : memref<10x80xi32, #tpu.memory_space<vmem>> -> memref<1x80xi32, #tpu.memory_space<vmem>>
    %dma_wait3A_80 = tpu.memref_squeeze %dma_wait3A_79 : memref<1x80xi32, #tpu.memory_space<vmem>> -> memref<80xi32, #tpu.memory_space<vmem>>
    %dma_wait3A_81 = arith.constant 0 : i32
    %dma_wait3A_82 = arith.constant 0 : i32
    %dma_wait3A_83 = tpu.memref_slice %arg2[%dma_wait3A_81, %dma_wait3A_82] : memref<100000x128xf32, #tpu.memory_space<hbm>> -> memref<100000x128xf32, #tpu.memory_space<hbm>>
    tpu.wait_indirect_dma semaphore(%arg12 : memref<!tpu.dma_semaphore, #tpu.memory_space<semaphore_mem>>) src(%dma_wait3A_83 : memref<100000x128xf32, #tpu.memory_space<hbm>>) dst(%arg8 : memref<80x128xf32, #tpu.memory_space<vmem>>)
    %add3A_84 = arith.constant 160 : i32
    %add3A_85 = arith.addi %mul3A_2, %add3A_84 : i32
    %dma_start3A_86 = arith.constant 0 : i32
    %dma_start3A_87 = tpu.memref_slice %arg4[%add3A_85, %dma_start3A_86] : memref<25600x128xf32, #tpu.memory_space<hbm>> -> memref<80x128xf32, #tpu.memory_space<hbm>>
    %dma_start3A_88 = arith.constant 0 : i32
    %dma_start3A_89 = tpu.memref_slice %arg4[%add3A_85, %dma_start3A_88] : memref<25600x128xf32, #tpu.memory_space<hbm>> -> memref<80x128xf32, #tpu.memory_space<hbm>>
    tpu.enqueue_dma source(%arg8 : memref<80x128xf32, #tpu.memory_space<vmem>>) target(%dma_start3A_89 : memref<80x128xf32, #tpu.memory_space<hbm>>) target_semaphore(%arg16 : memref<!tpu.dma_semaphore, #tpu.memory_space<semaphore_mem>>)
    %dma_wait3A_90 = arith.constant 0 : i32
    %dma_wait3A_91 = tpu.memref_slice %arg4[%add3A_85, %dma_wait3A_90] : memref<25600x128xf32, #tpu.memory_space<hbm>> -> memref<80x128xf32, #tpu.memory_space<hbm>>
    %dma_wait3A_92 = arith.constant 0 : i32
    %dma_wait3A_93 = tpu.memref_slice %arg4[%add3A_85, %dma_wait3A_92] : memref<25600x128xf32, #tpu.memory_space<hbm>> -> memref<80x128xf32, #tpu.memory_space<hbm>>
    tpu.wait_dma2 semaphore(%arg16 : memref<!tpu.dma_semaphore, #tpu.memory_space<semaphore_mem>>) src(%arg8 : memref<80x128xf32, #tpu.memory_space<vmem>>) dst(%dma_wait3A_93 : memref<80x128xf32, #tpu.memory_space<hbm>>)
    %dma_start3A_94 = arith.constant 6 : i32
    %dma_start3A_95 = arith.constant 0 : i32
    %dma_start3A_96 = tpu.memref_slice %arg5[%dma_start3A_94, %dma_start3A_95] : memref<10x80xi32, #tpu.memory_space<vmem>> -> memref<1x80xi32, #tpu.memory_space<vmem>>
    %dma_start3A_97 = tpu.memref_squeeze %dma_start3A_96 : memref<1x80xi32, #tpu.memory_space<vmem>> -> memref<80xi32, #tpu.memory_space<vmem>>
    %dma_start3A_98 = arith.constant 0 : i32
    %dma_start3A_99 = arith.constant 0 : i32
    %dma_start3A_100 = tpu.memref_slice %arg2[%dma_start3A_98, %dma_start3A_99] : memref<100000x128xf32, #tpu.memory_space<hbm>> -> memref<100000x128xf32, #tpu.memory_space<hbm>>
    tpu.enqueue_indirect_dma source(%dma_start3A_100 : memref<100000x128xf32, #tpu.memory_space<hbm>>) target(%arg8 : memref<80x128xf32, #tpu.memory_space<vmem>>) offsets(%dma_start3A_97 : memref<80xi32, #tpu.memory_space<vmem>>) semaphore(%arg12 : memref<!tpu.dma_semaphore, #tpu.memory_space<semaphore_mem>>)
    %dma_wait3A_101 = arith.constant 3 : i32
    %dma_wait3A_102 = arith.constant 0 : i32
    %dma_wait3A_103 = tpu.memref_slice %arg5[%dma_wait3A_101, %dma_wait3A_102] : memref<10x80xi32, #tpu.memory_space<vmem>> -> memref<1x80xi32, #tpu.memory_space<vmem>>
    %dma_wait3A_104 = tpu.memref_squeeze %dma_wait3A_103 : memref<1x80xi32, #tpu.memory_space<vmem>> -> memref<80xi32, #tpu.memory_space<vmem>>
    %dma_wait3A_105 = arith.constant 0 : i32
    %dma_wait3A_106 = arith.constant 0 : i32
    %dma_wait3A_107 = tpu.memref_slice %arg2[%dma_wait3A_105, %dma_wait3A_106] : memref<100000x128xf32, #tpu.memory_space<hbm>> -> memref<100000x128xf32, #tpu.memory_space<hbm>>
    tpu.wait_indirect_dma semaphore(%arg13 : memref<!tpu.dma_semaphore, #tpu.memory_space<semaphore_mem>>) src(%dma_wait3A_107 : memref<100000x128xf32, #tpu.memory_space<hbm>>) dst(%arg9 : memref<80x128xf32, #tpu.memory_space<vmem>>)
    %add3A_108 = arith.constant 240 : i32
    %add3A_109 = arith.addi %mul3A_2, %add3A_108 : i32
    %dma_start3A_110 = arith.constant 0 : i32
    %dma_start3A_111 = tpu.memref_slice %arg4[%add3A_109, %dma_start3A_110] : memref<25600x128xf32, #tpu.memory_space<hbm>> -> memref<80x128xf32, #tpu.memory_space<hbm>>
    %dma_start3A_112 = arith.constant 0 : i32
    %dma_start3A_113 = tpu.memref_slice %arg4[%add3A_109, %dma_start3A_112] : memref<25600x128xf32, #tpu.memory_space<hbm>> -> memref<80x128xf32, #tpu.memory_space<hbm>>
    tpu.enqueue_dma source(%arg9 : memref<80x128xf32, #tpu.memory_space<vmem>>) target(%dma_start3A_113 : memref<80x128xf32, #tpu.memory_space<hbm>>) target_semaphore(%arg17 : memref<!tpu.dma_semaphore, #tpu.memory_space<semaphore_mem>>)
    %dma_wait3A_114 = arith.constant 0 : i32
    %dma_wait3A_115 = tpu.memref_slice %arg4[%add3A_109, %dma_wait3A_114] : memref<25600x128xf32, #tpu.memory_space<hbm>> -> memref<80x128xf32, #tpu.memory_space<hbm>>
    %dma_wait3A_116 = arith.constant 0 : i32
    %dma_wait3A_117 = tpu.memref_slice %arg4[%add3A_109, %dma_wait3A_116] : memref<25600x128xf32, #tpu.memory_space<hbm>> -> memref<80x128xf32, #tpu.memory_space<hbm>>
    tpu.wait_dma2 semaphore(%arg17 : memref<!tpu.dma_semaphore, #tpu.memory_space<semaphore_mem>>) src(%arg9 : memref<80x128xf32, #tpu.memory_space<vmem>>) dst(%dma_wait3A_117 : memref<80x128xf32, #tpu.memory_space<hbm>>)
    %dma_start3A_118 = arith.constant 7 : i32
    %dma_start3A_119 = arith.constant 0 : i32
    %dma_start3A_120 = tpu.memref_slice %arg5[%dma_start3A_118, %dma_start3A_119] : memref<10x80xi32, #tpu.memory_space<vmem>> -> memref<1x80xi32, #tpu.memory_space<vmem>>
    %dma_start3A_121 = tpu.memref_squeeze %dma_start3A_120 : memref<1x80xi32, #tpu.memory_space<vmem>> -> memref<80xi32, #tpu.memory_space<vmem>>
    %dma_start3A_122 = arith.constant 0 : i32
    %dma_start3A_123 = arith.constant 0 : i32
    %dma_start3A_124 = tpu.memref_slice %arg2[%dma_start3A_122, %dma_start3A_123] : memref<100000x128xf32, #tpu.memory_space<hbm>> -> memref<100000x128xf32, #tpu.memory_space<hbm>>
    tpu.enqueue_indirect_dma source(%dma_start3A_124 : memref<100000x128xf32, #tpu.memory_space<hbm>>) target(%arg9 : memref<80x128xf32, #tpu.memory_space<vmem>>) offsets(%dma_start3A_121 : memref<80xi32, #tpu.memory_space<vmem>>) semaphore(%arg13 : memref<!tpu.dma_semaphore, #tpu.memory_space<semaphore_mem>>)
    %dma_wait3A_125 = arith.constant 4 : i32
    %dma_wait3A_126 = arith.constant 0 : i32
    %dma_wait3A_127 = tpu.memref_slice %arg5[%dma_wait3A_125, %dma_wait3A_126] : memref<10x80xi32, #tpu.memory_space<vmem>> -> memref<1x80xi32, #tpu.memory_space<vmem>>
    %dma_wait3A_128 = tpu.memref_squeeze %dma_wait3A_127 : memref<1x80xi32, #tpu.memory_space<vmem>> -> memref<80xi32, #tpu.memory_space<vmem>>
    %dma_wait3A_129 = arith.constant 0 : i32
    %dma_wait3A_130 = arith.constant 0 : i32
    %dma_wait3A_131 = tpu.memref_slice %arg2[%dma_wait3A_129, %dma_wait3A_130] : memref<100000x128xf32, #tpu.memory_space<hbm>> -> memref<100000x128xf32, #tpu.memory_space<hbm>>
    tpu.wait_indirect_dma semaphore(%arg10 : memref<!tpu.dma_semaphore, #tpu.memory_space<semaphore_mem>>) src(%dma_wait3A_131 : memref<100000x128xf32, #tpu.memory_space<hbm>>) dst(%arg6 : memref<80x128xf32, #tpu.memory_space<vmem>>)
    %add3A_132 = arith.constant 320 : i32
    %add3A_133 = arith.addi %mul3A_2, %add3A_132 : i32
    %dma_start3A_134 = arith.constant 0 : i32
    %dma_start3A_135 = tpu.memref_slice %arg4[%add3A_133, %dma_start3A_134] : memref<25600x128xf32, #tpu.memory_space<hbm>> -> memref<80x128xf32, #tpu.memory_space<hbm>>
    %dma_start3A_136 = arith.constant 0 : i32
    %dma_start3A_137 = tpu.memref_slice %arg4[%add3A_133, %dma_start3A_136] : memref<25600x128xf32, #tpu.memory_space<hbm>> -> memref<80x128xf32, #tpu.memory_space<hbm>>
    tpu.enqueue_dma source(%arg6 : memref<80x128xf32, #tpu.memory_space<vmem>>) target(%dma_start3A_137 : memref<80x128xf32, #tpu.memory_space<hbm>>) target_semaphore(%arg14 : memref<!tpu.dma_semaphore, #tpu.memory_space<semaphore_mem>>)
    %dma_wait3A_138 = arith.constant 0 : i32
    %dma_wait3A_139 = tpu.memref_slice %arg4[%add3A_133, %dma_wait3A_138] : memref<25600x128xf32, #tpu.memory_space<hbm>> -> memref<80x128xf32, #tpu.memory_space<hbm>>
    %dma_wait3A_140 = arith.constant 0 : i32
    %dma_wait3A_141 = tpu.memref_slice %arg4[%add3A_133, %dma_wait3A_140] : memref<25600x128xf32, #tpu.memory_space<hbm>> -> memref<80x128xf32, #tpu.memory_space<hbm>>
    tpu.wait_dma2 semaphore(%arg14 : memref<!tpu.dma_semaphore, #tpu.memory_space<semaphore_mem>>) src(%arg6 : memref<80x128xf32, #tpu.memory_space<vmem>>) dst(%dma_wait3A_141 : memref<80x128xf32, #tpu.memory_space<hbm>>)
    %dma_start3A_142 = arith.constant 8 : i32
    %dma_start3A_143 = arith.constant 0 : i32
    %dma_start3A_144 = tpu.memref_slice %arg5[%dma_start3A_142, %dma_start3A_143] : memref<10x80xi32, #tpu.memory_space<vmem>> -> memref<1x80xi32, #tpu.memory_space<vmem>>
    %dma_start3A_145 = tpu.memref_squeeze %dma_start3A_144 : memref<1x80xi32, #tpu.memory_space<vmem>> -> memref<80xi32, #tpu.memory_space<vmem>>
    %dma_start3A_146 = arith.constant 0 : i32
    %dma_start3A_147 = arith.constant 0 : i32
    %dma_start3A_148 = tpu.memref_slice %arg2[%dma_start3A_146, %dma_start3A_147] : memref<100000x128xf32, #tpu.memory_space<hbm>> -> memref<100000x128xf32, #tpu.memory_space<hbm>>
    tpu.enqueue_indirect_dma source(%dma_start3A_148 : memref<100000x128xf32, #tpu.memory_space<hbm>>) target(%arg6 : memref<80x128xf32, #tpu.memory_space<vmem>>) offsets(%dma_start3A_145 : memref<80xi32, #tpu.memory_space<vmem>>) semaphore(%arg10 : memref<!tpu.dma_semaphore, #tpu.memory_space<semaphore_mem>>)
    %dma_wait3A_149 = arith.constant 5 : i32
    %dma_wait3A_150 = arith.constant 0 : i32
    %dma_wait3A_151 = tpu.memref_slice %arg5[%dma_wait3A_149, %dma_wait3A_150] : memref<10x80xi32, #tpu.memory_space<vmem>> -> memref<1x80xi32, #tpu.memory_space<vmem>>
    %dma_wait3A_152 = tpu.memref_squeeze %dma_wait3A_151 : memref<1x80xi32, #tpu.memory_space<vmem>> -> memref<80xi32, #tpu.memory_space<vmem>>
    %dma_wait3A_153 = arith.constant 0 : i32
    %dma_wait3A_154 = arith.constant 0 : i32
    %dma_wait3A_155 = tpu.memref_slice %arg2[%dma_wait3A_153, %dma_wait3A_154] : memref<100000x128xf32, #tpu.memory_space<hbm>> -> memref<100000x128xf32, #tpu.memory_space<hbm>>
    tpu.wait_indirect_dma semaphore(%arg11 : memref<!tpu.dma_semaphore, #tpu.memory_space<semaphore_mem>>) src(%dma_wait3A_155 : memref<100000x128xf32, #tpu.memory_space<hbm>>) dst(%arg7 : memref<80x128xf32, #tpu.memory_space<vmem>>)
    %add3A_156 = arith.constant 400 : i32
    %add3A_157 = arith.addi %mul3A_2, %add3A_156 : i32
    %dma_start3A_158 = arith.constant 0 : i32
    %dma_start3A_159 = tpu.memref_slice %arg4[%add3A_157, %dma_start3A_158] : memref<25600x128xf32, #tpu.memory_space<hbm>> -> memref<80x128xf32, #tpu.memory_space<hbm>>
    %dma_start3A_160 = arith.constant 0 : i32
    %dma_start3A_161 = tpu.memref_slice %arg4[%add3A_157, %dma_start3A_160] : memref<25600x128xf32, #tpu.memory_space<hbm>> -> memref<80x128xf32, #tpu.memory_space<hbm>>
    tpu.enqueue_dma source(%arg7 : memref<80x128xf32, #tpu.memory_space<vmem>>) target(%dma_start3A_161 : memref<80x128xf32, #tpu.memory_space<hbm>>) target_semaphore(%arg15 : memref<!tpu.dma_semaphore, #tpu.memory_space<semaphore_mem>>)
    %dma_wait3A_162 = arith.constant 0 : i32
    %dma_wait3A_163 = tpu.memref_slice %arg4[%add3A_157, %dma_wait3A_162] : memref<25600x128xf32, #tpu.memory_space<hbm>> -> memref<80x128xf32, #tpu.memory_space<hbm>>
    %dma_wait3A_164 = arith.constant 0 : i32
    %dma_wait3A_165 = tpu.memref_slice %arg4[%add3A_157, %dma_wait3A_164] : memref<25600x128xf32, #tpu.memory_space<hbm>> -> memref<80x128xf32, #tpu.memory_space<hbm>>
    tpu.wait_dma2 semaphore(%arg15 : memref<!tpu.dma_semaphore, #tpu.memory_space<semaphore_mem>>) src(%arg7 : memref<80x128xf32, #tpu.memory_space<vmem>>) dst(%dma_wait3A_165 : memref<80x128xf32, #tpu.memory_space<hbm>>)
    %dma_start3A_166 = arith.constant 9 : i32
    %dma_start3A_167 = arith.constant 0 : i32
    %dma_start3A_168 = tpu.memref_slice %arg5[%dma_start3A_166, %dma_start3A_167] : memref<10x80xi32, #tpu.memory_space<vmem>> -> memref<1x80xi32, #tpu.memory_space<vmem>>
    %dma_start3A_169 = tpu.memref_squeeze %dma_start3A_168 : memref<1x80xi32, #tpu.memory_space<vmem>> -> memref<80xi32, #tpu.memory_space<vmem>>
    %dma_start3A_170 = arith.constant 0 : i32
    %dma_start3A_171 = arith.constant 0 : i32
    %dma_start3A_172 = tpu.memref_slice %arg2[%dma_start3A_170, %dma_start3A_171] : memref<100000x128xf32, #tpu.memory_space<hbm>> -> memref<100000x128xf32, #tpu.memory_space<hbm>>
    tpu.enqueue_indirect_dma source(%dma_start3A_172 : memref<100000x128xf32, #tpu.memory_space<hbm>>) target(%arg7 : memref<80x128xf32, #tpu.memory_space<vmem>>) offsets(%dma_start3A_169 : memref<80xi32, #tpu.memory_space<vmem>>) semaphore(%arg11 : memref<!tpu.dma_semaphore, #tpu.memory_space<semaphore_mem>>)
    %dma_wait3A_173 = arith.constant 6 : i32
    %dma_wait3A_174 = arith.constant 0 : i32
    %dma_wait3A_175 = tpu.memref_slice %arg5[%dma_wait3A_173, %dma_wait3A_174] : memref<10x80xi32, #tpu.memory_space<vmem>> -> memref<1x80xi32, #tpu.memory_space<vmem>>
    %dma_wait3A_176 = tpu.memref_squeeze %dma_wait3A_175 : memref<1x80xi32, #tpu.memory_space<vmem>> -> memref<80xi32, #tpu.memory_space<vmem>>
    %dma_wait3A_177 = arith.constant 0 : i32
    %dma_wait3A_178 = arith.constant 0 : i32
    %dma_wait3A_179 = tpu.memref_slice %arg2[%dma_wait3A_177, %dma_wait3A_178] : memref<100000x128xf32, #tpu.memory_space<hbm>> -> memref<100000x128xf32, #tpu.memory_space<hbm>>
    tpu.wait_indirect_dma semaphore(%arg12 : memref<!tpu.dma_semaphore, #tpu.memory_space<semaphore_mem>>) src(%dma_wait3A_179 : memref<100000x128xf32, #tpu.memory_space<hbm>>) dst(%arg8 : memref<80x128xf32, #tpu.memory_space<vmem>>)
    %add3A_180 = arith.constant 480 : i32
    %add3A_181 = arith.addi %mul3A_2, %add3A_180 : i32
    %dma_start3A_182 = arith.constant 0 : i32
    %dma_start3A_183 = tpu.memref_slice %arg4[%add3A_181, %dma_start3A_182] : memref<25600x128xf32, #tpu.memory_space<hbm>> -> memref<80x128xf32, #tpu.memory_space<hbm>>
    %dma_start3A_184 = arith.constant 0 : i32
    %dma_start3A_185 = tpu.memref_slice %arg4[%add3A_181, %dma_start3A_184] : memref<25600x128xf32, #tpu.memory_space<hbm>> -> memref<80x128xf32, #tpu.memory_space<hbm>>
    tpu.enqueue_dma source(%arg8 : memref<80x128xf32, #tpu.memory_space<vmem>>) target(%dma_start3A_185 : memref<80x128xf32, #tpu.memory_space<hbm>>) target_semaphore(%arg16 : memref<!tpu.dma_semaphore, #tpu.memory_space<semaphore_mem>>)
    %dma_wait3A_186 = arith.constant 7 : i32
    %dma_wait3A_187 = arith.constant 0 : i32
    %dma_wait3A_188 = tpu.memref_slice %arg5[%dma_wait3A_186, %dma_wait3A_187] : memref<10x80xi32, #tpu.memory_space<vmem>> -> memref<1x80xi32, #tpu.memory_space<vmem>>
    %dma_wait3A_189 = tpu.memref_squeeze %dma_wait3A_188 : memref<1x80xi32, #tpu.memory_space<vmem>> -> memref<80xi32, #tpu.memory_space<vmem>>
    %dma_wait3A_190 = arith.constant 0 : i32
    %dma_wait3A_191 = arith.constant 0 : i32
    %dma_wait3A_192 = tpu.memref_slice %arg2[%dma_wait3A_190, %dma_wait3A_191] : memref<100000x128xf32, #tpu.memory_space<hbm>> -> memref<100000x128xf32, #tpu.memory_space<hbm>>
    tpu.wait_indirect_dma semaphore(%arg13 : memref<!tpu.dma_semaphore, #tpu.memory_space<semaphore_mem>>) src(%dma_wait3A_192 : memref<100000x128xf32, #tpu.memory_space<hbm>>) dst(%arg9 : memref<80x128xf32, #tpu.memory_space<vmem>>)
    %add3A_193 = arith.constant 560 : i32
    %add3A_194 = arith.addi %mul3A_2, %add3A_193 : i32
    %dma_start3A_195 = arith.constant 0 : i32
    %dma_start3A_196 = tpu.memref_slice %arg4[%add3A_194, %dma_start3A_195] : memref<25600x128xf32, #tpu.memory_space<hbm>> -> memref<80x128xf32, #tpu.memory_space<hbm>>
    %dma_start3A_197 = arith.constant 0 : i32
    %dma_start3A_198 = tpu.memref_slice %arg4[%add3A_194, %dma_start3A_197] : memref<25600x128xf32, #tpu.memory_space<hbm>> -> memref<80x128xf32, #tpu.memory_space<hbm>>
    tpu.enqueue_dma source(%arg9 : memref<80x128xf32, #tpu.memory_space<vmem>>) target(%dma_start3A_198 : memref<80x128xf32, #tpu.memory_space<hbm>>) target_semaphore(%arg17 : memref<!tpu.dma_semaphore, #tpu.memory_space<semaphore_mem>>)
    %dma_wait3A_199 = arith.constant 8 : i32
    %dma_wait3A_200 = arith.constant 0 : i32
    %dma_wait3A_201 = tpu.memref_slice %arg5[%dma_wait3A_199, %dma_wait3A_200] : memref<10x80xi32, #tpu.memory_space<vmem>> -> memref<1x80xi32, #tpu.memory_space<vmem>>
    %dma_wait3A_202 = tpu.memref_squeeze %dma_wait3A_201 : memref<1x80xi32, #tpu.memory_space<vmem>> -> memref<80xi32, #tpu.memory_space<vmem>>
    %dma_wait3A_203 = arith.constant 0 : i32
    %dma_wait3A_204 = arith.constant 0 : i32
    %dma_wait3A_205 = tpu.memref_slice %arg2[%dma_wait3A_203, %dma_wait3A_204] : memref<100000x128xf32, #tpu.memory_space<hbm>> -> memref<100000x128xf32, #tpu.memory_space<hbm>>
    tpu.wait_indirect_dma semaphore(%arg10 : memref<!tpu.dma_semaphore, #tpu.memory_space<semaphore_mem>>) src(%dma_wait3A_205 : memref<100000x128xf32, #tpu.memory_space<hbm>>) dst(%arg6 : memref<80x128xf32, #tpu.memory_space<vmem>>)
    %add3A_206 = arith.constant 640 : i32
    %add3A_207 = arith.addi %mul3A_2, %add3A_206 : i32
    %dma_start3A_208 = arith.constant 0 : i32
    %dma_start3A_209 = tpu.memref_slice %arg4[%add3A_207, %dma_start3A_208] : memref<25600x128xf32, #tpu.memory_space<hbm>> -> memref<80x128xf32, #tpu.memory_space<hbm>>
    %dma_start3A_210 = arith.constant 0 : i32
    %dma_start3A_211 = tpu.memref_slice %arg4[%add3A_207, %dma_start3A_210] : memref<25600x128xf32, #tpu.memory_space<hbm>> -> memref<80x128xf32, #tpu.memory_space<hbm>>
    tpu.enqueue_dma source(%arg6 : memref<80x128xf32, #tpu.memory_space<vmem>>) target(%dma_start3A_211 : memref<80x128xf32, #tpu.memory_space<hbm>>) target_semaphore(%arg14 : memref<!tpu.dma_semaphore, #tpu.memory_space<semaphore_mem>>)
    %dma_wait3A_212 = arith.constant 9 : i32
    %dma_wait3A_213 = arith.constant 0 : i32
    %dma_wait3A_214 = tpu.memref_slice %arg5[%dma_wait3A_212, %dma_wait3A_213] : memref<10x80xi32, #tpu.memory_space<vmem>> -> memref<1x80xi32, #tpu.memory_space<vmem>>
    %dma_wait3A_215 = tpu.memref_squeeze %dma_wait3A_214 : memref<1x80xi32, #tpu.memory_space<vmem>> -> memref<80xi32, #tpu.memory_space<vmem>>
    %dma_wait3A_216 = arith.constant 0 : i32
    %dma_wait3A_217 = arith.constant 0 : i32
    %dma_wait3A_218 = tpu.memref_slice %arg2[%dma_wait3A_216, %dma_wait3A_217] : memref<100000x128xf32, #tpu.memory_space<hbm>> -> memref<100000x128xf32, #tpu.memory_space<hbm>>
    tpu.wait_indirect_dma semaphore(%arg11 : memref<!tpu.dma_semaphore, #tpu.memory_space<semaphore_mem>>) src(%dma_wait3A_218 : memref<100000x128xf32, #tpu.memory_space<hbm>>) dst(%arg7 : memref<80x128xf32, #tpu.memory_space<vmem>>)
    %add3A_219 = arith.constant 720 : i32
    %add3A_220 = arith.addi %mul3A_2, %add3A_219 : i32
    %dma_start3A_221 = arith.constant 0 : i32
    %dma_start3A_222 = tpu.memref_slice %arg4[%add3A_220, %dma_start3A_221] : memref<25600x128xf32, #tpu.memory_space<hbm>> -> memref<80x128xf32, #tpu.memory_space<hbm>>
    %dma_start3A_223 = arith.constant 0 : i32
    %dma_start3A_224 = tpu.memref_slice %arg4[%add3A_220, %dma_start3A_223] : memref<25600x128xf32, #tpu.memory_space<hbm>> -> memref<80x128xf32, #tpu.memory_space<hbm>>
    tpu.enqueue_dma source(%arg7 : memref<80x128xf32, #tpu.memory_space<vmem>>) target(%dma_start3A_224 : memref<80x128xf32, #tpu.memory_space<hbm>>) target_semaphore(%arg15 : memref<!tpu.dma_semaphore, #tpu.memory_space<semaphore_mem>>)
    %dma_wait3A_225 = arith.constant 0 : i32
    %dma_wait3A_226 = tpu.memref_slice %arg4[%add3A_181, %dma_wait3A_225] : memref<25600x128xf32, #tpu.memory_space<hbm>> -> memref<80x128xf32, #tpu.memory_space<hbm>>
    %dma_wait3A_227 = arith.constant 0 : i32
    %dma_wait3A_228 = tpu.memref_slice %arg4[%add3A_181, %dma_wait3A_227] : memref<25600x128xf32, #tpu.memory_space<hbm>> -> memref<80x128xf32, #tpu.memory_space<hbm>>
    tpu.wait_dma2 semaphore(%arg16 : memref<!tpu.dma_semaphore, #tpu.memory_space<semaphore_mem>>) src(%arg8 : memref<80x128xf32, #tpu.memory_space<vmem>>) dst(%dma_wait3A_228 : memref<80x128xf32, #tpu.memory_space<hbm>>)
    %dma_wait3A_229 = arith.constant 0 : i32
    %dma_wait3A_230 = tpu.memref_slice %arg4[%add3A_194, %dma_wait3A_229] : memref<25600x128xf32, #tpu.memory_space<hbm>> -> memref<80x128xf32, #tpu.memory_space<hbm>>
    %dma_wait3A_231 = arith.constant 0 : i32
    %dma_wait3A_232 = tpu.memref_slice %arg4[%add3A_194, %dma_wait3A_231] : memref<25600x128xf32, #tpu.memory_space<hbm>> -> memref<80x128xf32, #tpu.memory_space<hbm>>
    tpu.wait_dma2 semaphore(%arg17 : memref<!tpu.dma_semaphore, #tpu.memory_space<semaphore_mem>>) src(%arg9 : memref<80x128xf32, #tpu.memory_space<vmem>>) dst(%dma_wait3A_232 : memref<80x128xf32, #tpu.memory_space<hbm>>)
    %dma_wait3A_233 = arith.constant 0 : i32
    %dma_wait3A_234 = tpu.memref_slice %arg4[%add3A_207, %dma_wait3A_233] : memref<25600x128xf32, #tpu.memory_space<hbm>> -> memref<80x128xf32, #tpu.memory_space<hbm>>
    %dma_wait3A_235 = arith.constant 0 : i32
    %dma_wait3A_236 = tpu.memref_slice %arg4[%add3A_207, %dma_wait3A_235] : memref<25600x128xf32, #tpu.memory_space<hbm>> -> memref<80x128xf32, #tpu.memory_space<hbm>>
    tpu.wait_dma2 semaphore(%arg14 : memref<!tpu.dma_semaphore, #tpu.memory_space<semaphore_mem>>) src(%arg6 : memref<80x128xf32, #tpu.memory_space<vmem>>) dst(%dma_wait3A_236 : memref<80x128xf32, #tpu.memory_space<hbm>>)
    %dma_wait3A_237 = arith.constant 0 : i32
    %dma_wait3A_238 = tpu.memref_slice %arg4[%add3A_220, %dma_wait3A_237] : memref<25600x128xf32, #tpu.memory_space<hbm>> -> memref<80x128xf32, #tpu.memory_space<hbm>>
    %dma_wait3A_239 = arith.constant 0 : i32
    %dma_wait3A_240 = tpu.memref_slice %arg4[%add3A_220, %dma_wait3A_239] : memref<25600x128xf32, #tpu.memory_space<hbm>> -> memref<80x128xf32, #tpu.memory_space<hbm>>
    tpu.wait_dma2 semaphore(%arg15 : memref<!tpu.dma_semaphore, #tpu.memory_space<semaphore_mem>>) src(%arg7 : memref<80x128xf32, #tpu.memory_space<vmem>>) dst(%dma_wait3A_240 : memref<80x128xf32, #tpu.memory_space<hbm>>)
    return
  }
}

#map = affine_map<(d0, d1) -> (0, 0)>
#map1 = affine_map<(d0, d1) -> (0, 0, 0)>
module attributes {stable_mosaic.version = 14 : i64} {
  func.func @gather_kernel(%arg0: i32, %arg1: i32, %arg2: memref<100000x128xf32, #tpu.memory_space<hbm>>, %arg3: memref<32x10x80xi32, #tpu.memory_space<hbm>>, %arg4: memref<25600x128xf32, #tpu.memory_space<hbm>>, %arg5: memref<10x80xi32, #tpu.memory_space<vmem>>, %arg6: memref<80x128xf32, #tpu.memory_space<vmem>>, %arg7: memref<80x128xf32, #tpu.memory_space<vmem>>, %arg8: memref<80x128xf32, #tpu.memory_space<vmem>>, %arg9: memref<80x128xf32, #tpu.memory_space<vmem>>, %arg10: memref<!tpu.dma_semaphore, #tpu.memory_space<semaphore_mem>>, %arg11: memref<!tpu.dma_semaphore, #tpu.memory_space<semaphore_mem>>, %arg12: memref<!tpu.dma_semaphore, #tpu.memory_space<semaphore_mem>>, %arg13: memref<!tpu.dma_semaphore, #tpu.memory_space<semaphore_mem>>, %arg14: memref<!tpu.dma_semaphore, #tpu.memory_space<semaphore_mem>>, %arg15: memref<!tpu.dma_semaphore, #tpu.memory_space<semaphore_mem>>, %arg16: memref<!tpu.dma_semaphore, #tpu.memory_space<semaphore_mem>>, %arg17: memref<!tpu.dma_semaphore, #tpu.memory_space<semaphore_mem>>) attributes {dimension_semantics = [#tpu.dimension_semantics<core_parallel>, #tpu.dimension_semantics<subcore_parallel>], iteration_bounds = array<i64: 2, 16>, scalar_prefetch = 0 : i64, scratch_operands = 13 : i64, tpu.core_type = #tpu.core_type<sc_vector_subcore>, window_params = [{transform_indices = #map}, {transform_indices = #map1}, {transform_indices = #map}]} {
    %mul3A = arith.constant 2 : i32
    %mul3A_0 = arith.muli %arg1, %mul3A : i32
    %add3A = arith.addi %mul3A_0, %arg0 : i32
    %mul3A_1 = arith.constant 800 : i32
    %mul3A_2 = arith.muli %add3A, %mul3A_1 : i32
    "tpu.region"() ({
      %run_scoped3A = tpu.sem_alloc : memref<!tpu.dma_semaphore, #tpu.memory_space<semaphore_mem>>
      %dma_start3A_241 = arith.constant 0 : i32
      %dma_start3A_242 = arith.constant 0 : i32
      %dma_start3A_243 = tpu.memref_slice %arg3[%add3A, %dma_start3A_241, %dma_start3A_242] : memref<32x10x80xi32, #tpu.memory_space<hbm>> -> memref<1x10x80xi32, #tpu.memory_space<hbm>>
      %dma_start3A_244 = tpu.memref_squeeze %dma_start3A_243 : memref<1x10x80xi32, #tpu.memory_space<hbm>> -> memref<10x80xi32, #tpu.memory_space<hbm>>
      %dma_start3A_245 = arith.constant 0 : i32
      %dma_start3A_246 = arith.constant 0 : i32
      %dma_start3A_247 = tpu.memref_slice %arg3[%add3A, %dma_start3A_245, %dma_start3A_246] : memref<32x10x80xi32, #tpu.memory_space<hbm>> -> memref<1x10x80xi32, #tpu.memory_space<hbm>>
      %dma_start3A_248 = tpu.memref_squeeze %dma_start3A_247 : memref<1x10x80xi32, #tpu.memory_space<hbm>> -> memref<10x80xi32, #tpu.memory_space<hbm>>
      tpu.enqueue_dma source(%dma_start3A_248 : memref<10x80xi32, #tpu.memory_space<hbm>>) target(%arg5 : memref<10x80xi32, #tpu.memory_space<vmem>>) target_semaphore(%run_scoped3A : memref<!tpu.dma_semaphore, #tpu.memory_space<semaphore_mem>>)
      %dma_wait3A_249 = arith.constant 0 : i32
      %dma_wait3A_250 = arith.constant 0 : i32
      %dma_wait3A_251 = tpu.memref_slice %arg3[%add3A, %dma_wait3A_249, %dma_wait3A_250] : memref<32x10x80xi32, #tpu.memory_space<hbm>> -> memref<1x10x80xi32, #tpu.memory_space<hbm>>
      %dma_wait3A_252 = tpu.memref_squeeze %dma_wait3A_251 : memref<1x10x80xi32, #tpu.memory_space<hbm>> -> memref<10x80xi32, #tpu.memory_space<hbm>>
      %dma_wait3A_253 = arith.constant 0 : i32
      %dma_wait3A_254 = arith.constant 0 : i32
      %dma_wait3A_255 = tpu.memref_slice %arg3[%add3A, %dma_wait3A_253, %dma_wait3A_254] : memref<32x10x80xi32, #tpu.memory_space<hbm>> -> memref<1x10x80xi32, #tpu.memory_space<hbm>>
      %dma_wait3A_256 = tpu.memref_squeeze %dma_wait3A_255 : memref<1x10x80xi32, #tpu.memory_space<hbm>> -> memref<10x80xi32, #tpu.memory_space<hbm>>
      tpu.wait_dma2 semaphore(%run_scoped3A : memref<!tpu.dma_semaphore, #tpu.memory_space<semaphore_mem>>) src(%dma_wait3A_256 : memref<10x80xi32, #tpu.memory_space<hbm>>) dst(%arg5 : memref<10x80xi32, #tpu.memory_space<vmem>>)
      tpu.yield
    }) : () -> ()
    %dma_start3A = arith.constant 0 : i32
    %dma_start3A_3 = arith.constant 0 : i32
    %dma_start3A_4 = tpu.memref_slice %arg5[%dma_start3A, %dma_start3A_3] : memref<10x80xi32, #tpu.memory_space<vmem>> -> memref<1x80xi32, #tpu.memory_space<vmem>>
    %dma_start3A_5 = tpu.memref_squeeze %dma_start3A_4 : memref<1x80xi32, #tpu.memory_space<vmem>> -> memref<80xi32, #tpu.memory_space<vmem>>
    %dma_start3A_6 = arith.constant 0 : i32
    %dma_start3A_7 = arith.constant 0 : i32
    %dma_start3A_8 = tpu.memref_slice %arg2[%dma_start3A_6, %dma_start3A_7] : memref<100000x128xf32, #tpu.memory_space<hbm>> -> memref<100000x128xf32, #tpu.memory_space<hbm>>
    tpu.enqueue_indirect_dma source(%dma_start3A_8 : memref<100000x128xf32, #tpu.memory_space<hbm>>) target(%arg6 : memref<80x128xf32, #tpu.memory_space<vmem>>) offsets(%dma_start3A_5 : memref<80xi32, #tpu.memory_space<vmem>>) semaphore(%arg10 : memref<!tpu.dma_semaphore, #tpu.memory_space<semaphore_mem>>)
    %dma_start3A_9 = arith.constant 1 : i32
    %dma_start3A_10 = arith.constant 0 : i32
    %dma_start3A_11 = tpu.memref_slice %arg5[%dma_start3A_9, %dma_start3A_10] : memref<10x80xi32, #tpu.memory_space<vmem>> -> memref<1x80xi32, #tpu.memory_space<vmem>>
    %dma_start3A_12 = tpu.memref_squeeze %dma_start3A_11 : memref<1x80xi32, #tpu.memory_space<vmem>> -> memref<80xi32, #tpu.memory_space<vmem>>
    %dma_start3A_13 = arith.constant 0 : i32
    %dma_start3A_14 = arith.constant 0 : i32
    %dma_start3A_15 = tpu.memref_slice %arg2[%dma_start3A_13, %dma_start3A_14] : memref<100000x128xf32, #tpu.memory_space<hbm>> -> memref<100000x128xf32, #tpu.memory_space<hbm>>
    tpu.enqueue_indirect_dma source(%dma_start3A_15 : memref<100000x128xf32, #tpu.memory_space<hbm>>) target(%arg7 : memref<80x128xf32, #tpu.memory_space<vmem>>) offsets(%dma_start3A_12 : memref<80xi32, #tpu.memory_space<vmem>>) semaphore(%arg11 : memref<!tpu.dma_semaphore, #tpu.memory_space<semaphore_mem>>)
    %dma_start3A_16 = arith.constant 2 : i32
    %dma_start3A_17 = arith.constant 0 : i32
    %dma_start3A_18 = tpu.memref_slice %arg5[%dma_start3A_16, %dma_start3A_17] : memref<10x80xi32, #tpu.memory_space<vmem>> -> memref<1x80xi32, #tpu.memory_space<vmem>>
    %dma_start3A_19 = tpu.memref_squeeze %dma_start3A_18 : memref<1x80xi32, #tpu.memory_space<vmem>> -> memref<80xi32, #tpu.memory_space<vmem>>
    %dma_start3A_20 = arith.constant 0 : i32
    %dma_start3A_21 = arith.constant 0 : i32
    %dma_start3A_22 = tpu.memref_slice %arg2[%dma_start3A_20, %dma_start3A_21] : memref<100000x128xf32, #tpu.memory_space<hbm>> -> memref<100000x128xf32, #tpu.memory_space<hbm>>
    tpu.enqueue_indirect_dma source(%dma_start3A_22 : memref<100000x128xf32, #tpu.memory_space<hbm>>) target(%arg8 : memref<80x128xf32, #tpu.memory_space<vmem>>) offsets(%dma_start3A_19 : memref<80xi32, #tpu.memory_space<vmem>>) semaphore(%arg12 : memref<!tpu.dma_semaphore, #tpu.memory_space<semaphore_mem>>)
    %dma_start3A_23 = arith.constant 3 : i32
    %dma_start3A_24 = arith.constant 0 : i32
    %dma_start3A_25 = tpu.memref_slice %arg5[%dma_start3A_23, %dma_start3A_24] : memref<10x80xi32, #tpu.memory_space<vmem>> -> memref<1x80xi32, #tpu.memory_space<vmem>>
    %dma_start3A_26 = tpu.memref_squeeze %dma_start3A_25 : memref<1x80xi32, #tpu.memory_space<vmem>> -> memref<80xi32, #tpu.memory_space<vmem>>
    %dma_start3A_27 = arith.constant 0 : i32
    %dma_start3A_28 = arith.constant 0 : i32
    %dma_start3A_29 = tpu.memref_slice %arg2[%dma_start3A_27, %dma_start3A_28] : memref<100000x128xf32, #tpu.memory_space<hbm>> -> memref<100000x128xf32, #tpu.memory_space<hbm>>
    tpu.enqueue_indirect_dma source(%dma_start3A_29 : memref<100000x128xf32, #tpu.memory_space<hbm>>) target(%arg9 : memref<80x128xf32, #tpu.memory_space<vmem>>) offsets(%dma_start3A_26 : memref<80xi32, #tpu.memory_space<vmem>>) semaphore(%arg13 : memref<!tpu.dma_semaphore, #tpu.memory_space<semaphore_mem>>)
    %dma_wait3A = arith.constant 0 : i32
    %dma_wait3A_30 = arith.constant 0 : i32
    %dma_wait3A_31 = tpu.memref_slice %arg5[%dma_wait3A, %dma_wait3A_30] : memref<10x80xi32, #tpu.memory_space<vmem>> -> memref<1x80xi32, #tpu.memory_space<vmem>>
    %dma_wait3A_32 = tpu.memref_squeeze %dma_wait3A_31 : memref<1x80xi32, #tpu.memory_space<vmem>> -> memref<80xi32, #tpu.memory_space<vmem>>
    %dma_wait3A_33 = arith.constant 0 : i32
    %dma_wait3A_34 = arith.constant 0 : i32
    %dma_wait3A_35 = tpu.memref_slice %arg2[%dma_wait3A_33, %dma_wait3A_34] : memref<100000x128xf32, #tpu.memory_space<hbm>> -> memref<100000x128xf32, #tpu.memory_space<hbm>>
    tpu.wait_indirect_dma semaphore(%arg10 : memref<!tpu.dma_semaphore, #tpu.memory_space<semaphore_mem>>) src(%dma_wait3A_35 : memref<100000x128xf32, #tpu.memory_space<hbm>>) dst(%arg6 : memref<80x128xf32, #tpu.memory_space<vmem>>)
    %add3A_36 = arith.constant 0 : i32
    %add3A_37 = arith.addi %mul3A_2, %add3A_36 : i32
    %dma_start3A_38 = arith.constant 0 : i32
    %dma_start3A_39 = tpu.memref_slice %arg4[%add3A_37, %dma_start3A_38] : memref<25600x128xf32, #tpu.memory_space<hbm>> -> memref<80x128xf32, #tpu.memory_space<hbm>>
    %dma_start3A_40 = arith.constant 0 : i32
    %dma_start3A_41 = tpu.memref_slice %arg4[%add3A_37, %dma_start3A_40] : memref<25600x128xf32, #tpu.memory_space<hbm>> -> memref<80x128xf32, #tpu.memory_space<hbm>>
    tpu.enqueue_dma source(%arg6 : memref<80x128xf32, #tpu.memory_space<vmem>>) target(%dma_start3A_41 : memref<80x128xf32, #tpu.memory_space<hbm>>) target_semaphore(%arg14 : memref<!tpu.dma_semaphore, #tpu.memory_space<semaphore_mem>>)
    %dma_wait3A_42 = arith.constant 0 : i32
    %dma_wait3A_43 = tpu.memref_slice %arg4[%add3A_37, %dma_wait3A_42] : memref<25600x128xf32, #tpu.memory_space<hbm>> -> memref<80x128xf32, #tpu.memory_space<hbm>>
    %dma_wait3A_44 = arith.constant 0 : i32
    %dma_wait3A_45 = tpu.memref_slice %arg4[%add3A_37, %dma_wait3A_44] : memref<25600x128xf32, #tpu.memory_space<hbm>> -> memref<80x128xf32, #tpu.memory_space<hbm>>
    tpu.wait_dma2 semaphore(%arg14 : memref<!tpu.dma_semaphore, #tpu.memory_space<semaphore_mem>>) src(%arg6 : memref<80x128xf32, #tpu.memory_space<vmem>>) dst(%dma_wait3A_45 : memref<80x128xf32, #tpu.memory_space<hbm>>)
    %dma_start3A_46 = arith.constant 4 : i32
    %dma_start3A_47 = arith.constant 0 : i32
    %dma_start3A_48 = tpu.memref_slice %arg5[%dma_start3A_46, %dma_start3A_47] : memref<10x80xi32, #tpu.memory_space<vmem>> -> memref<1x80xi32, #tpu.memory_space<vmem>>
    %dma_start3A_49 = tpu.memref_squeeze %dma_start3A_48 : memref<1x80xi32, #tpu.memory_space<vmem>> -> memref<80xi32, #tpu.memory_space<vmem>>
    %dma_start3A_50 = arith.constant 0 : i32
    %dma_start3A_51 = arith.constant 0 : i32
    %dma_start3A_52 = tpu.memref_slice %arg2[%dma_start3A_50, %dma_start3A_51] : memref<100000x128xf32, #tpu.memory_space<hbm>> -> memref<100000x128xf32, #tpu.memory_space<hbm>>
    tpu.enqueue_indirect_dma source(%dma_start3A_52 : memref<100000x128xf32, #tpu.memory_space<hbm>>) target(%arg6 : memref<80x128xf32, #tpu.memory_space<vmem>>) offsets(%dma_start3A_49 : memref<80xi32, #tpu.memory_space<vmem>>) semaphore(%arg10 : memref<!tpu.dma_semaphore, #tpu.memory_space<semaphore_mem>>)
    %dma_wait3A_53 = arith.constant 1 : i32
    %dma_wait3A_54 = arith.constant 0 : i32
    %dma_wait3A_55 = tpu.memref_slice %arg5[%dma_wait3A_53, %dma_wait3A_54] : memref<10x80xi32, #tpu.memory_space<vmem>> -> memref<1x80xi32, #tpu.memory_space<vmem>>
    %dma_wait3A_56 = tpu.memref_squeeze %dma_wait3A_55 : memref<1x80xi32, #tpu.memory_space<vmem>> -> memref<80xi32, #tpu.memory_space<vmem>>
    %dma_wait3A_57 = arith.constant 0 : i32
    %dma_wait3A_58 = arith.constant 0 : i32
    %dma_wait3A_59 = tpu.memref_slice %arg2[%dma_wait3A_57, %dma_wait3A_58] : memref<100000x128xf32, #tpu.memory_space<hbm>> -> memref<100000x128xf32, #tpu.memory_space<hbm>>
    tpu.wait_indirect_dma semaphore(%arg11 : memref<!tpu.dma_semaphore, #tpu.memory_space<semaphore_mem>>) src(%dma_wait3A_59 : memref<100000x128xf32, #tpu.memory_space<hbm>>) dst(%arg7 : memref<80x128xf32, #tpu.memory_space<vmem>>)
    %add3A_60 = arith.constant 80 : i32
    %add3A_61 = arith.addi %mul3A_2, %add3A_60 : i32
    %dma_start3A_62 = arith.constant 0 : i32
    %dma_start3A_63 = tpu.memref_slice %arg4[%add3A_61, %dma_start3A_62] : memref<25600x128xf32, #tpu.memory_space<hbm>> -> memref<80x128xf32, #tpu.memory_space<hbm>>
    %dma_start3A_64 = arith.constant 0 : i32
    %dma_start3A_65 = tpu.memref_slice %arg4[%add3A_61, %dma_start3A_64] : memref<25600x128xf32, #tpu.memory_space<hbm>> -> memref<80x128xf32, #tpu.memory_space<hbm>>
    tpu.enqueue_dma source(%arg7 : memref<80x128xf32, #tpu.memory_space<vmem>>) target(%dma_start3A_65 : memref<80x128xf32, #tpu.memory_space<hbm>>) target_semaphore(%arg15 : memref<!tpu.dma_semaphore, #tpu.memory_space<semaphore_mem>>)
    %dma_wait3A_66 = arith.constant 0 : i32
    %dma_wait3A_67 = tpu.memref_slice %arg4[%add3A_61, %dma_wait3A_66] : memref<25600x128xf32, #tpu.memory_space<hbm>> -> memref<80x128xf32, #tpu.memory_space<hbm>>
    %dma_wait3A_68 = arith.constant 0 : i32
    %dma_wait3A_69 = tpu.memref_slice %arg4[%add3A_61, %dma_wait3A_68] : memref<25600x128xf32, #tpu.memory_space<hbm>> -> memref<80x128xf32, #tpu.memory_space<hbm>>
    tpu.wait_dma2 semaphore(%arg15 : memref<!tpu.dma_semaphore, #tpu.memory_space<semaphore_mem>>) src(%arg7 : memref<80x128xf32, #tpu.memory_space<vmem>>) dst(%dma_wait3A_69 : memref<80x128xf32, #tpu.memory_space<hbm>>)
    %dma_start3A_70 = arith.constant 5 : i32
    %dma_start3A_71 = arith.constant 0 : i32
    %dma_start3A_72 = tpu.memref_slice %arg5[%dma_start3A_70, %dma_start3A_71] : memref<10x80xi32, #tpu.memory_space<vmem>> -> memref<1x80xi32, #tpu.memory_space<vmem>>
    %dma_start3A_73 = tpu.memref_squeeze %dma_start3A_72 : memref<1x80xi32, #tpu.memory_space<vmem>> -> memref<80xi32, #tpu.memory_space<vmem>>
    %dma_start3A_74 = arith.constant 0 : i32
    %dma_start3A_75 = arith.constant 0 : i32
    %dma_start3A_76 = tpu.memref_slice %arg2[%dma_start3A_74, %dma_start3A_75] : memref<100000x128xf32, #tpu.memory_space<hbm>> -> memref<100000x128xf32, #tpu.memory_space<hbm>>
    tpu.enqueue_indirect_dma source(%dma_start3A_76 : memref<100000x128xf32, #tpu.memory_space<hbm>>) target(%arg7 : memref<80x128xf32, #tpu.memory_space<vmem>>) offsets(%dma_start3A_73 : memref<80xi32, #tpu.memory_space<vmem>>) semaphore(%arg11 : memref<!tpu.dma_semaphore, #tpu.memory_space<semaphore_mem>>)
    %dma_wait3A_77 = arith.constant 2 : i32
    %dma_wait3A_78 = arith.constant 0 : i32
    %dma_wait3A_79 = tpu.memref_slice %arg5[%dma_wait3A_77, %dma_wait3A_78] : memref<10x80xi32, #tpu.memory_space<vmem>> -> memref<1x80xi32, #tpu.memory_space<vmem>>
    %dma_wait3A_80 = tpu.memref_squeeze %dma_wait3A_79 : memref<1x80xi32, #tpu.memory_space<vmem>> -> memref<80xi32, #tpu.memory_space<vmem>>
    %dma_wait3A_81 = arith.constant 0 : i32
    %dma_wait3A_82 = arith.constant 0 : i32
    %dma_wait3A_83 = tpu.memref_slice %arg2[%dma_wait3A_81, %dma_wait3A_82] : memref<100000x128xf32, #tpu.memory_space<hbm>> -> memref<100000x128xf32, #tpu.memory_space<hbm>>
    tpu.wait_indirect_dma semaphore(%arg12 : memref<!tpu.dma_semaphore, #tpu.memory_space<semaphore_mem>>) src(%dma_wait3A_83 : memref<100000x128xf32, #tpu.memory_space<hbm>>) dst(%arg8 : memref<80x128xf32, #tpu.memory_space<vmem>>)
    %add3A_84 = arith.constant 160 : i32
    %add3A_85 = arith.addi %mul3A_2, %add3A_84 : i32
    %dma_start3A_86 = arith.constant 0 : i32
    %dma_start3A_87 = tpu.memref_slice %arg4[%add3A_85, %dma_start3A_86] : memref<25600x128xf32, #tpu.memory_space<hbm>> -> memref<80x128xf32, #tpu.memory_space<hbm>>
    %dma_start3A_88 = arith.constant 0 : i32
    %dma_start3A_89 = tpu.memref_slice %arg4[%add3A_85, %dma_start3A_88] : memref<25600x128xf32, #tpu.memory_space<hbm>> -> memref<80x128xf32, #tpu.memory_space<hbm>>
    tpu.enqueue_dma source(%arg8 : memref<80x128xf32, #tpu.memory_space<vmem>>) target(%dma_start3A_89 : memref<80x128xf32, #tpu.memory_space<hbm>>) target_semaphore(%arg16 : memref<!tpu.dma_semaphore, #tpu.memory_space<semaphore_mem>>)
    %dma_wait3A_90 = arith.constant 0 : i32
    %dma_wait3A_91 = tpu.memref_slice %arg4[%add3A_85, %dma_wait3A_90] : memref<25600x128xf32, #tpu.memory_space<hbm>> -> memref<80x128xf32, #tpu.memory_space<hbm>>
    %dma_wait3A_92 = arith.constant 0 : i32
    %dma_wait3A_93 = tpu.memref_slice %arg4[%add3A_85, %dma_wait3A_92] : memref<25600x128xf32, #tpu.memory_space<hbm>> -> memref<80x128xf32, #tpu.memory_space<hbm>>
    tpu.wait_dma2 semaphore(%arg16 : memref<!tpu.dma_semaphore, #tpu.memory_space<semaphore_mem>>) src(%arg8 : memref<80x128xf32, #tpu.memory_space<vmem>>) dst(%dma_wait3A_93 : memref<80x128xf32, #tpu.memory_space<hbm>>)
    %dma_start3A_94 = arith.constant 6 : i32
    %dma_start3A_95 = arith.constant 0 : i32
    %dma_start3A_96 = tpu.memref_slice %arg5[%dma_start3A_94, %dma_start3A_95] : memref<10x80xi32, #tpu.memory_space<vmem>> -> memref<1x80xi32, #tpu.memory_space<vmem>>
    %dma_start3A_97 = tpu.memref_squeeze %dma_start3A_96 : memref<1x80xi32, #tpu.memory_space<vmem>> -> memref<80xi32, #tpu.memory_space<vmem>>
    %dma_start3A_98 = arith.constant 0 : i32
    %dma_start3A_99 = arith.constant 0 : i32
    %dma_start3A_100 = tpu.memref_slice %arg2[%dma_start3A_98, %dma_start3A_99] : memref<100000x128xf32, #tpu.memory_space<hbm>> -> memref<100000x128xf32, #tpu.memory_space<hbm>>
    tpu.enqueue_indirect_dma source(%dma_start3A_100 : memref<100000x128xf32, #tpu.memory_space<hbm>>) target(%arg8 : memref<80x128xf32, #tpu.memory_space<vmem>>) offsets(%dma_start3A_97 : memref<80xi32, #tpu.memory_space<vmem>>) semaphore(%arg12 : memref<!tpu.dma_semaphore, #tpu.memory_space<semaphore_mem>>)
    %dma_wait3A_101 = arith.constant 3 : i32
    %dma_wait3A_102 = arith.constant 0 : i32
    %dma_wait3A_103 = tpu.memref_slice %arg5[%dma_wait3A_101, %dma_wait3A_102] : memref<10x80xi32, #tpu.memory_space<vmem>> -> memref<1x80xi32, #tpu.memory_space<vmem>>
    %dma_wait3A_104 = tpu.memref_squeeze %dma_wait3A_103 : memref<1x80xi32, #tpu.memory_space<vmem>> -> memref<80xi32, #tpu.memory_space<vmem>>
    %dma_wait3A_105 = arith.constant 0 : i32
    %dma_wait3A_106 = arith.constant 0 : i32
    %dma_wait3A_107 = tpu.memref_slice %arg2[%dma_wait3A_105, %dma_wait3A_106] : memref<100000x128xf32, #tpu.memory_space<hbm>> -> memref<100000x128xf32, #tpu.memory_space<hbm>>
    tpu.wait_indirect_dma semaphore(%arg13 : memref<!tpu.dma_semaphore, #tpu.memory_space<semaphore_mem>>) src(%dma_wait3A_107 : memref<100000x128xf32, #tpu.memory_space<hbm>>) dst(%arg9 : memref<80x128xf32, #tpu.memory_space<vmem>>)
    %add3A_108 = arith.constant 240 : i32
    %add3A_109 = arith.addi %mul3A_2, %add3A_108 : i32
    %dma_start3A_110 = arith.constant 0 : i32
    %dma_start3A_111 = tpu.memref_slice %arg4[%add3A_109, %dma_start3A_110] : memref<25600x128xf32, #tpu.memory_space<hbm>> -> memref<80x128xf32, #tpu.memory_space<hbm>>
    %dma_start3A_112 = arith.constant 0 : i32
    %dma_start3A_113 = tpu.memref_slice %arg4[%add3A_109, %dma_start3A_112] : memref<25600x128xf32, #tpu.memory_space<hbm>> -> memref<80x128xf32, #tpu.memory_space<hbm>>
    tpu.enqueue_dma source(%arg9 : memref<80x128xf32, #tpu.memory_space<vmem>>) target(%dma_start3A_113 : memref<80x128xf32, #tpu.memory_space<hbm>>) target_semaphore(%arg17 : memref<!tpu.dma_semaphore, #tpu.memory_space<semaphore_mem>>)
    %dma_wait3A_114 = arith.constant 0 : i32
    %dma_wait3A_115 = tpu.memref_slice %arg4[%add3A_109, %dma_wait3A_114] : memref<25600x128xf32, #tpu.memory_space<hbm>> -> memref<80x128xf32, #tpu.memory_space<hbm>>
    %dma_wait3A_116 = arith.constant 0 : i32
    %dma_wait3A_117 = tpu.memref_slice %arg4[%add3A_109, %dma_wait3A_116] : memref<25600x128xf32, #tpu.memory_space<hbm>> -> memref<80x128xf32, #tpu.memory_space<hbm>>
    tpu.wait_dma2 semaphore(%arg17 : memref<!tpu.dma_semaphore, #tpu.memory_space<semaphore_mem>>) src(%arg9 : memref<80x128xf32, #tpu.memory_space<vmem>>) dst(%dma_wait3A_117 : memref<80x128xf32, #tpu.memory_space<hbm>>)
    %dma_start3A_118 = arith.constant 7 : i32
    %dma_start3A_119 = arith.constant 0 : i32
    %dma_start3A_120 = tpu.memref_slice %arg5[%dma_start3A_118, %dma_start3A_119] : memref<10x80xi32, #tpu.memory_space<vmem>> -> memref<1x80xi32, #tpu.memory_space<vmem>>
    %dma_start3A_121 = tpu.memref_squeeze %dma_start3A_120 : memref<1x80xi32, #tpu.memory_space<vmem>> -> memref<80xi32, #tpu.memory_space<vmem>>
    %dma_start3A_122 = arith.constant 0 : i32
    %dma_start3A_123 = arith.constant 0 : i32
    %dma_start3A_124 = tpu.memref_slice %arg2[%dma_start3A_122, %dma_start3A_123] : memref<100000x128xf32, #tpu.memory_space<hbm>> -> memref<100000x128xf32, #tpu.memory_space<hbm>>
    tpu.enqueue_indirect_dma source(%dma_start3A_124 : memref<100000x128xf32, #tpu.memory_space<hbm>>) target(%arg9 : memref<80x128xf32, #tpu.memory_space<vmem>>) offsets(%dma_start3A_121 : memref<80xi32, #tpu.memory_space<vmem>>) semaphore(%arg13 : memref<!tpu.dma_semaphore, #tpu.memory_space<semaphore_mem>>)
    %dma_wait3A_125 = arith.constant 4 : i32
    %dma_wait3A_126 = arith.constant 0 : i32
    %dma_wait3A_127 = tpu.memref_slice %arg5[%dma_wait3A_125, %dma_wait3A_126] : memref<10x80xi32, #tpu.memory_space<vmem>> -> memref<1x80xi32, #tpu.memory_space<vmem>>
    %dma_wait3A_128 = tpu.memref_squeeze %dma_wait3A_127 : memref<1x80xi32, #tpu.memory_space<vmem>> -> memref<80xi32, #tpu.memory_space<vmem>>
    %dma_wait3A_129 = arith.constant 0 : i32
    %dma_wait3A_130 = arith.constant 0 : i32
    %dma_wait3A_131 = tpu.memref_slice %arg2[%dma_wait3A_129, %dma_wait3A_130] : memref<100000x128xf32, #tpu.memory_space<hbm>> -> memref<100000x128xf32, #tpu.memory_space<hbm>>
    tpu.wait_indirect_dma semaphore(%arg10 : memref<!tpu.dma_semaphore, #tpu.memory_space<semaphore_mem>>) src(%dma_wait3A_131 : memref<100000x128xf32, #tpu.memory_space<hbm>>) dst(%arg6 : memref<80x128xf32, #tpu.memory_space<vmem>>)
    %add3A_132 = arith.constant 320 : i32
    %add3A_133 = arith.addi %mul3A_2, %add3A_132 : i32
    %dma_start3A_134 = arith.constant 0 : i32
    %dma_start3A_135 = tpu.memref_slice %arg4[%add3A_133, %dma_start3A_134] : memref<25600x128xf32, #tpu.memory_space<hbm>> -> memref<80x128xf32, #tpu.memory_space<hbm>>
    %dma_start3A_136 = arith.constant 0 : i32
    %dma_start3A_137 = tpu.memref_slice %arg4[%add3A_133, %dma_start3A_136] : memref<25600x128xf32, #tpu.memory_space<hbm>> -> memref<80x128xf32, #tpu.memory_space<hbm>>
    tpu.enqueue_dma source(%arg6 : memref<80x128xf32, #tpu.memory_space<vmem>>) target(%dma_start3A_137 : memref<80x128xf32, #tpu.memory_space<hbm>>) target_semaphore(%arg14 : memref<!tpu.dma_semaphore, #tpu.memory_space<semaphore_mem>>)
    %dma_wait3A_138 = arith.constant 0 : i32
    %dma_wait3A_139 = tpu.memref_slice %arg4[%add3A_133, %dma_wait3A_138] : memref<25600x128xf32, #tpu.memory_space<hbm>> -> memref<80x128xf32, #tpu.memory_space<hbm>>
    %dma_wait3A_140 = arith.constant 0 : i32
    %dma_wait3A_141 = tpu.memref_slice %arg4[%add3A_133, %dma_wait3A_140] : memref<25600x128xf32, #tpu.memory_space<hbm>> -> memref<80x128xf32, #tpu.memory_space<hbm>>
    tpu.wait_dma2 semaphore(%arg14 : memref<!tpu.dma_semaphore, #tpu.memory_space<semaphore_mem>>) src(%arg6 : memref<80x128xf32, #tpu.memory_space<vmem>>) dst(%dma_wait3A_141 : memref<80x128xf32, #tpu.memory_space<hbm>>)
    %dma_start3A_142 = arith.constant 8 : i32
    %dma_start3A_143 = arith.constant 0 : i32
    %dma_start3A_144 = tpu.memref_slice %arg5[%dma_start3A_142, %dma_start3A_143] : memref<10x80xi32, #tpu.memory_space<vmem>> -> memref<1x80xi32, #tpu.memory_space<vmem>>
    %dma_start3A_145 = tpu.memref_squeeze %dma_start3A_144 : memref<1x80xi32, #tpu.memory_space<vmem>> -> memref<80xi32, #tpu.memory_space<vmem>>
    %dma_start3A_146 = arith.constant 0 : i32
    %dma_start3A_147 = arith.constant 0 : i32
    %dma_start3A_148 = tpu.memref_slice %arg2[%dma_start3A_146, %dma_start3A_147] : memref<100000x128xf32, #tpu.memory_space<hbm>> -> memref<100000x128xf32, #tpu.memory_space<hbm>>
    tpu.enqueue_indirect_dma source(%dma_start3A_148 : memref<100000x128xf32, #tpu.memory_space<hbm>>) target(%arg6 : memref<80x128xf32, #tpu.memory_space<vmem>>) offsets(%dma_start3A_145 : memref<80xi32, #tpu.memory_space<vmem>>) semaphore(%arg10 : memref<!tpu.dma_semaphore, #tpu.memory_space<semaphore_mem>>)
    %dma_wait3A_149 = arith.constant 5 : i32
    %dma_wait3A_150 = arith.constant 0 : i32
    %dma_wait3A_151 = tpu.memref_slice %arg5[%dma_wait3A_149, %dma_wait3A_150] : memref<10x80xi32, #tpu.memory_space<vmem>> -> memref<1x80xi32, #tpu.memory_space<vmem>>
    %dma_wait3A_152 = tpu.memref_squeeze %dma_wait3A_151 : memref<1x80xi32, #tpu.memory_space<vmem>> -> memref<80xi32, #tpu.memory_space<vmem>>
    %dma_wait3A_153 = arith.constant 0 : i32
    %dma_wait3A_154 = arith.constant 0 : i32
    %dma_wait3A_155 = tpu.memref_slice %arg2[%dma_wait3A_153, %dma_wait3A_154] : memref<100000x128xf32, #tpu.memory_space<hbm>> -> memref<100000x128xf32, #tpu.memory_space<hbm>>
    tpu.wait_indirect_dma semaphore(%arg11 : memref<!tpu.dma_semaphore, #tpu.memory_space<semaphore_mem>>) src(%dma_wait3A_155 : memref<100000x128xf32, #tpu.memory_space<hbm>>) dst(%arg7 : memref<80x128xf32, #tpu.memory_space<vmem>>)
    %add3A_156 = arith.constant 400 : i32
    %add3A_157 = arith.addi %mul3A_2, %add3A_156 : i32
    %dma_start3A_158 = arith.constant 0 : i32
    %dma_start3A_159 = tpu.memref_slice %arg4[%add3A_157, %dma_start3A_158] : memref<25600x128xf32, #tpu.memory_space<hbm>> -> memref<80x128xf32, #tpu.memory_space<hbm>>
    %dma_start3A_160 = arith.constant 0 : i32
    %dma_start3A_161 = tpu.memref_slice %arg4[%add3A_157, %dma_start3A_160] : memref<25600x128xf32, #tpu.memory_space<hbm>> -> memref<80x128xf32, #tpu.memory_space<hbm>>
    tpu.enqueue_dma source(%arg7 : memref<80x128xf32, #tpu.memory_space<vmem>>) target(%dma_start3A_161 : memref<80x128xf32, #tpu.memory_space<hbm>>) target_semaphore(%arg15 : memref<!tpu.dma_semaphore, #tpu.memory_space<semaphore_mem>>)
    %dma_wait3A_162 = arith.constant 0 : i32
    %dma_wait3A_163 = tpu.memref_slice %arg4[%add3A_157, %dma_wait3A_162] : memref<25600x128xf32, #tpu.memory_space<hbm>> -> memref<80x128xf32, #tpu.memory_space<hbm>>
    %dma_wait3A_164 = arith.constant 0 : i32
    %dma_wait3A_165 = tpu.memref_slice %arg4[%add3A_157, %dma_wait3A_164] : memref<25600x128xf32, #tpu.memory_space<hbm>> -> memref<80x128xf32, #tpu.memory_space<hbm>>
    tpu.wait_dma2 semaphore(%arg15 : memref<!tpu.dma_semaphore, #tpu.memory_space<semaphore_mem>>) src(%arg7 : memref<80x128xf32, #tpu.memory_space<vmem>>) dst(%dma_wait3A_165 : memref<80x128xf32, #tpu.memory_space<hbm>>)
    %dma_start3A_166 = arith.constant 9 : i32
    %dma_start3A_167 = arith.constant 0 : i32
    %dma_start3A_168 = tpu.memref_slice %arg5[%dma_start3A_166, %dma_start3A_167] : memref<10x80xi32, #tpu.memory_space<vmem>> -> memref<1x80xi32, #tpu.memory_space<vmem>>
    %dma_start3A_169 = tpu.memref_squeeze %dma_start3A_168 : memref<1x80xi32, #tpu.memory_space<vmem>> -> memref<80xi32, #tpu.memory_space<vmem>>
    %dma_start3A_170 = arith.constant 0 : i32
    %dma_start3A_171 = arith.constant 0 : i32
    %dma_start3A_172 = tpu.memref_slice %arg2[%dma_start3A_170, %dma_start3A_171] : memref<100000x128xf32, #tpu.memory_space<hbm>> -> memref<100000x128xf32, #tpu.memory_space<hbm>>
    tpu.enqueue_indirect_dma source(%dma_start3A_172 : memref<100000x128xf32, #tpu.memory_space<hbm>>) target(%arg7 : memref<80x128xf32, #tpu.memory_space<vmem>>) offsets(%dma_start3A_169 : memref<80xi32, #tpu.memory_space<vmem>>) semaphore(%arg11 : memref<!tpu.dma_semaphore, #tpu.memory_space<semaphore_mem>>)
    %dma_wait3A_173 = arith.constant 6 : i32
    %dma_wait3A_174 = arith.constant 0 : i32
    %dma_wait3A_175 = tpu.memref_slice %arg5[%dma_wait3A_173, %dma_wait3A_174] : memref<10x80xi32, #tpu.memory_space<vmem>> -> memref<1x80xi32, #tpu.memory_space<vmem>>
    %dma_wait3A_176 = tpu.memref_squeeze %dma_wait3A_175 : memref<1x80xi32, #tpu.memory_space<vmem>> -> memref<80xi32, #tpu.memory_space<vmem>>
    %dma_wait3A_177 = arith.constant 0 : i32
    %dma_wait3A_178 = arith.constant 0 : i32
    %dma_wait3A_179 = tpu.memref_slice %arg2[%dma_wait3A_177, %dma_wait3A_178] : memref<100000x128xf32, #tpu.memory_space<hbm>> -> memref<100000x128xf32, #tpu.memory_space<hbm>>
    tpu.wait_indirect_dma semaphore(%arg12 : memref<!tpu.dma_semaphore, #tpu.memory_space<semaphore_mem>>) src(%dma_wait3A_179 : memref<100000x128xf32, #tpu.memory_space<hbm>>) dst(%arg8 : memref<80x128xf32, #tpu.memory_space<vmem>>)
    %add3A_180 = arith.constant 480 : i32
    %add3A_181 = arith.addi %mul3A_2, %add3A_180 : i32
    %dma_start3A_182 = arith.constant 0 : i32
    %dma_start3A_183 = tpu.memref_slice %arg4[%add3A_181, %dma_start3A_182] : memref<25600x128xf32, #tpu.memory_space<hbm>> -> memref<80x128xf32, #tpu.memory_space<hbm>>
    %dma_start3A_184 = arith.constant 0 : i32
    %dma_start3A_185 = tpu.memref_slice %arg4[%add3A_181, %dma_start3A_184] : memref<25600x128xf32, #tpu.memory_space<hbm>> -> memref<80x128xf32, #tpu.memory_space<hbm>>
    tpu.enqueue_dma source(%arg8 : memref<80x128xf32, #tpu.memory_space<vmem>>) target(%dma_start3A_185 : memref<80x128xf32, #tpu.memory_space<hbm>>) target_semaphore(%arg16 : memref<!tpu.dma_semaphore, #tpu.memory_space<semaphore_mem>>)
    %dma_wait3A_186 = arith.constant 7 : i32
    %dma_wait3A_187 = arith.constant 0 : i32
    %dma_wait3A_188 = tpu.memref_slice %arg5[%dma_wait3A_186, %dma_wait3A_187] : memref<10x80xi32, #tpu.memory_space<vmem>> -> memref<1x80xi32, #tpu.memory_space<vmem>>
    %dma_wait3A_189 = tpu.memref_squeeze %dma_wait3A_188 : memref<1x80xi32, #tpu.memory_space<vmem>> -> memref<80xi32, #tpu.memory_space<vmem>>
    %dma_wait3A_190 = arith.constant 0 : i32
    %dma_wait3A_191 = arith.constant 0 : i32
    %dma_wait3A_192 = tpu.memref_slice %arg2[%dma_wait3A_190, %dma_wait3A_191] : memref<100000x128xf32, #tpu.memory_space<hbm>> -> memref<100000x128xf32, #tpu.memory_space<hbm>>
    tpu.wait_indirect_dma semaphore(%arg13 : memref<!tpu.dma_semaphore, #tpu.memory_space<semaphore_mem>>) src(%dma_wait3A_192 : memref<100000x128xf32, #tpu.memory_space<hbm>>) dst(%arg9 : memref<80x128xf32, #tpu.memory_space<vmem>>)
    %add3A_193 = arith.constant 560 : i32
    %add3A_194 = arith.addi %mul3A_2, %add3A_193 : i32
    %dma_start3A_195 = arith.constant 0 : i32
    %dma_start3A_196 = tpu.memref_slice %arg4[%add3A_194, %dma_start3A_195] : memref<25600x128xf32, #tpu.memory_space<hbm>> -> memref<80x128xf32, #tpu.memory_space<hbm>>
    %dma_start3A_197 = arith.constant 0 : i32
    %dma_start3A_198 = tpu.memref_slice %arg4[%add3A_194, %dma_start3A_197] : memref<25600x128xf32, #tpu.memory_space<hbm>> -> memref<80x128xf32, #tpu.memory_space<hbm>>
    tpu.enqueue_dma source(%arg9 : memref<80x128xf32, #tpu.memory_space<vmem>>) target(%dma_start3A_198 : memref<80x128xf32, #tpu.memory_space<hbm>>) target_semaphore(%arg17 : memref<!tpu.dma_semaphore, #tpu.memory_space<semaphore_mem>>)
    %dma_wait3A_199 = arith.constant 8 : i32
    %dma_wait3A_200 = arith.constant 0 : i32
    %dma_wait3A_201 = tpu.memref_slice %arg5[%dma_wait3A_199, %dma_wait3A_200] : memref<10x80xi32, #tpu.memory_space<vmem>> -> memref<1x80xi32, #tpu.memory_space<vmem>>
    %dma_wait3A_202 = tpu.memref_squeeze %dma_wait3A_201 : memref<1x80xi32, #tpu.memory_space<vmem>> -> memref<80xi32, #tpu.memory_space<vmem>>
    %dma_wait3A_203 = arith.constant 0 : i32
    %dma_wait3A_204 = arith.constant 0 : i32
    %dma_wait3A_205 = tpu.memref_slice %arg2[%dma_wait3A_203, %dma_wait3A_204] : memref<100000x128xf32, #tpu.memory_space<hbm>> -> memref<100000x128xf32, #tpu.memory_space<hbm>>
    tpu.wait_indirect_dma semaphore(%arg10 : memref<!tpu.dma_semaphore, #tpu.memory_space<semaphore_mem>>) src(%dma_wait3A_205 : memref<100000x128xf32, #tpu.memory_space<hbm>>) dst(%arg6 : memref<80x128xf32, #tpu.memory_space<vmem>>)
    %add3A_206 = arith.constant 640 : i32
    %add3A_207 = arith.addi %mul3A_2, %add3A_206 : i32
    %dma_start3A_208 = arith.constant 0 : i32
    %dma_start3A_209 = tpu.memref_slice %arg4[%add3A_207, %dma_start3A_208] : memref<25600x128xf32, #tpu.memory_space<hbm>> -> memref<80x128xf32, #tpu.memory_space<hbm>>
    %dma_start3A_210 = arith.constant 0 : i32
    %dma_start3A_211 = tpu.memref_slice %arg4[%add3A_207, %dma_start3A_210] : memref<25600x128xf32, #tpu.memory_space<hbm>> -> memref<80x128xf32, #tpu.memory_space<hbm>>
    tpu.enqueue_dma source(%arg6 : memref<80x128xf32, #tpu.memory_space<vmem>>) target(%dma_start3A_211 : memref<80x128xf32, #tpu.memory_space<hbm>>) target_semaphore(%arg14 : memref<!tpu.dma_semaphore, #tpu.memory_space<semaphore_mem>>)
    %dma_wait3A_212 = arith.constant 9 : i32
    %dma_wait3A_213 = arith.constant 0 : i32
    %dma_wait3A_214 = tpu.memref_slice %arg5[%dma_wait3A_212, %dma_wait3A_213] : memref<10x80xi32, #tpu.memory_space<vmem>> -> memref<1x80xi32, #tpu.memory_space<vmem>>
    %dma_wait3A_215 = tpu.memref_squeeze %dma_wait3A_214 : memref<1x80xi32, #tpu.memory_space<vmem>> -> memref<80xi32, #tpu.memory_space<vmem>>
    %dma_wait3A_216 = arith.constant 0 : i32
    %dma_wait3A_217 = arith.constant 0 : i32
    %dma_wait3A_218 = tpu.memref_slice %arg2[%dma_wait3A_216, %dma_wait3A_217] : memref<100000x128xf32, #tpu.memory_space<hbm>> -> memref<100000x128xf32, #tpu.memory_space<hbm>>
    tpu.wait_indirect_dma semaphore(%arg11 : memref<!tpu.dma_semaphore, #tpu.memory_space<semaphore_mem>>) src(%dma_wait3A_218 : memref<100000x128xf32, #tpu.memory_space<hbm>>) dst(%arg7 : memref<80x128xf32, #tpu.memory_space<vmem>>)
    %add3A_219 = arith.constant 720 : i32
    %add3A_220 = arith.addi %mul3A_2, %add3A_219 : i32
    %dma_start3A_221 = arith.constant 0 : i32
    %dma_start3A_222 = tpu.memref_slice %arg4[%add3A_220, %dma_start3A_221] : memref<25600x128xf32, #tpu.memory_space<hbm>> -> memref<80x128xf32, #tpu.memory_space<hbm>>
    %dma_start3A_223 = arith.constant 0 : i32
    %dma_start3A_224 = tpu.memref_slice %arg4[%add3A_220, %dma_start3A_223] : memref<25600x128xf32, #tpu.memory_space<hbm>> -> memref<80x128xf32, #tpu.memory_space<hbm>>
    tpu.enqueue_dma source(%arg7 : memref<80x128xf32, #tpu.memory_space<vmem>>) target(%dma_start3A_224 : memref<80x128xf32, #tpu.memory_space<hbm>>) target_semaphore(%arg15 : memref<!tpu.dma_semaphore, #tpu.memory_space<semaphore_mem>>)
    %dma_wait3A_225 = arith.constant 0 : i32
    %dma_wait3A_226 = tpu.memref_slice %arg4[%add3A_181, %dma_wait3A_225] : memref<25600x128xf32, #tpu.memory_space<hbm>> -> memref<80x128xf32, #tpu.memory_space<hbm>>
    %dma_wait3A_227 = arith.constant 0 : i32
    %dma_wait3A_228 = tpu.memref_slice %arg4[%add3A_181, %dma_wait3A_227] : memref<25600x128xf32, #tpu.memory_space<hbm>> -> memref<80x128xf32, #tpu.memory_space<hbm>>
    tpu.wait_dma2 semaphore(%arg16 : memref<!tpu.dma_semaphore, #tpu.memory_space<semaphore_mem>>) src(%arg8 : memref<80x128xf32, #tpu.memory_space<vmem>>) dst(%dma_wait3A_228 : memref<80x128xf32, #tpu.memory_space<hbm>>)
    %dma_wait3A_229 = arith.constant 0 : i32
    %dma_wait3A_230 = tpu.memref_slice %arg4[%add3A_194, %dma_wait3A_229] : memref<25600x128xf32, #tpu.memory_space<hbm>> -> memref<80x128xf32, #tpu.memory_space<hbm>>
    %dma_wait3A_231 = arith.constant 0 : i32
    %dma_wait3A_232 = tpu.memref_slice %arg4[%add3A_194, %dma_wait3A_231] : memref<25600x128xf32, #tpu.memory_space<hbm>> -> memref<80x128xf32, #tpu.memory_space<hbm>>
    tpu.wait_dma2 semaphore(%arg17 : memref<!tpu.dma_semaphore, #tpu.memory_space<semaphore_mem>>) src(%arg9 : memref<80x128xf32, #tpu.memory_space<vmem>>) dst(%dma_wait3A_232 : memref<80x128xf32, #tpu.memory_space<hbm>>)
    %dma_wait3A_233 = arith.constant 0 : i32
    %dma_wait3A_234 = tpu.memref_slice %arg4[%add3A_207, %dma_wait3A_233] : memref<25600x128xf32, #tpu.memory_space<hbm>> -> memref<80x128xf32, #tpu.memory_space<hbm>>
    %dma_wait3A_235 = arith.constant 0 : i32
    %dma_wait3A_236 = tpu.memref_slice %arg4[%add3A_207, %dma_wait3A_235] : memref<25600x128xf32, #tpu.memory_space<hbm>> -> memref<80x128xf32, #tpu.memory_space<hbm>>
    tpu.wait_dma2 semaphore(%arg14 : memref<!tpu.dma_semaphore, #tpu.memory_space<semaphore_mem>>) src(%arg6 : memref<80x128xf32, #tpu.memory_space<vmem>>) dst(%dma_wait3A_236 : memref<80x128xf32, #tpu.memory_space<hbm>>)
    %dma_wait3A_237 = arith.constant 0 : i32
    %dma_wait3A_238 = tpu.memref_slice %arg4[%add3A_220, %dma_wait3A_237] : memref<25600x128xf32, #tpu.memory_space<hbm>> -> memref<80x128xf32, #tpu.memory_space<hbm>>
    %dma_wait3A_239 = arith.constant 0 : i32
    %dma_wait3A_240 = tpu.memref_slice %arg4[%add3A_220, %dma_wait3A_239] : memref<25600x128xf32, #tpu.memory_space<hbm>> -> memref<80x128xf32, #tpu.memory_space<hbm>>
    tpu.wait_dma2 semaphore(%arg15 : memref<!tpu.dma_semaphore, #tpu.memory_space<semaphore_mem>>) src(%arg7 : memref<80x128xf32, #tpu.memory_space<vmem>>) dst(%dma_wait3A_240 : memref<80x128xf32, #tpu.memory_space<hbm>>)
    return
  }
}

module attributes {stable_mosaic.version = 14 : i64} {
  func.func @_lstm_step(%arg0: i32, %arg1: memref<5x1024x128xf32, #tpu.memory_space<vmem>>, %arg2: memref<384x1024xbf16, #tpu.memory_space<vmem>>, %arg3: memref<1x1024xf32, #tpu.memory_space<vmem>>, %arg4: memref<1024x256xf32, #tpu.memory_space<vmem>>, %arg5: memref<1024x256xf32, #tpu.memory_space<vmem>>, %arg6: memref<1024x256xf32, #tpu.memory_space<vmem>>, %arg7: memref<1024x256xf32, #tpu.memory_space<vmem>>, %arg8: memref<1024x384xbf16, #tpu.memory_space<vmem>>, %arg9: memref<1024x256xf32, #tpu.memory_space<vmem>>) attributes {dimension_semantics = [#tpu.dimension_semantics<arbitrary>], iteration_bounds = array<i64: 5>, scalar_prefetch = 0 : i64, scratch_operands = 2 : i64, tpu.core_type = #tpu.core_type<tc>, window_params = [{transform_indices = @transform_0, window_bounds = array<i64: 5, 1024, 128>}, {pipeline_mode = #tpu.pipeline_mode<synchronous>, transform_indices = @transform_1, window_bounds = array<i64: 384, 1024>}, {pipeline_mode = #tpu.pipeline_mode<synchronous>, transform_indices = @transform_2, window_bounds = array<i64: 1, 1024>}, {pipeline_mode = #tpu.pipeline_mode<synchronous>, transform_indices = @transform_3, window_bounds = array<i64: 1024, 256>}, {pipeline_mode = #tpu.pipeline_mode<synchronous>, transform_indices = @transform_4, window_bounds = array<i64: 1024, 256>}, {pipeline_mode = #tpu.pipeline_mode<synchronous>, transform_indices = @transform_5, window_bounds = array<i64: 1024, 256>}, {pipeline_mode = #tpu.pipeline_mode<synchronous>, transform_indices = @transform_6, window_bounds = array<i64: 1024, 256>}]} {
    %eq3A = arith.constant 0 : i32
    %eq3A_0 = arith.cmpi eq, %arg0, %eq3A : i32
    %convert_element_type3A = arith.extui %eq3A_0 : i1 to i32
    %cond3A = arith.constant 0 : i32
    %cond3A_1 = arith.cmpi ne, %convert_element_type3A, %cond3A : i32
    scf.if %cond3A_1 {
      %get3A_315 = arith.constant 0 : index
      %get3A_316 = arith.constant 0 : index
      %get3A_317 = vector.load %arg4[%get3A_315, %get3A_316] : memref<1024x256xf32, #tpu.memory_space<vmem>>, vector<1024x256xf32>
      %convert_element_type3A_318 = arith.truncf %get3A_317 : vector<1024x256xf32> to vector<1024x256xbf16>
      %swap3A_319 = arith.constant 0 : index
      %swap3A_320 = arith.constant 128 : index
      %swap3A_321 = vector.load %arg8[%swap3A_319, %swap3A_320] : memref<1024x384xbf16, #tpu.memory_space<vmem>>, vector<1024x256xbf16>
      tpu.vector_store %arg8[%swap3A_319, %swap3A_320], %convert_element_type3A_318 {strides = array<i32>} : memref<1024x384xbf16, #tpu.memory_space<vmem>>, vector<1024x256xbf16>,
      %get3A_322 = arith.constant 0 : index
      %get3A_323 = arith.constant 0 : index
      %get3A_324 = vector.load %arg5[%get3A_322, %get3A_323] : memref<1024x256xf32, #tpu.memory_space<vmem>>, vector<1024x256xf32>
      %swap3A_325 = arith.constant 0 : index
      %swap3A_326 = arith.constant 0 : index
      %swap3A_327 = vector.load %arg9[%swap3A_325, %swap3A_326] : memref<1024x256xf32, #tpu.memory_space<vmem>>, vector<1024x256xf32>
      tpu.vector_store %arg9[%swap3A_325, %swap3A_326], %get3A_324 {strides = array<i32>} : memref<1024x256xf32, #tpu.memory_space<vmem>>, vector<1024x256xf32>,
    } else {
    }
    %get3A = arith.constant 0 : index
    %get3A_2 = arith.constant 0 : index
    %get3A_3 = arith.constant 0 : index
    %get3A_4 = vector.load %arg1[%get3A, %get3A_2, %get3A_3] : memref<5x1024x128xf32, #tpu.memory_space<vmem>>, vector<1x1024x128xf32>
    %get3A_5 = vector.shape_cast %get3A_4 : vector<1x1024x128xf32> to vector<1024x128xf32>
    %convert_element_type3A_6 = arith.truncf %get3A_5 : vector<1024x128xf32> to vector<1024x128xbf16>
    %swap3A = arith.constant 0 : index
    %swap3A_7 = arith.constant 0 : index
    %swap3A_8 = vector.load %arg8[%swap3A, %swap3A_7] : memref<1024x384xbf16, #tpu.memory_space<vmem>>, vector<1024x128xbf16>
    tpu.vector_store %arg8[%swap3A, %swap3A_7], %convert_element_type3A_6 {strides = array<i32>} : memref<1024x384xbf16, #tpu.memory_space<vmem>>, vector<1024x128xbf16>,
    %get3A_9 = arith.constant 0 : index
    %get3A_10 = arith.constant 0 : index
    %get3A_11 = vector.load %arg8[%get3A_9, %get3A_10] : memref<1024x384xbf16, #tpu.memory_space<vmem>>, vector<1024x384xbf16>
    %get3A_12 = arith.constant 0 : index
    %get3A_13 = arith.constant 0 : index
    %get3A_14 = vector.load %arg2[%get3A_12, %get3A_13] : memref<384x1024xbf16, #tpu.memory_space<vmem>>, vector<384x1024xbf16>
    %dot_general3A = arith.constant dense<0.000000e+00> : vector<1024x1024xf32>
    %dot_general3A_15 = tpu.matmul %get3A_11, %get3A_14, %dot_general3A {dimension_numbers = #tpu.dot_dimension_numbers<[1], [0], [0], [1], [0, 0, 1, 1], [], []>, transpose_lhs_hint = false} : vector<1024x384xbf16>, vector<384x1024xbf16>, vector<1024x1024xf32> -> vector<1024x1024xf32>
    %get3A_16 = arith.constant 0 : index
    %get3A_17 = arith.constant 0 : index
    %get3A_18 = vector.load %arg3[%get3A_16, %get3A_17] : memref<1x1024xf32, #tpu.memory_space<vmem>>, vector<1x1024xf32>
    %add3A = vector.broadcast %get3A_18 : vector<1x1024xf32> to vector<1024x1024xf32>
    %add3A_19 = arith.addf %dot_general3A_15, %add3A : vector<1024x1024xf32>
    %slice3A = vector.extract_strided_slice %add3A_19 {offsets = [0, 0], sizes = [1024, 256], strides = [1, 1]} : vector<1024x1024xf32> to vector<1024x256xf32>
    %tanh3A = math.tanh %slice3A : vector<1024x256xf32>
    %mul3A = arith.constant 5.000000e-01 : f32
    %mul3A_20 = vector.broadcast %mul3A : f32 to vector<1024x256xf32>
    %mul3A_21 = arith.mulf %mul3A_20, %tanh3A : vector<1024x256xf32>
    %add3A_22 = arith.constant 5.000000e-01 : f32
    %add3A_23 = vector.broadcast %add3A_22 : f32 to vector<1024x256xf32>
    %add3A_24 = arith.addf %mul3A_21, %add3A_23 : vector<1024x256xf32>
    %slice3A_25 = vector.extract_strided_slice %add3A_19 {offsets = [0, 256], sizes = [1024, 256], strides = [1, 1]} : vector<1024x1024xf32> to vector<1024x256xf32>
    %tanh3A_26 = math.tanh %slice3A_25 : vector<1024x256xf32>
    %mul3A_27 = arith.constant 5.000000e-01 : f32
    %mul3A_28 = vector.broadcast %mul3A_27 : f32 to vector<1024x256xf32>
    %mul3A_29 = arith.mulf %mul3A_28, %tanh3A_26 : vector<1024x256xf32>
    %add3A_30 = arith.constant 5.000000e-01 : f32
    %add3A_31 = vector.broadcast %add3A_30 : f32 to vector<1024x256xf32>
    %add3A_32 = arith.addf %mul3A_29, %add3A_31 : vector<1024x256xf32>
    %slice3A_33 = vector.extract_strided_slice %add3A_19 {offsets = [0, 512], sizes = [1024, 256], strides = [1, 1]} : vector<1024x1024xf32> to vector<1024x256xf32>
    %tanh3A_34 = math.tanh %slice3A_33 : vector<1024x256xf32>
    %slice3A_35 = vector.extract_strided_slice %add3A_19 {offsets = [0, 768], sizes = [1024, 256], strides = [1, 1]} : vector<1024x1024xf32> to vector<1024x256xf32>
    %tanh3A_36 = math.tanh %slice3A_35 : vector<1024x256xf32>
    %mul3A_37 = arith.constant 5.000000e-01 : f32
    %mul3A_38 = vector.broadcast %mul3A_37 : f32 to vector<1024x256xf32>
    %mul3A_39 = arith.mulf %mul3A_38, %tanh3A_36 : vector<1024x256xf32>
    %add3A_40 = arith.constant 5.000000e-01 : f32
    %add3A_41 = vector.broadcast %add3A_40 : f32 to vector<1024x256xf32>
    %add3A_42 = arith.addf %mul3A_39, %add3A_41 : vector<1024x256xf32>
    %get3A_43 = arith.constant 0 : index
    %get3A_44 = arith.constant 0 : index
    %get3A_45 = vector.load %arg9[%get3A_43, %get3A_44] : memref<1024x256xf32, #tpu.memory_space<vmem>>, vector<1024x256xf32>
    %mul3A_46 = arith.mulf %add3A_32, %get3A_45 : vector<1024x256xf32>
    %mul3A_47 = arith.mulf %add3A_24, %tanh3A_34 : vector<1024x256xf32>
    %add3A_48 = arith.addf %mul3A_46, %mul3A_47 : vector<1024x256xf32>
    %tanh3A_49 = math.tanh %add3A_48 : vector<1024x256xf32>
    %mul3A_50 = arith.mulf %add3A_42, %tanh3A_49 : vector<1024x256xf32>
    %swap3A_51 = arith.constant 0 : index
    %swap3A_52 = arith.constant 0 : index
    %swap3A_53 = vector.load %arg9[%swap3A_51, %swap3A_52] : memref<1024x256xf32, #tpu.memory_space<vmem>>, vector<1024x256xf32>
    tpu.vector_store %arg9[%swap3A_51, %swap3A_52], %add3A_48 {strides = array<i32>} : memref<1024x256xf32, #tpu.memory_space<vmem>>, vector<1024x256xf32>,
    %convert_element_type3A_54 = arith.truncf %mul3A_50 : vector<1024x256xf32> to vector<1024x256xbf16>
    %swap3A_55 = arith.constant 0 : index
    %swap3A_56 = arith.constant 128 : index
    %swap3A_57 = vector.load %arg8[%swap3A_55, %swap3A_56] : memref<1024x384xbf16, #tpu.memory_space<vmem>>, vector<1024x256xbf16>
    tpu.vector_store %arg8[%swap3A_55, %swap3A_56], %convert_element_type3A_54 {strides = array<i32>} : memref<1024x384xbf16, #tpu.memory_space<vmem>>, vector<1024x256xbf16>,
    %get3A_58 = arith.constant 1 : index
    %get3A_59 = arith.constant 0 : index
    %get3A_60 = arith.constant 0 : index
    %get3A_61 = vector.load %arg1[%get3A_58, %get3A_59, %get3A_60] : memref<5x1024x128xf32, #tpu.memory_space<vmem>>, vector<1x1024x128xf32>
    %get3A_62 = vector.shape_cast %get3A_61 : vector<1x1024x128xf32> to vector<1024x128xf32>
    %convert_element_type3A_63 = arith.truncf %get3A_62 : vector<1024x128xf32> to vector<1024x128xbf16>
    %swap3A_64 = arith.constant 0 : index
    %swap3A_65 = arith.constant 0 : index
    %swap3A_66 = vector.load %arg8[%swap3A_64, %swap3A_65] : memref<1024x384xbf16, #tpu.memory_space<vmem>>, vector<1024x128xbf16>
    tpu.vector_store %arg8[%swap3A_64, %swap3A_65], %convert_element_type3A_63 {strides = array<i32>} : memref<1024x384xbf16, #tpu.memory_space<vmem>>, vector<1024x128xbf16>,
    %get3A_67 = arith.constant 0 : index
    %get3A_68 = arith.constant 0 : index
    %get3A_69 = vector.load %arg8[%get3A_67, %get3A_68] : memref<1024x384xbf16, #tpu.memory_space<vmem>>, vector<1024x384xbf16>
    %get3A_70 = arith.constant 0 : index
    %get3A_71 = arith.constant 0 : index
    %get3A_72 = vector.load %arg2[%get3A_70, %get3A_71] : memref<384x1024xbf16, #tpu.memory_space<vmem>>, vector<384x1024xbf16>
    %dot_general3A_73 = arith.constant dense<0.000000e+00> : vector<1024x1024xf32>
    %dot_general3A_74 = tpu.matmul %get3A_69, %get3A_72, %dot_general3A_73 {dimension_numbers = #tpu.dot_dimension_numbers<[1], [0], [0], [1], [0, 0, 1, 1], [], []>, transpose_lhs_hint = false} : vector<1024x384xbf16>, vector<384x1024xbf16>, vector<1024x1024xf32> -> vector<1024x1024xf32>
    %get3A_75 = arith.constant 0 : index
    %get3A_76 = arith.constant 0 : index
    %get3A_77 = vector.load %arg3[%get3A_75, %get3A_76] : memref<1x1024xf32, #tpu.memory_space<vmem>>, vector<1x1024xf32>
    %add3A_78 = vector.broadcast %get3A_77 : vector<1x1024xf32> to vector<1024x1024xf32>
    %add3A_79 = arith.addf %dot_general3A_74, %add3A_78 : vector<1024x1024xf32>
    %slice3A_80 = vector.extract_strided_slice %add3A_79 {offsets = [0, 0], sizes = [1024, 256], strides = [1, 1]} : vector<1024x1024xf32> to vector<1024x256xf32>
    %tanh3A_81 = math.tanh %slice3A_80 : vector<1024x256xf32>
    %mul3A_82 = arith.constant 5.000000e-01 : f32
    %mul3A_83 = vector.broadcast %mul3A_82 : f32 to vector<1024x256xf32>
    %mul3A_84 = arith.mulf %mul3A_83, %tanh3A_81 : vector<1024x256xf32>
    %add3A_85 = arith.constant 5.000000e-01 : f32
    %add3A_86 = vector.broadcast %add3A_85 : f32 to vector<1024x256xf32>
    %add3A_87 = arith.addf %mul3A_84, %add3A_86 : vector<1024x256xf32>
    %slice3A_88 = vector.extract_strided_slice %add3A_79 {offsets = [0, 256], sizes = [1024, 256], strides = [1, 1]} : vector<1024x1024xf32> to vector<1024x256xf32>
    %tanh3A_89 = math.tanh %slice3A_88 : vector<1024x256xf32>
    %mul3A_90 = arith.constant 5.000000e-01 : f32
    %mul3A_91 = vector.broadcast %mul3A_90 : f32 to vector<1024x256xf32>
    %mul3A_92 = arith.mulf %mul3A_91, %tanh3A_89 : vector<1024x256xf32>
    %add3A_93 = arith.constant 5.000000e-01 : f32
    %add3A_94 = vector.broadcast %add3A_93 : f32 to vector<1024x256xf32>
    %add3A_95 = arith.addf %mul3A_92, %add3A_94 : vector<1024x256xf32>
    %slice3A_96 = vector.extract_strided_slice %add3A_79 {offsets = [0, 512], sizes = [1024, 256], strides = [1, 1]} : vector<1024x1024xf32> to vector<1024x256xf32>
    %tanh3A_97 = math.tanh %slice3A_96 : vector<1024x256xf32>
    %slice3A_98 = vector.extract_strided_slice %add3A_79 {offsets = [0, 768], sizes = [1024, 256], strides = [1, 1]} : vector<1024x1024xf32> to vector<1024x256xf32>
    %tanh3A_99 = math.tanh %slice3A_98 : vector<1024x256xf32>
    %mul3A_100 = arith.constant 5.000000e-01 : f32
    %mul3A_101 = vector.broadcast %mul3A_100 : f32 to vector<1024x256xf32>
    %mul3A_102 = arith.mulf %mul3A_101, %tanh3A_99 : vector<1024x256xf32>
    %add3A_103 = arith.constant 5.000000e-01 : f32
    %add3A_104 = vector.broadcast %add3A_103 : f32 to vector<1024x256xf32>
    %add3A_105 = arith.addf %mul3A_102, %add3A_104 : vector<1024x256xf32>
    %get3A_106 = arith.constant 0 : index
    %get3A_107 = arith.constant 0 : index
    %get3A_108 = vector.load %arg9[%get3A_106, %get3A_107] : memref<1024x256xf32, #tpu.memory_space<vmem>>, vector<1024x256xf32>
    %mul3A_109 = arith.mulf %add3A_95, %get3A_108 : vector<1024x256xf32>
    %mul3A_110 = arith.mulf %add3A_87, %tanh3A_97 : vector<1024x256xf32>
    %add3A_111 = arith.addf %mul3A_109, %mul3A_110 : vector<1024x256xf32>
    %tanh3A_112 = math.tanh %add3A_111 : vector<1024x256xf32>
    %mul3A_113 = arith.mulf %add3A_105, %tanh3A_112 : vector<1024x256xf32>
    %swap3A_114 = arith.constant 0 : index
    %swap3A_115 = arith.constant 0 : index
    %swap3A_116 = vector.load %arg9[%swap3A_114, %swap3A_115] : memref<1024x256xf32, #tpu.memory_space<vmem>>, vector<1024x256xf32>
    tpu.vector_store %arg9[%swap3A_114, %swap3A_115], %add3A_111 {strides = array<i32>} : memref<1024x256xf32, #tpu.memory_space<vmem>>, vector<1024x256xf32>,
    %convert_element_type3A_117 = arith.truncf %mul3A_113 : vector<1024x256xf32> to vector<1024x256xbf16>
    %swap3A_118 = arith.constant 0 : index
    %swap3A_119 = arith.constant 128 : index
    %swap3A_120 = vector.load %arg8[%swap3A_118, %swap3A_119] : memref<1024x384xbf16, #tpu.memory_space<vmem>>, vector<1024x256xbf16>
    tpu.vector_store %arg8[%swap3A_118, %swap3A_119], %convert_element_type3A_117 {strides = array<i32>} : memref<1024x384xbf16, #tpu.memory_space<vmem>>, vector<1024x256xbf16>,
    %get3A_121 = arith.constant 2 : index
    %get3A_122 = arith.constant 0 : index
    %get3A_123 = arith.constant 0 : index
    %get3A_124 = vector.load %arg1[%get3A_121, %get3A_122, %get3A_123] : memref<5x1024x128xf32, #tpu.memory_space<vmem>>, vector<1x1024x128xf32>
    %get3A_125 = vector.shape_cast %get3A_124 : vector<1x1024x128xf32> to vector<1024x128xf32>
    %convert_element_type3A_126 = arith.truncf %get3A_125 : vector<1024x128xf32> to vector<1024x128xbf16>
    %swap3A_127 = arith.constant 0 : index
    %swap3A_128 = arith.constant 0 : index
    %swap3A_129 = vector.load %arg8[%swap3A_127, %swap3A_128] : memref<1024x384xbf16, #tpu.memory_space<vmem>>, vector<1024x128xbf16>
    tpu.vector_store %arg8[%swap3A_127, %swap3A_128], %convert_element_type3A_126 {strides = array<i32>} : memref<1024x384xbf16, #tpu.memory_space<vmem>>, vector<1024x128xbf16>,
    %get3A_130 = arith.constant 0 : index
    %get3A_131 = arith.constant 0 : index
    %get3A_132 = vector.load %arg8[%get3A_130, %get3A_131] : memref<1024x384xbf16, #tpu.memory_space<vmem>>, vector<1024x384xbf16>
    %get3A_133 = arith.constant 0 : index
    %get3A_134 = arith.constant 0 : index
    %get3A_135 = vector.load %arg2[%get3A_133, %get3A_134] : memref<384x1024xbf16, #tpu.memory_space<vmem>>, vector<384x1024xbf16>
    %dot_general3A_136 = arith.constant dense<0.000000e+00> : vector<1024x1024xf32>
    %dot_general3A_137 = tpu.matmul %get3A_132, %get3A_135, %dot_general3A_136 {dimension_numbers = #tpu.dot_dimension_numbers<[1], [0], [0], [1], [0, 0, 1, 1], [], []>, transpose_lhs_hint = false} : vector<1024x384xbf16>, vector<384x1024xbf16>, vector<1024x1024xf32> -> vector<1024x1024xf32>
    %get3A_138 = arith.constant 0 : index
    %get3A_139 = arith.constant 0 : index
    %get3A_140 = vector.load %arg3[%get3A_138, %get3A_139] : memref<1x1024xf32, #tpu.memory_space<vmem>>, vector<1x1024xf32>
    %add3A_141 = vector.broadcast %get3A_140 : vector<1x1024xf32> to vector<1024x1024xf32>
    %add3A_142 = arith.addf %dot_general3A_137, %add3A_141 : vector<1024x1024xf32>
    %slice3A_143 = vector.extract_strided_slice %add3A_142 {offsets = [0, 0], sizes = [1024, 256], strides = [1, 1]} : vector<1024x1024xf32> to vector<1024x256xf32>
    %tanh3A_144 = math.tanh %slice3A_143 : vector<1024x256xf32>
    %mul3A_145 = arith.constant 5.000000e-01 : f32
    %mul3A_146 = vector.broadcast %mul3A_145 : f32 to vector<1024x256xf32>
    %mul3A_147 = arith.mulf %mul3A_146, %tanh3A_144 : vector<1024x256xf32>
    %add3A_148 = arith.constant 5.000000e-01 : f32
    %add3A_149 = vector.broadcast %add3A_148 : f32 to vector<1024x256xf32>
    %add3A_150 = arith.addf %mul3A_147, %add3A_149 : vector<1024x256xf32>
    %slice3A_151 = vector.extract_strided_slice %add3A_142 {offsets = [0, 256], sizes = [1024, 256], strides = [1, 1]} : vector<1024x1024xf32> to vector<1024x256xf32>
    %tanh3A_152 = math.tanh %slice3A_151 : vector<1024x256xf32>
    %mul3A_153 = arith.constant 5.000000e-01 : f32
    %mul3A_154 = vector.broadcast %mul3A_153 : f32 to vector<1024x256xf32>
    %mul3A_155 = arith.mulf %mul3A_154, %tanh3A_152 : vector<1024x256xf32>
    %add3A_156 = arith.constant 5.000000e-01 : f32
    %add3A_157 = vector.broadcast %add3A_156 : f32 to vector<1024x256xf32>
    %add3A_158 = arith.addf %mul3A_155, %add3A_157 : vector<1024x256xf32>
    %slice3A_159 = vector.extract_strided_slice %add3A_142 {offsets = [0, 512], sizes = [1024, 256], strides = [1, 1]} : vector<1024x1024xf32> to vector<1024x256xf32>
    %tanh3A_160 = math.tanh %slice3A_159 : vector<1024x256xf32>
    %slice3A_161 = vector.extract_strided_slice %add3A_142 {offsets = [0, 768], sizes = [1024, 256], strides = [1, 1]} : vector<1024x1024xf32> to vector<1024x256xf32>
    %tanh3A_162 = math.tanh %slice3A_161 : vector<1024x256xf32>
    %mul3A_163 = arith.constant 5.000000e-01 : f32
    %mul3A_164 = vector.broadcast %mul3A_163 : f32 to vector<1024x256xf32>
    %mul3A_165 = arith.mulf %mul3A_164, %tanh3A_162 : vector<1024x256xf32>
    %add3A_166 = arith.constant 5.000000e-01 : f32
    %add3A_167 = vector.broadcast %add3A_166 : f32 to vector<1024x256xf32>
    %add3A_168 = arith.addf %mul3A_165, %add3A_167 : vector<1024x256xf32>
    %get3A_169 = arith.constant 0 : index
    %get3A_170 = arith.constant 0 : index
    %get3A_171 = vector.load %arg9[%get3A_169, %get3A_170] : memref<1024x256xf32, #tpu.memory_space<vmem>>, vector<1024x256xf32>
    %mul3A_172 = arith.mulf %add3A_158, %get3A_171 : vector<1024x256xf32>
    %mul3A_173 = arith.mulf %add3A_150, %tanh3A_160 : vector<1024x256xf32>
    %add3A_174 = arith.addf %mul3A_172, %mul3A_173 : vector<1024x256xf32>
    %tanh3A_175 = math.tanh %add3A_174 : vector<1024x256xf32>
    %mul3A_176 = arith.mulf %add3A_168, %tanh3A_175 : vector<1024x256xf32>
    %swap3A_177 = arith.constant 0 : index
    %swap3A_178 = arith.constant 0 : index
    %swap3A_179 = vector.load %arg9[%swap3A_177, %swap3A_178] : memref<1024x256xf32, #tpu.memory_space<vmem>>, vector<1024x256xf32>
    tpu.vector_store %arg9[%swap3A_177, %swap3A_178], %add3A_174 {strides = array<i32>} : memref<1024x256xf32, #tpu.memory_space<vmem>>, vector<1024x256xf32>,
    %convert_element_type3A_180 = arith.truncf %mul3A_176 : vector<1024x256xf32> to vector<1024x256xbf16>
    %swap3A_181 = arith.constant 0 : index
    %swap3A_182 = arith.constant 128 : index
    %swap3A_183 = vector.load %arg8[%swap3A_181, %swap3A_182] : memref<1024x384xbf16, #tpu.memory_space<vmem>>, vector<1024x256xbf16>
    tpu.vector_store %arg8[%swap3A_181, %swap3A_182], %convert_element_type3A_180 {strides = array<i32>} : memref<1024x384xbf16, #tpu.memory_space<vmem>>, vector<1024x256xbf16>,
    %get3A_184 = arith.constant 3 : index
    %get3A_185 = arith.constant 0 : index
    %get3A_186 = arith.constant 0 : index
    %get3A_187 = vector.load %arg1[%get3A_184, %get3A_185, %get3A_186] : memref<5x1024x128xf32, #tpu.memory_space<vmem>>, vector<1x1024x128xf32>
    %get3A_188 = vector.shape_cast %get3A_187 : vector<1x1024x128xf32> to vector<1024x128xf32>
    %convert_element_type3A_189 = arith.truncf %get3A_188 : vector<1024x128xf32> to vector<1024x128xbf16>
    %swap3A_190 = arith.constant 0 : index
    %swap3A_191 = arith.constant 0 : index
    %swap3A_192 = vector.load %arg8[%swap3A_190, %swap3A_191] : memref<1024x384xbf16, #tpu.memory_space<vmem>>, vector<1024x128xbf16>
    tpu.vector_store %arg8[%swap3A_190, %swap3A_191], %convert_element_type3A_189 {strides = array<i32>} : memref<1024x384xbf16, #tpu.memory_space<vmem>>, vector<1024x128xbf16>,
    %get3A_193 = arith.constant 0 : index
    %get3A_194 = arith.constant 0 : index
    %get3A_195 = vector.load %arg8[%get3A_193, %get3A_194] : memref<1024x384xbf16, #tpu.memory_space<vmem>>, vector<1024x384xbf16>
    %get3A_196 = arith.constant 0 : index
    %get3A_197 = arith.constant 0 : index
    %get3A_198 = vector.load %arg2[%get3A_196, %get3A_197] : memref<384x1024xbf16, #tpu.memory_space<vmem>>, vector<384x1024xbf16>
    %dot_general3A_199 = arith.constant dense<0.000000e+00> : vector<1024x1024xf32>
    %dot_general3A_200 = tpu.matmul %get3A_195, %get3A_198, %dot_general3A_199 {dimension_numbers = #tpu.dot_dimension_numbers<[1], [0], [0], [1], [0, 0, 1, 1], [], []>, transpose_lhs_hint = false} : vector<1024x384xbf16>, vector<384x1024xbf16>, vector<1024x1024xf32> -> vector<1024x1024xf32>
    %get3A_201 = arith.constant 0 : index
    %get3A_202 = arith.constant 0 : index
    %get3A_203 = vector.load %arg3[%get3A_201, %get3A_202] : memref<1x1024xf32, #tpu.memory_space<vmem>>, vector<1x1024xf32>
    %add3A_204 = vector.broadcast %get3A_203 : vector<1x1024xf32> to vector<1024x1024xf32>
    %add3A_205 = arith.addf %dot_general3A_200, %add3A_204 : vector<1024x1024xf32>
    %slice3A_206 = vector.extract_strided_slice %add3A_205 {offsets = [0, 0], sizes = [1024, 256], strides = [1, 1]} : vector<1024x1024xf32> to vector<1024x256xf32>
    %tanh3A_207 = math.tanh %slice3A_206 : vector<1024x256xf32>
    %mul3A_208 = arith.constant 5.000000e-01 : f32
    %mul3A_209 = vector.broadcast %mul3A_208 : f32 to vector<1024x256xf32>
    %mul3A_210 = arith.mulf %mul3A_209, %tanh3A_207 : vector<1024x256xf32>
    %add3A_211 = arith.constant 5.000000e-01 : f32
    %add3A_212 = vector.broadcast %add3A_211 : f32 to vector<1024x256xf32>
    %add3A_213 = arith.addf %mul3A_210, %add3A_212 : vector<1024x256xf32>
    %slice3A_214 = vector.extract_strided_slice %add3A_205 {offsets = [0, 256], sizes = [1024, 256], strides = [1, 1]} : vector<1024x1024xf32> to vector<1024x256xf32>
    %tanh3A_215 = math.tanh %slice3A_214 : vector<1024x256xf32>
    %mul3A_216 = arith.constant 5.000000e-01 : f32
    %mul3A_217 = vector.broadcast %mul3A_216 : f32 to vector<1024x256xf32>
    %mul3A_218 = arith.mulf %mul3A_217, %tanh3A_215 : vector<1024x256xf32>
    %add3A_219 = arith.constant 5.000000e-01 : f32
    %add3A_220 = vector.broadcast %add3A_219 : f32 to vector<1024x256xf32>
    %add3A_221 = arith.addf %mul3A_218, %add3A_220 : vector<1024x256xf32>
    %slice3A_222 = vector.extract_strided_slice %add3A_205 {offsets = [0, 512], sizes = [1024, 256], strides = [1, 1]} : vector<1024x1024xf32> to vector<1024x256xf32>
    %tanh3A_223 = math.tanh %slice3A_222 : vector<1024x256xf32>
    %slice3A_224 = vector.extract_strided_slice %add3A_205 {offsets = [0, 768], sizes = [1024, 256], strides = [1, 1]} : vector<1024x1024xf32> to vector<1024x256xf32>
    %tanh3A_225 = math.tanh %slice3A_224 : vector<1024x256xf32>
    %mul3A_226 = arith.constant 5.000000e-01 : f32
    %mul3A_227 = vector.broadcast %mul3A_226 : f32 to vector<1024x256xf32>
    %mul3A_228 = arith.mulf %mul3A_227, %tanh3A_225 : vector<1024x256xf32>
    %add3A_229 = arith.constant 5.000000e-01 : f32
    %add3A_230 = vector.broadcast %add3A_229 : f32 to vector<1024x256xf32>
    %add3A_231 = arith.addf %mul3A_228, %add3A_230 : vector<1024x256xf32>
    %get3A_232 = arith.constant 0 : index
    %get3A_233 = arith.constant 0 : index
    %get3A_234 = vector.load %arg9[%get3A_232, %get3A_233] : memref<1024x256xf32, #tpu.memory_space<vmem>>, vector<1024x256xf32>
    %mul3A_235 = arith.mulf %add3A_221, %get3A_234 : vector<1024x256xf32>
    %mul3A_236 = arith.mulf %add3A_213, %tanh3A_223 : vector<1024x256xf32>
    %add3A_237 = arith.addf %mul3A_235, %mul3A_236 : vector<1024x256xf32>
    %tanh3A_238 = math.tanh %add3A_237 : vector<1024x256xf32>
    %mul3A_239 = arith.mulf %add3A_231, %tanh3A_238 : vector<1024x256xf32>
    %swap3A_240 = arith.constant 0 : index
    %swap3A_241 = arith.constant 0 : index
    %swap3A_242 = vector.load %arg9[%swap3A_240, %swap3A_241] : memref<1024x256xf32, #tpu.memory_space<vmem>>, vector<1024x256xf32>
    tpu.vector_store %arg9[%swap3A_240, %swap3A_241], %add3A_237 {strides = array<i32>} : memref<1024x256xf32, #tpu.memory_space<vmem>>, vector<1024x256xf32>,
    %convert_element_type3A_243 = arith.truncf %mul3A_239 : vector<1024x256xf32> to vector<1024x256xbf16>
    %swap3A_244 = arith.constant 0 : index
    %swap3A_245 = arith.constant 128 : index
    %swap3A_246 = vector.load %arg8[%swap3A_244, %swap3A_245] : memref<1024x384xbf16, #tpu.memory_space<vmem>>, vector<1024x256xbf16>
    tpu.vector_store %arg8[%swap3A_244, %swap3A_245], %convert_element_type3A_243 {strides = array<i32>} : memref<1024x384xbf16, #tpu.memory_space<vmem>>, vector<1024x256xbf16>,
    %get3A_247 = arith.constant 4 : index
    %get3A_248 = arith.constant 0 : index
    %get3A_249 = arith.constant 0 : index
    %get3A_250 = vector.load %arg1[%get3A_247, %get3A_248, %get3A_249] : memref<5x1024x128xf32, #tpu.memory_space<vmem>>, vector<1x1024x128xf32>
    %get3A_251 = vector.shape_cast %get3A_250 : vector<1x1024x128xf32> to vector<1024x128xf32>
    %convert_element_type3A_252 = arith.truncf %get3A_251 : vector<1024x128xf32> to vector<1024x128xbf16>
    %swap3A_253 = arith.constant 0 : index
    %swap3A_254 = arith.constant 0 : index
    %swap3A_255 = vector.load %arg8[%swap3A_253, %swap3A_254] : memref<1024x384xbf16, #tpu.memory_space<vmem>>, vector<1024x128xbf16>
    tpu.vector_store %arg8[%swap3A_253, %swap3A_254], %convert_element_type3A_252 {strides = array<i32>} : memref<1024x384xbf16, #tpu.memory_space<vmem>>, vector<1024x128xbf16>,
    %get3A_256 = arith.constant 0 : index
    %get3A_257 = arith.constant 0 : index
    %get3A_258 = vector.load %arg8[%get3A_256, %get3A_257] : memref<1024x384xbf16, #tpu.memory_space<vmem>>, vector<1024x384xbf16>
    %get3A_259 = arith.constant 0 : index
    %get3A_260 = arith.constant 0 : index
    %get3A_261 = vector.load %arg2[%get3A_259, %get3A_260] : memref<384x1024xbf16, #tpu.memory_space<vmem>>, vector<384x1024xbf16>
    %dot_general3A_262 = arith.constant dense<0.000000e+00> : vector<1024x1024xf32>
    %dot_general3A_263 = tpu.matmul %get3A_258, %get3A_261, %dot_general3A_262 {dimension_numbers = #tpu.dot_dimension_numbers<[1], [0], [0], [1], [0, 0, 1, 1], [], []>, transpose_lhs_hint = false} : vector<1024x384xbf16>, vector<384x1024xbf16>, vector<1024x1024xf32> -> vector<1024x1024xf32>
    %get3A_264 = arith.constant 0 : index
    %get3A_265 = arith.constant 0 : index
    %get3A_266 = vector.load %arg3[%get3A_264, %get3A_265] : memref<1x1024xf32, #tpu.memory_space<vmem>>, vector<1x1024xf32>
    %add3A_267 = vector.broadcast %get3A_266 : vector<1x1024xf32> to vector<1024x1024xf32>
    %add3A_268 = arith.addf %dot_general3A_263, %add3A_267 : vector<1024x1024xf32>
    %slice3A_269 = vector.extract_strided_slice %add3A_268 {offsets = [0, 0], sizes = [1024, 256], strides = [1, 1]} : vector<1024x1024xf32> to vector<1024x256xf32>
    %tanh3A_270 = math.tanh %slice3A_269 : vector<1024x256xf32>
    %mul3A_271 = arith.constant 5.000000e-01 : f32
    %mul3A_272 = vector.broadcast %mul3A_271 : f32 to vector<1024x256xf32>
    %mul3A_273 = arith.mulf %mul3A_272, %tanh3A_270 : vector<1024x256xf32>
    %add3A_274 = arith.constant 5.000000e-01 : f32
    %add3A_275 = vector.broadcast %add3A_274 : f32 to vector<1024x256xf32>
    %add3A_276 = arith.addf %mul3A_273, %add3A_275 : vector<1024x256xf32>
    %slice3A_277 = vector.extract_strided_slice %add3A_268 {offsets = [0, 256], sizes = [1024, 256], strides = [1, 1]} : vector<1024x1024xf32> to vector<1024x256xf32>
    %tanh3A_278 = math.tanh %slice3A_277 : vector<1024x256xf32>
    %mul3A_279 = arith.constant 5.000000e-01 : f32
    %mul3A_280 = vector.broadcast %mul3A_279 : f32 to vector<1024x256xf32>
    %mul3A_281 = arith.mulf %mul3A_280, %tanh3A_278 : vector<1024x256xf32>
    %add3A_282 = arith.constant 5.000000e-01 : f32
    %add3A_283 = vector.broadcast %add3A_282 : f32 to vector<1024x256xf32>
    %add3A_284 = arith.addf %mul3A_281, %add3A_283 : vector<1024x256xf32>
    %slice3A_285 = vector.extract_strided_slice %add3A_268 {offsets = [0, 512], sizes = [1024, 256], strides = [1, 1]} : vector<1024x1024xf32> to vector<1024x256xf32>
    %tanh3A_286 = math.tanh %slice3A_285 : vector<1024x256xf32>
    %slice3A_287 = vector.extract_strided_slice %add3A_268 {offsets = [0, 768], sizes = [1024, 256], strides = [1, 1]} : vector<1024x1024xf32> to vector<1024x256xf32>
    %tanh3A_288 = math.tanh %slice3A_287 : vector<1024x256xf32>
    %mul3A_289 = arith.constant 5.000000e-01 : f32
    %mul3A_290 = vector.broadcast %mul3A_289 : f32 to vector<1024x256xf32>
    %mul3A_291 = arith.mulf %mul3A_290, %tanh3A_288 : vector<1024x256xf32>
    %add3A_292 = arith.constant 5.000000e-01 : f32
    %add3A_293 = vector.broadcast %add3A_292 : f32 to vector<1024x256xf32>
    %add3A_294 = arith.addf %mul3A_291, %add3A_293 : vector<1024x256xf32>
    %get3A_295 = arith.constant 0 : index
    %get3A_296 = arith.constant 0 : index
    %get3A_297 = vector.load %arg9[%get3A_295, %get3A_296] : memref<1024x256xf32, #tpu.memory_space<vmem>>, vector<1024x256xf32>
    %mul3A_298 = arith.mulf %add3A_284, %get3A_297 : vector<1024x256xf32>
    %mul3A_299 = arith.mulf %add3A_276, %tanh3A_286 : vector<1024x256xf32>
    %add3A_300 = arith.addf %mul3A_298, %mul3A_299 : vector<1024x256xf32>
    %tanh3A_301 = math.tanh %add3A_300 : vector<1024x256xf32>
    %mul3A_302 = arith.mulf %add3A_294, %tanh3A_301 : vector<1024x256xf32>
    %swap3A_303 = arith.constant 0 : index
    %swap3A_304 = arith.constant 0 : index
    %swap3A_305 = vector.load %arg9[%swap3A_303, %swap3A_304] : memref<1024x256xf32, #tpu.memory_space<vmem>>, vector<1024x256xf32>
    tpu.vector_store %arg9[%swap3A_303, %swap3A_304], %add3A_300 {strides = array<i32>} : memref<1024x256xf32, #tpu.memory_space<vmem>>, vector<1024x256xf32>,
    %convert_element_type3A_306 = arith.truncf %mul3A_302 : vector<1024x256xf32> to vector<1024x256xbf16>
    %swap3A_307 = arith.constant 0 : index
    %swap3A_308 = arith.constant 128 : index
    %swap3A_309 = vector.load %arg8[%swap3A_307, %swap3A_308] : memref<1024x384xbf16, #tpu.memory_space<vmem>>, vector<1024x256xbf16>
    tpu.vector_store %arg8[%swap3A_307, %swap3A_308], %convert_element_type3A_306 {strides = array<i32>} : memref<1024x384xbf16, #tpu.memory_space<vmem>>, vector<1024x256xbf16>,
    %eq3A_310 = arith.constant 4 : i32
    %eq3A_311 = arith.cmpi eq, %arg0, %eq3A_310 : i32
    %convert_element_type3A_312 = arith.extui %eq3A_311 : i1 to i32
    %cond3A_313 = arith.constant 0 : i32
    %cond3A_314 = arith.cmpi ne, %convert_element_type3A_312, %cond3A_313 : i32
    scf.if %cond3A_314 {
      %swap3A_315 = arith.constant 0 : index
      %swap3A_316 = arith.constant 0 : index
      %swap3A_317 = vector.load %arg6[%swap3A_315, %swap3A_316] : memref<1024x256xf32, #tpu.memory_space<vmem>>, vector<1024x256xf32>
      tpu.vector_store %arg6[%swap3A_315, %swap3A_316], %mul3A_302 {strides = array<i32>} : memref<1024x256xf32, #tpu.memory_space<vmem>>, vector<1024x256xf32>,
      %swap3A_318 = arith.constant 0 : index
      %swap3A_319 = arith.constant 0 : index
      %swap3A_320 = vector.load %arg7[%swap3A_318, %swap3A_319] : memref<1024x256xf32, #tpu.memory_space<vmem>>, vector<1024x256xf32>
      tpu.vector_store %arg7[%swap3A_318, %swap3A_319], %add3A_300 {strides = array<i32>} : memref<1024x256xf32, #tpu.memory_space<vmem>>, vector<1024x256xf32>,
    } else {
    }
    return
  }
  func.func @transform_0(%arg0: i32) -> (i32, i32, i32) {
    %c0_i32 = arith.constant 0 : i32
    %c0_i32_0 = arith.constant 0 : i32
    %c0_i32_1 = arith.constant 0 : i32
    return %arg0, %c0_i32, %c0_i32_0 : i32, i32, i32
  }
  func.func @transform_1(%arg0: i32) -> (i32, i32) {
    %c0_i32 = arith.constant 0 : i32
    %c0_i32_0 = arith.constant 0 : i32
    %c0_i32_1 = arith.constant 0 : i32
    return %c0_i32, %c0_i32_0 : i32, i32
  }
  func.func @transform_2(%arg0: i32) -> (i32, i32) {
    %c0_i32 = arith.constant 0 : i32
    %c0_i32_0 = arith.constant 0 : i32
    %c0_i32_1 = arith.constant 0 : i32
    return %c0_i32, %c0_i32_0 : i32, i32
  }
  func.func @transform_3(%arg0: i32) -> (i32, i32) {
    %c0_i32 = arith.constant 0 : i32
    %c0_i32_0 = arith.constant 0 : i32
    %c0_i32_1 = arith.constant 0 : i32
    return %c0_i32, %c0_i32_0 : i32, i32
  }
  func.func @transform_4(%arg0: i32) -> (i32, i32) {
    %c0_i32 = arith.constant 0 : i32
    %c0_i32_0 = arith.constant 0 : i32
    %c0_i32_1 = arith.constant 0 : i32
    return %c0_i32, %c0_i32_0 : i32, i32
  }
  func.func @transform_5(%arg0: i32) -> (i32, i32) {
    %c0_i32 = arith.constant 0 : i32
    %c0_i32_0 = arith.constant 0 : i32
    %c0_i32_1 = arith.constant 0 : i32
    return %c0_i32, %c0_i32_0 : i32, i32
  }
  func.func @transform_6(%arg0: i32) -> (i32, i32) {
    %c0_i32 = arith.constant 0 : i32
    %c0_i32_0 = arith.constant 0 : i32
    %c0_i32_1 = arith.constant 0 : i32
    return %c0_i32, %c0_i32_0 : i32, i32
  }
}

module attributes {stable_mosaic.version = 14 : i64} {
  func.func @_lstm_step(%arg0: i32, %arg1: memref<5x1024x128xf32, #tpu.memory_space<vmem>>, %arg2: memref<384x1024xbf16, #tpu.memory_space<vmem>>, %arg3: memref<1x1024xf32, #tpu.memory_space<vmem>>, %arg4: memref<1024x256xf32, #tpu.memory_space<vmem>>, %arg5: memref<1024x256xf32, #tpu.memory_space<vmem>>, %arg6: memref<1024x256xf32, #tpu.memory_space<vmem>>, %arg7: memref<1024x256xf32, #tpu.memory_space<vmem>>, %arg8: memref<1024x384xbf16, #tpu.memory_space<vmem>>, %arg9: memref<1024x256xf32, #tpu.memory_space<vmem>>) attributes {dimension_semantics = [#tpu.dimension_semantics<arbitrary>], iteration_bounds = array<i64: 5>, scalar_prefetch = 0 : i64, scratch_operands = 2 : i64, tpu.core_type = #tpu.core_type<tc>, window_params = [{transform_indices = @transform_0, window_bounds = array<i64: 5, 1024, 128>}, {pipeline_mode = #tpu.pipeline_mode<synchronous>, transform_indices = @transform_1, window_bounds = array<i64: 384, 1024>}, {pipeline_mode = #tpu.pipeline_mode<synchronous>, transform_indices = @transform_2, window_bounds = array<i64: 1, 1024>}, {pipeline_mode = #tpu.pipeline_mode<synchronous>, transform_indices = @transform_3, window_bounds = array<i64: 1024, 256>}, {pipeline_mode = #tpu.pipeline_mode<synchronous>, transform_indices = @transform_4, window_bounds = array<i64: 1024, 256>}, {pipeline_mode = #tpu.pipeline_mode<synchronous>, transform_indices = @transform_5, window_bounds = array<i64: 1024, 256>}, {pipeline_mode = #tpu.pipeline_mode<synchronous>, transform_indices = @transform_6, window_bounds = array<i64: 1024, 256>}]} {
    %eq3A = arith.constant 0 : i32
    %eq3A_0 = arith.cmpi eq, %arg0, %eq3A : i32
    %convert_element_type3A = arith.extui %eq3A_0 : i1 to i32
    %cond3A = arith.constant 0 : i32
    %cond3A_1 = arith.cmpi ne, %convert_element_type3A, %cond3A : i32
    scf.if %cond3A_1 {
      %get3A_315 = arith.constant 0 : index
      %get3A_316 = arith.constant 0 : index
      %get3A_317 = vector.load %arg4[%get3A_315, %get3A_316] : memref<1024x256xf32, #tpu.memory_space<vmem>>, vector<1024x256xf32>
      %convert_element_type3A_318 = arith.truncf %get3A_317 : vector<1024x256xf32> to vector<1024x256xbf16>
      %swap3A_319 = arith.constant 0 : index
      %swap3A_320 = arith.constant 128 : index
      %swap3A_321 = vector.load %arg8[%swap3A_319, %swap3A_320] : memref<1024x384xbf16, #tpu.memory_space<vmem>>, vector<1024x256xbf16>
      tpu.vector_store %arg8[%swap3A_319, %swap3A_320], %convert_element_type3A_318 {strides = array<i32>} : memref<1024x384xbf16, #tpu.memory_space<vmem>>, vector<1024x256xbf16>,
      %get3A_322 = arith.constant 0 : index
      %get3A_323 = arith.constant 0 : index
      %get3A_324 = vector.load %arg5[%get3A_322, %get3A_323] : memref<1024x256xf32, #tpu.memory_space<vmem>>, vector<1024x256xf32>
      %swap3A_325 = arith.constant 0 : index
      %swap3A_326 = arith.constant 0 : index
      %swap3A_327 = vector.load %arg9[%swap3A_325, %swap3A_326] : memref<1024x256xf32, #tpu.memory_space<vmem>>, vector<1024x256xf32>
      tpu.vector_store %arg9[%swap3A_325, %swap3A_326], %get3A_324 {strides = array<i32>} : memref<1024x256xf32, #tpu.memory_space<vmem>>, vector<1024x256xf32>,
    } else {
    }
    %get3A = arith.constant 0 : index
    %get3A_2 = arith.constant 0 : index
    %get3A_3 = arith.constant 0 : index
    %get3A_4 = vector.load %arg1[%get3A, %get3A_2, %get3A_3] : memref<5x1024x128xf32, #tpu.memory_space<vmem>>, vector<1x1024x128xf32>
    %get3A_5 = vector.shape_cast %get3A_4 : vector<1x1024x128xf32> to vector<1024x128xf32>
    %convert_element_type3A_6 = arith.truncf %get3A_5 : vector<1024x128xf32> to vector<1024x128xbf16>
    %swap3A = arith.constant 0 : index
    %swap3A_7 = arith.constant 0 : index
    %swap3A_8 = vector.load %arg8[%swap3A, %swap3A_7] : memref<1024x384xbf16, #tpu.memory_space<vmem>>, vector<1024x128xbf16>
    tpu.vector_store %arg8[%swap3A, %swap3A_7], %convert_element_type3A_6 {strides = array<i32>} : memref<1024x384xbf16, #tpu.memory_space<vmem>>, vector<1024x128xbf16>,
    %get3A_9 = arith.constant 0 : index
    %get3A_10 = arith.constant 0 : index
    %get3A_11 = vector.load %arg8[%get3A_9, %get3A_10] : memref<1024x384xbf16, #tpu.memory_space<vmem>>, vector<1024x384xbf16>
    %get3A_12 = arith.constant 0 : index
    %get3A_13 = arith.constant 0 : index
    %get3A_14 = vector.load %arg2[%get3A_12, %get3A_13] : memref<384x1024xbf16, #tpu.memory_space<vmem>>, vector<384x1024xbf16>
    %dot_general3A = arith.constant dense<0.000000e+00> : vector<1024x1024xf32>
    %dot_general3A_15 = tpu.matmul %get3A_11, %get3A_14, %dot_general3A {dimension_numbers = #tpu.dot_dimension_numbers<[1], [0], [0], [1], [0, 0, 1, 1], [], []>, transpose_lhs_hint = false} : vector<1024x384xbf16>, vector<384x1024xbf16>, vector<1024x1024xf32> -> vector<1024x1024xf32>
    %get3A_16 = arith.constant 0 : index
    %get3A_17 = arith.constant 0 : index
    %get3A_18 = vector.load %arg3[%get3A_16, %get3A_17] : memref<1x1024xf32, #tpu.memory_space<vmem>>, vector<1x1024xf32>
    %add3A = vector.broadcast %get3A_18 : vector<1x1024xf32> to vector<1024x1024xf32>
    %add3A_19 = arith.addf %dot_general3A_15, %add3A : vector<1024x1024xf32>
    %slice3A = vector.extract_strided_slice %add3A_19 {offsets = [0, 0], sizes = [1024, 256], strides = [1, 1]} : vector<1024x1024xf32> to vector<1024x256xf32>
    %tanh3A = math.tanh %slice3A : vector<1024x256xf32>
    %mul3A = arith.constant 5.000000e-01 : f32
    %mul3A_20 = vector.broadcast %mul3A : f32 to vector<1024x256xf32>
    %mul3A_21 = arith.mulf %mul3A_20, %tanh3A : vector<1024x256xf32>
    %add3A_22 = arith.constant 5.000000e-01 : f32
    %add3A_23 = vector.broadcast %add3A_22 : f32 to vector<1024x256xf32>
    %add3A_24 = arith.addf %mul3A_21, %add3A_23 : vector<1024x256xf32>
    %slice3A_25 = vector.extract_strided_slice %add3A_19 {offsets = [0, 256], sizes = [1024, 256], strides = [1, 1]} : vector<1024x1024xf32> to vector<1024x256xf32>
    %tanh3A_26 = math.tanh %slice3A_25 : vector<1024x256xf32>
    %mul3A_27 = arith.constant 5.000000e-01 : f32
    %mul3A_28 = vector.broadcast %mul3A_27 : f32 to vector<1024x256xf32>
    %mul3A_29 = arith.mulf %mul3A_28, %tanh3A_26 : vector<1024x256xf32>
    %add3A_30 = arith.constant 5.000000e-01 : f32
    %add3A_31 = vector.broadcast %add3A_30 : f32 to vector<1024x256xf32>
    %add3A_32 = arith.addf %mul3A_29, %add3A_31 : vector<1024x256xf32>
    %slice3A_33 = vector.extract_strided_slice %add3A_19 {offsets = [0, 512], sizes = [1024, 256], strides = [1, 1]} : vector<1024x1024xf32> to vector<1024x256xf32>
    %tanh3A_34 = math.tanh %slice3A_33 : vector<1024x256xf32>
    %slice3A_35 = vector.extract_strided_slice %add3A_19 {offsets = [0, 768], sizes = [1024, 256], strides = [1, 1]} : vector<1024x1024xf32> to vector<1024x256xf32>
    %tanh3A_36 = math.tanh %slice3A_35 : vector<1024x256xf32>
    %mul3A_37 = arith.constant 5.000000e-01 : f32
    %mul3A_38 = vector.broadcast %mul3A_37 : f32 to vector<1024x256xf32>
    %mul3A_39 = arith.mulf %mul3A_38, %tanh3A_36 : vector<1024x256xf32>
    %add3A_40 = arith.constant 5.000000e-01 : f32
    %add3A_41 = vector.broadcast %add3A_40 : f32 to vector<1024x256xf32>
    %add3A_42 = arith.addf %mul3A_39, %add3A_41 : vector<1024x256xf32>
    %get3A_43 = arith.constant 0 : index
    %get3A_44 = arith.constant 0 : index
    %get3A_45 = vector.load %arg9[%get3A_43, %get3A_44] : memref<1024x256xf32, #tpu.memory_space<vmem>>, vector<1024x256xf32>
    %mul3A_46 = arith.mulf %add3A_32, %get3A_45 : vector<1024x256xf32>
    %mul3A_47 = arith.mulf %add3A_24, %tanh3A_34 : vector<1024x256xf32>
    %add3A_48 = arith.addf %mul3A_46, %mul3A_47 : vector<1024x256xf32>
    %tanh3A_49 = math.tanh %add3A_48 : vector<1024x256xf32>
    %mul3A_50 = arith.mulf %add3A_42, %tanh3A_49 : vector<1024x256xf32>
    %swap3A_51 = arith.constant 0 : index
    %swap3A_52 = arith.constant 0 : index
    %swap3A_53 = vector.load %arg9[%swap3A_51, %swap3A_52] : memref<1024x256xf32, #tpu.memory_space<vmem>>, vector<1024x256xf32>
    tpu.vector_store %arg9[%swap3A_51, %swap3A_52], %add3A_48 {strides = array<i32>} : memref<1024x256xf32, #tpu.memory_space<vmem>>, vector<1024x256xf32>,
    %convert_element_type3A_54 = arith.truncf %mul3A_50 : vector<1024x256xf32> to vector<1024x256xbf16>
    %swap3A_55 = arith.constant 0 : index
    %swap3A_56 = arith.constant 128 : index
    %swap3A_57 = vector.load %arg8[%swap3A_55, %swap3A_56] : memref<1024x384xbf16, #tpu.memory_space<vmem>>, vector<1024x256xbf16>
    tpu.vector_store %arg8[%swap3A_55, %swap3A_56], %convert_element_type3A_54 {strides = array<i32>} : memref<1024x384xbf16, #tpu.memory_space<vmem>>, vector<1024x256xbf16>,
    %get3A_58 = arith.constant 1 : index
    %get3A_59 = arith.constant 0 : index
    %get3A_60 = arith.constant 0 : index
    %get3A_61 = vector.load %arg1[%get3A_58, %get3A_59, %get3A_60] : memref<5x1024x128xf32, #tpu.memory_space<vmem>>, vector<1x1024x128xf32>
    %get3A_62 = vector.shape_cast %get3A_61 : vector<1x1024x128xf32> to vector<1024x128xf32>
    %convert_element_type3A_63 = arith.truncf %get3A_62 : vector<1024x128xf32> to vector<1024x128xbf16>
    %swap3A_64 = arith.constant 0 : index
    %swap3A_65 = arith.constant 0 : index
    %swap3A_66 = vector.load %arg8[%swap3A_64, %swap3A_65] : memref<1024x384xbf16, #tpu.memory_space<vmem>>, vector<1024x128xbf16>
    tpu.vector_store %arg8[%swap3A_64, %swap3A_65], %convert_element_type3A_63 {strides = array<i32>} : memref<1024x384xbf16, #tpu.memory_space<vmem>>, vector<1024x128xbf16>,
    %get3A_67 = arith.constant 0 : index
    %get3A_68 = arith.constant 0 : index
    %get3A_69 = vector.load %arg8[%get3A_67, %get3A_68] : memref<1024x384xbf16, #tpu.memory_space<vmem>>, vector<1024x384xbf16>
    %get3A_70 = arith.constant 0 : index
    %get3A_71 = arith.constant 0 : index
    %get3A_72 = vector.load %arg2[%get3A_70, %get3A_71] : memref<384x1024xbf16, #tpu.memory_space<vmem>>, vector<384x1024xbf16>
    %dot_general3A_73 = arith.constant dense<0.000000e+00> : vector<1024x1024xf32>
    %dot_general3A_74 = tpu.matmul %get3A_69, %get3A_72, %dot_general3A_73 {dimension_numbers = #tpu.dot_dimension_numbers<[1], [0], [0], [1], [0, 0, 1, 1], [], []>, transpose_lhs_hint = false} : vector<1024x384xbf16>, vector<384x1024xbf16>, vector<1024x1024xf32> -> vector<1024x1024xf32>
    %get3A_75 = arith.constant 0 : index
    %get3A_76 = arith.constant 0 : index
    %get3A_77 = vector.load %arg3[%get3A_75, %get3A_76] : memref<1x1024xf32, #tpu.memory_space<vmem>>, vector<1x1024xf32>
    %add3A_78 = vector.broadcast %get3A_77 : vector<1x1024xf32> to vector<1024x1024xf32>
    %add3A_79 = arith.addf %dot_general3A_74, %add3A_78 : vector<1024x1024xf32>
    %slice3A_80 = vector.extract_strided_slice %add3A_79 {offsets = [0, 0], sizes = [1024, 256], strides = [1, 1]} : vector<1024x1024xf32> to vector<1024x256xf32>
    %tanh3A_81 = math.tanh %slice3A_80 : vector<1024x256xf32>
    %mul3A_82 = arith.constant 5.000000e-01 : f32
    %mul3A_83 = vector.broadcast %mul3A_82 : f32 to vector<1024x256xf32>
    %mul3A_84 = arith.mulf %mul3A_83, %tanh3A_81 : vector<1024x256xf32>
    %add3A_85 = arith.constant 5.000000e-01 : f32
    %add3A_86 = vector.broadcast %add3A_85 : f32 to vector<1024x256xf32>
    %add3A_87 = arith.addf %mul3A_84, %add3A_86 : vector<1024x256xf32>
    %slice3A_88 = vector.extract_strided_slice %add3A_79 {offsets = [0, 256], sizes = [1024, 256], strides = [1, 1]} : vector<1024x1024xf32> to vector<1024x256xf32>
    %tanh3A_89 = math.tanh %slice3A_88 : vector<1024x256xf32>
    %mul3A_90 = arith.constant 5.000000e-01 : f32
    %mul3A_91 = vector.broadcast %mul3A_90 : f32 to vector<1024x256xf32>
    %mul3A_92 = arith.mulf %mul3A_91, %tanh3A_89 : vector<1024x256xf32>
    %add3A_93 = arith.constant 5.000000e-01 : f32
    %add3A_94 = vector.broadcast %add3A_93 : f32 to vector<1024x256xf32>
    %add3A_95 = arith.addf %mul3A_92, %add3A_94 : vector<1024x256xf32>
    %slice3A_96 = vector.extract_strided_slice %add3A_79 {offsets = [0, 512], sizes = [1024, 256], strides = [1, 1]} : vector<1024x1024xf32> to vector<1024x256xf32>
    %tanh3A_97 = math.tanh %slice3A_96 : vector<1024x256xf32>
    %slice3A_98 = vector.extract_strided_slice %add3A_79 {offsets = [0, 768], sizes = [1024, 256], strides = [1, 1]} : vector<1024x1024xf32> to vector<1024x256xf32>
    %tanh3A_99 = math.tanh %slice3A_98 : vector<1024x256xf32>
    %mul3A_100 = arith.constant 5.000000e-01 : f32
    %mul3A_101 = vector.broadcast %mul3A_100 : f32 to vector<1024x256xf32>
    %mul3A_102 = arith.mulf %mul3A_101, %tanh3A_99 : vector<1024x256xf32>
    %add3A_103 = arith.constant 5.000000e-01 : f32
    %add3A_104 = vector.broadcast %add3A_103 : f32 to vector<1024x256xf32>
    %add3A_105 = arith.addf %mul3A_102, %add3A_104 : vector<1024x256xf32>
    %get3A_106 = arith.constant 0 : index
    %get3A_107 = arith.constant 0 : index
    %get3A_108 = vector.load %arg9[%get3A_106, %get3A_107] : memref<1024x256xf32, #tpu.memory_space<vmem>>, vector<1024x256xf32>
    %mul3A_109 = arith.mulf %add3A_95, %get3A_108 : vector<1024x256xf32>
    %mul3A_110 = arith.mulf %add3A_87, %tanh3A_97 : vector<1024x256xf32>
    %add3A_111 = arith.addf %mul3A_109, %mul3A_110 : vector<1024x256xf32>
    %tanh3A_112 = math.tanh %add3A_111 : vector<1024x256xf32>
    %mul3A_113 = arith.mulf %add3A_105, %tanh3A_112 : vector<1024x256xf32>
    %swap3A_114 = arith.constant 0 : index
    %swap3A_115 = arith.constant 0 : index
    %swap3A_116 = vector.load %arg9[%swap3A_114, %swap3A_115] : memref<1024x256xf32, #tpu.memory_space<vmem>>, vector<1024x256xf32>
    tpu.vector_store %arg9[%swap3A_114, %swap3A_115], %add3A_111 {strides = array<i32>} : memref<1024x256xf32, #tpu.memory_space<vmem>>, vector<1024x256xf32>,
    %convert_element_type3A_117 = arith.truncf %mul3A_113 : vector<1024x256xf32> to vector<1024x256xbf16>
    %swap3A_118 = arith.constant 0 : index
    %swap3A_119 = arith.constant 128 : index
    %swap3A_120 = vector.load %arg8[%swap3A_118, %swap3A_119] : memref<1024x384xbf16, #tpu.memory_space<vmem>>, vector<1024x256xbf16>
    tpu.vector_store %arg8[%swap3A_118, %swap3A_119], %convert_element_type3A_117 {strides = array<i32>} : memref<1024x384xbf16, #tpu.memory_space<vmem>>, vector<1024x256xbf16>,
    %get3A_121 = arith.constant 2 : index
    %get3A_122 = arith.constant 0 : index
    %get3A_123 = arith.constant 0 : index
    %get3A_124 = vector.load %arg1[%get3A_121, %get3A_122, %get3A_123] : memref<5x1024x128xf32, #tpu.memory_space<vmem>>, vector<1x1024x128xf32>
    %get3A_125 = vector.shape_cast %get3A_124 : vector<1x1024x128xf32> to vector<1024x128xf32>
    %convert_element_type3A_126 = arith.truncf %get3A_125 : vector<1024x128xf32> to vector<1024x128xbf16>
    %swap3A_127 = arith.constant 0 : index
    %swap3A_128 = arith.constant 0 : index
    %swap3A_129 = vector.load %arg8[%swap3A_127, %swap3A_128] : memref<1024x384xbf16, #tpu.memory_space<vmem>>, vector<1024x128xbf16>
    tpu.vector_store %arg8[%swap3A_127, %swap3A_128], %convert_element_type3A_126 {strides = array<i32>} : memref<1024x384xbf16, #tpu.memory_space<vmem>>, vector<1024x128xbf16>,
    %get3A_130 = arith.constant 0 : index
    %get3A_131 = arith.constant 0 : index
    %get3A_132 = vector.load %arg8[%get3A_130, %get3A_131] : memref<1024x384xbf16, #tpu.memory_space<vmem>>, vector<1024x384xbf16>
    %get3A_133 = arith.constant 0 : index
    %get3A_134 = arith.constant 0 : index
    %get3A_135 = vector.load %arg2[%get3A_133, %get3A_134] : memref<384x1024xbf16, #tpu.memory_space<vmem>>, vector<384x1024xbf16>
    %dot_general3A_136 = arith.constant dense<0.000000e+00> : vector<1024x1024xf32>
    %dot_general3A_137 = tpu.matmul %get3A_132, %get3A_135, %dot_general3A_136 {dimension_numbers = #tpu.dot_dimension_numbers<[1], [0], [0], [1], [0, 0, 1, 1], [], []>, transpose_lhs_hint = false} : vector<1024x384xbf16>, vector<384x1024xbf16>, vector<1024x1024xf32> -> vector<1024x1024xf32>
    %get3A_138 = arith.constant 0 : index
    %get3A_139 = arith.constant 0 : index
    %get3A_140 = vector.load %arg3[%get3A_138, %get3A_139] : memref<1x1024xf32, #tpu.memory_space<vmem>>, vector<1x1024xf32>
    %add3A_141 = vector.broadcast %get3A_140 : vector<1x1024xf32> to vector<1024x1024xf32>
    %add3A_142 = arith.addf %dot_general3A_137, %add3A_141 : vector<1024x1024xf32>
    %slice3A_143 = vector.extract_strided_slice %add3A_142 {offsets = [0, 0], sizes = [1024, 256], strides = [1, 1]} : vector<1024x1024xf32> to vector<1024x256xf32>
    %tanh3A_144 = math.tanh %slice3A_143 : vector<1024x256xf32>
    %mul3A_145 = arith.constant 5.000000e-01 : f32
    %mul3A_146 = vector.broadcast %mul3A_145 : f32 to vector<1024x256xf32>
    %mul3A_147 = arith.mulf %mul3A_146, %tanh3A_144 : vector<1024x256xf32>
    %add3A_148 = arith.constant 5.000000e-01 : f32
    %add3A_149 = vector.broadcast %add3A_148 : f32 to vector<1024x256xf32>
    %add3A_150 = arith.addf %mul3A_147, %add3A_149 : vector<1024x256xf32>
    %slice3A_151 = vector.extract_strided_slice %add3A_142 {offsets = [0, 256], sizes = [1024, 256], strides = [1, 1]} : vector<1024x1024xf32> to vector<1024x256xf32>
    %tanh3A_152 = math.tanh %slice3A_151 : vector<1024x256xf32>
    %mul3A_153 = arith.constant 5.000000e-01 : f32
    %mul3A_154 = vector.broadcast %mul3A_153 : f32 to vector<1024x256xf32>
    %mul3A_155 = arith.mulf %mul3A_154, %tanh3A_152 : vector<1024x256xf32>
    %add3A_156 = arith.constant 5.000000e-01 : f32
    %add3A_157 = vector.broadcast %add3A_156 : f32 to vector<1024x256xf32>
    %add3A_158 = arith.addf %mul3A_155, %add3A_157 : vector<1024x256xf32>
    %slice3A_159 = vector.extract_strided_slice %add3A_142 {offsets = [0, 512], sizes = [1024, 256], strides = [1, 1]} : vector<1024x1024xf32> to vector<1024x256xf32>
    %tanh3A_160 = math.tanh %slice3A_159 : vector<1024x256xf32>
    %slice3A_161 = vector.extract_strided_slice %add3A_142 {offsets = [0, 768], sizes = [1024, 256], strides = [1, 1]} : vector<1024x1024xf32> to vector<1024x256xf32>
    %tanh3A_162 = math.tanh %slice3A_161 : vector<1024x256xf32>
    %mul3A_163 = arith.constant 5.000000e-01 : f32
    %mul3A_164 = vector.broadcast %mul3A_163 : f32 to vector<1024x256xf32>
    %mul3A_165 = arith.mulf %mul3A_164, %tanh3A_162 : vector<1024x256xf32>
    %add3A_166 = arith.constant 5.000000e-01 : f32
    %add3A_167 = vector.broadcast %add3A_166 : f32 to vector<1024x256xf32>
    %add3A_168 = arith.addf %mul3A_165, %add3A_167 : vector<1024x256xf32>
    %get3A_169 = arith.constant 0 : index
    %get3A_170 = arith.constant 0 : index
    %get3A_171 = vector.load %arg9[%get3A_169, %get3A_170] : memref<1024x256xf32, #tpu.memory_space<vmem>>, vector<1024x256xf32>
    %mul3A_172 = arith.mulf %add3A_158, %get3A_171 : vector<1024x256xf32>
    %mul3A_173 = arith.mulf %add3A_150, %tanh3A_160 : vector<1024x256xf32>
    %add3A_174 = arith.addf %mul3A_172, %mul3A_173 : vector<1024x256xf32>
    %tanh3A_175 = math.tanh %add3A_174 : vector<1024x256xf32>
    %mul3A_176 = arith.mulf %add3A_168, %tanh3A_175 : vector<1024x256xf32>
    %swap3A_177 = arith.constant 0 : index
    %swap3A_178 = arith.constant 0 : index
    %swap3A_179 = vector.load %arg9[%swap3A_177, %swap3A_178] : memref<1024x256xf32, #tpu.memory_space<vmem>>, vector<1024x256xf32>
    tpu.vector_store %arg9[%swap3A_177, %swap3A_178], %add3A_174 {strides = array<i32>} : memref<1024x256xf32, #tpu.memory_space<vmem>>, vector<1024x256xf32>,
    %convert_element_type3A_180 = arith.truncf %mul3A_176 : vector<1024x256xf32> to vector<1024x256xbf16>
    %swap3A_181 = arith.constant 0 : index
    %swap3A_182 = arith.constant 128 : index
    %swap3A_183 = vector.load %arg8[%swap3A_181, %swap3A_182] : memref<1024x384xbf16, #tpu.memory_space<vmem>>, vector<1024x256xbf16>
    tpu.vector_store %arg8[%swap3A_181, %swap3A_182], %convert_element_type3A_180 {strides = array<i32>} : memref<1024x384xbf16, #tpu.memory_space<vmem>>, vector<1024x256xbf16>,
    %get3A_184 = arith.constant 3 : index
    %get3A_185 = arith.constant 0 : index
    %get3A_186 = arith.constant 0 : index
    %get3A_187 = vector.load %arg1[%get3A_184, %get3A_185, %get3A_186] : memref<5x1024x128xf32, #tpu.memory_space<vmem>>, vector<1x1024x128xf32>
    %get3A_188 = vector.shape_cast %get3A_187 : vector<1x1024x128xf32> to vector<1024x128xf32>
    %convert_element_type3A_189 = arith.truncf %get3A_188 : vector<1024x128xf32> to vector<1024x128xbf16>
    %swap3A_190 = arith.constant 0 : index
    %swap3A_191 = arith.constant 0 : index
    %swap3A_192 = vector.load %arg8[%swap3A_190, %swap3A_191] : memref<1024x384xbf16, #tpu.memory_space<vmem>>, vector<1024x128xbf16>
    tpu.vector_store %arg8[%swap3A_190, %swap3A_191], %convert_element_type3A_189 {strides = array<i32>} : memref<1024x384xbf16, #tpu.memory_space<vmem>>, vector<1024x128xbf16>,
    %get3A_193 = arith.constant 0 : index
    %get3A_194 = arith.constant 0 : index
    %get3A_195 = vector.load %arg8[%get3A_193, %get3A_194] : memref<1024x384xbf16, #tpu.memory_space<vmem>>, vector<1024x384xbf16>
    %get3A_196 = arith.constant 0 : index
    %get3A_197 = arith.constant 0 : index
    %get3A_198 = vector.load %arg2[%get3A_196, %get3A_197] : memref<384x1024xbf16, #tpu.memory_space<vmem>>, vector<384x1024xbf16>
    %dot_general3A_199 = arith.constant dense<0.000000e+00> : vector<1024x1024xf32>
    %dot_general3A_200 = tpu.matmul %get3A_195, %get3A_198, %dot_general3A_199 {dimension_numbers = #tpu.dot_dimension_numbers<[1], [0], [0], [1], [0, 0, 1, 1], [], []>, transpose_lhs_hint = false} : vector<1024x384xbf16>, vector<384x1024xbf16>, vector<1024x1024xf32> -> vector<1024x1024xf32>
    %get3A_201 = arith.constant 0 : index
    %get3A_202 = arith.constant 0 : index
    %get3A_203 = vector.load %arg3[%get3A_201, %get3A_202] : memref<1x1024xf32, #tpu.memory_space<vmem>>, vector<1x1024xf32>
    %add3A_204 = vector.broadcast %get3A_203 : vector<1x1024xf32> to vector<1024x1024xf32>
    %add3A_205 = arith.addf %dot_general3A_200, %add3A_204 : vector<1024x1024xf32>
    %slice3A_206 = vector.extract_strided_slice %add3A_205 {offsets = [0, 0], sizes = [1024, 256], strides = [1, 1]} : vector<1024x1024xf32> to vector<1024x256xf32>
    %tanh3A_207 = math.tanh %slice3A_206 : vector<1024x256xf32>
    %mul3A_208 = arith.constant 5.000000e-01 : f32
    %mul3A_209 = vector.broadcast %mul3A_208 : f32 to vector<1024x256xf32>
    %mul3A_210 = arith.mulf %mul3A_209, %tanh3A_207 : vector<1024x256xf32>
    %add3A_211 = arith.constant 5.000000e-01 : f32
    %add3A_212 = vector.broadcast %add3A_211 : f32 to vector<1024x256xf32>
    %add3A_213 = arith.addf %mul3A_210, %add3A_212 : vector<1024x256xf32>
    %slice3A_214 = vector.extract_strided_slice %add3A_205 {offsets = [0, 256], sizes = [1024, 256], strides = [1, 1]} : vector<1024x1024xf32> to vector<1024x256xf32>
    %tanh3A_215 = math.tanh %slice3A_214 : vector<1024x256xf32>
    %mul3A_216 = arith.constant 5.000000e-01 : f32
    %mul3A_217 = vector.broadcast %mul3A_216 : f32 to vector<1024x256xf32>
    %mul3A_218 = arith.mulf %mul3A_217, %tanh3A_215 : vector<1024x256xf32>
    %add3A_219 = arith.constant 5.000000e-01 : f32
    %add3A_220 = vector.broadcast %add3A_219 : f32 to vector<1024x256xf32>
    %add3A_221 = arith.addf %mul3A_218, %add3A_220 : vector<1024x256xf32>
    %slice3A_222 = vector.extract_strided_slice %add3A_205 {offsets = [0, 512], sizes = [1024, 256], strides = [1, 1]} : vector<1024x1024xf32> to vector<1024x256xf32>
    %tanh3A_223 = math.tanh %slice3A_222 : vector<1024x256xf32>
    %slice3A_224 = vector.extract_strided_slice %add3A_205 {offsets = [0, 768], sizes = [1024, 256], strides = [1, 1]} : vector<1024x1024xf32> to vector<1024x256xf32>
    %tanh3A_225 = math.tanh %slice3A_224 : vector<1024x256xf32>
    %mul3A_226 = arith.constant 5.000000e-01 : f32
    %mul3A_227 = vector.broadcast %mul3A_226 : f32 to vector<1024x256xf32>
    %mul3A_228 = arith.mulf %mul3A_227, %tanh3A_225 : vector<1024x256xf32>
    %add3A_229 = arith.constant 5.000000e-01 : f32
    %add3A_230 = vector.broadcast %add3A_229 : f32 to vector<1024x256xf32>
    %add3A_231 = arith.addf %mul3A_228, %add3A_230 : vector<1024x256xf32>
    %get3A_232 = arith.constant 0 : index
    %get3A_233 = arith.constant 0 : index
    %get3A_234 = vector.load %arg9[%get3A_232, %get3A_233] : memref<1024x256xf32, #tpu.memory_space<vmem>>, vector<1024x256xf32>
    %mul3A_235 = arith.mulf %add3A_221, %get3A_234 : vector<1024x256xf32>
    %mul3A_236 = arith.mulf %add3A_213, %tanh3A_223 : vector<1024x256xf32>
    %add3A_237 = arith.addf %mul3A_235, %mul3A_236 : vector<1024x256xf32>
    %tanh3A_238 = math.tanh %add3A_237 : vector<1024x256xf32>
    %mul3A_239 = arith.mulf %add3A_231, %tanh3A_238 : vector<1024x256xf32>
    %swap3A_240 = arith.constant 0 : index
    %swap3A_241 = arith.constant 0 : index
    %swap3A_242 = vector.load %arg9[%swap3A_240, %swap3A_241] : memref<1024x256xf32, #tpu.memory_space<vmem>>, vector<1024x256xf32>
    tpu.vector_store %arg9[%swap3A_240, %swap3A_241], %add3A_237 {strides = array<i32>} : memref<1024x256xf32, #tpu.memory_space<vmem>>, vector<1024x256xf32>,
    %convert_element_type3A_243 = arith.truncf %mul3A_239 : vector<1024x256xf32> to vector<1024x256xbf16>
    %swap3A_244 = arith.constant 0 : index
    %swap3A_245 = arith.constant 128 : index
    %swap3A_246 = vector.load %arg8[%swap3A_244, %swap3A_245] : memref<1024x384xbf16, #tpu.memory_space<vmem>>, vector<1024x256xbf16>
    tpu.vector_store %arg8[%swap3A_244, %swap3A_245], %convert_element_type3A_243 {strides = array<i32>} : memref<1024x384xbf16, #tpu.memory_space<vmem>>, vector<1024x256xbf16>,
    %get3A_247 = arith.constant 4 : index
    %get3A_248 = arith.constant 0 : index
    %get3A_249 = arith.constant 0 : index
    %get3A_250 = vector.load %arg1[%get3A_247, %get3A_248, %get3A_249] : memref<5x1024x128xf32, #tpu.memory_space<vmem>>, vector<1x1024x128xf32>
    %get3A_251 = vector.shape_cast %get3A_250 : vector<1x1024x128xf32> to vector<1024x128xf32>
    %convert_element_type3A_252 = arith.truncf %get3A_251 : vector<1024x128xf32> to vector<1024x128xbf16>
    %swap3A_253 = arith.constant 0 : index
    %swap3A_254 = arith.constant 0 : index
    %swap3A_255 = vector.load %arg8[%swap3A_253, %swap3A_254] : memref<1024x384xbf16, #tpu.memory_space<vmem>>, vector<1024x128xbf16>
    tpu.vector_store %arg8[%swap3A_253, %swap3A_254], %convert_element_type3A_252 {strides = array<i32>} : memref<1024x384xbf16, #tpu.memory_space<vmem>>, vector<1024x128xbf16>,
    %get3A_256 = arith.constant 0 : index
    %get3A_257 = arith.constant 0 : index
    %get3A_258 = vector.load %arg8[%get3A_256, %get3A_257] : memref<1024x384xbf16, #tpu.memory_space<vmem>>, vector<1024x384xbf16>
    %get3A_259 = arith.constant 0 : index
    %get3A_260 = arith.constant 0 : index
    %get3A_261 = vector.load %arg2[%get3A_259, %get3A_260] : memref<384x1024xbf16, #tpu.memory_space<vmem>>, vector<384x1024xbf16>
    %dot_general3A_262 = arith.constant dense<0.000000e+00> : vector<1024x1024xf32>
    %dot_general3A_263 = tpu.matmul %get3A_258, %get3A_261, %dot_general3A_262 {dimension_numbers = #tpu.dot_dimension_numbers<[1], [0], [0], [1], [0, 0, 1, 1], [], []>, transpose_lhs_hint = false} : vector<1024x384xbf16>, vector<384x1024xbf16>, vector<1024x1024xf32> -> vector<1024x1024xf32>
    %get3A_264 = arith.constant 0 : index
    %get3A_265 = arith.constant 0 : index
    %get3A_266 = vector.load %arg3[%get3A_264, %get3A_265] : memref<1x1024xf32, #tpu.memory_space<vmem>>, vector<1x1024xf32>
    %add3A_267 = vector.broadcast %get3A_266 : vector<1x1024xf32> to vector<1024x1024xf32>
    %add3A_268 = arith.addf %dot_general3A_263, %add3A_267 : vector<1024x1024xf32>
    %slice3A_269 = vector.extract_strided_slice %add3A_268 {offsets = [0, 0], sizes = [1024, 256], strides = [1, 1]} : vector<1024x1024xf32> to vector<1024x256xf32>
    %tanh3A_270 = math.tanh %slice3A_269 : vector<1024x256xf32>
    %mul3A_271 = arith.constant 5.000000e-01 : f32
    %mul3A_272 = vector.broadcast %mul3A_271 : f32 to vector<1024x256xf32>
    %mul3A_273 = arith.mulf %mul3A_272, %tanh3A_270 : vector<1024x256xf32>
    %add3A_274 = arith.constant 5.000000e-01 : f32
    %add3A_275 = vector.broadcast %add3A_274 : f32 to vector<1024x256xf32>
    %add3A_276 = arith.addf %mul3A_273, %add3A_275 : vector<1024x256xf32>
    %slice3A_277 = vector.extract_strided_slice %add3A_268 {offsets = [0, 256], sizes = [1024, 256], strides = [1, 1]} : vector<1024x1024xf32> to vector<1024x256xf32>
    %tanh3A_278 = math.tanh %slice3A_277 : vector<1024x256xf32>
    %mul3A_279 = arith.constant 5.000000e-01 : f32
    %mul3A_280 = vector.broadcast %mul3A_279 : f32 to vector<1024x256xf32>
    %mul3A_281 = arith.mulf %mul3A_280, %tanh3A_278 : vector<1024x256xf32>
    %add3A_282 = arith.constant 5.000000e-01 : f32
    %add3A_283 = vector.broadcast %add3A_282 : f32 to vector<1024x256xf32>
    %add3A_284 = arith.addf %mul3A_281, %add3A_283 : vector<1024x256xf32>
    %slice3A_285 = vector.extract_strided_slice %add3A_268 {offsets = [0, 512], sizes = [1024, 256], strides = [1, 1]} : vector<1024x1024xf32> to vector<1024x256xf32>
    %tanh3A_286 = math.tanh %slice3A_285 : vector<1024x256xf32>
    %slice3A_287 = vector.extract_strided_slice %add3A_268 {offsets = [0, 768], sizes = [1024, 256], strides = [1, 1]} : vector<1024x1024xf32> to vector<1024x256xf32>
    %tanh3A_288 = math.tanh %slice3A_287 : vector<1024x256xf32>
    %mul3A_289 = arith.constant 5.000000e-01 : f32
    %mul3A_290 = vector.broadcast %mul3A_289 : f32 to vector<1024x256xf32>
    %mul3A_291 = arith.mulf %mul3A_290, %tanh3A_288 : vector<1024x256xf32>
    %add3A_292 = arith.constant 5.000000e-01 : f32
    %add3A_293 = vector.broadcast %add3A_292 : f32 to vector<1024x256xf32>
    %add3A_294 = arith.addf %mul3A_291, %add3A_293 : vector<1024x256xf32>
    %get3A_295 = arith.constant 0 : index
    %get3A_296 = arith.constant 0 : index
    %get3A_297 = vector.load %arg9[%get3A_295, %get3A_296] : memref<1024x256xf32, #tpu.memory_space<vmem>>, vector<1024x256xf32>
    %mul3A_298 = arith.mulf %add3A_284, %get3A_297 : vector<1024x256xf32>
    %mul3A_299 = arith.mulf %add3A_276, %tanh3A_286 : vector<1024x256xf32>
    %add3A_300 = arith.addf %mul3A_298, %mul3A_299 : vector<1024x256xf32>
    %tanh3A_301 = math.tanh %add3A_300 : vector<1024x256xf32>
    %mul3A_302 = arith.mulf %add3A_294, %tanh3A_301 : vector<1024x256xf32>
    %swap3A_303 = arith.constant 0 : index
    %swap3A_304 = arith.constant 0 : index
    %swap3A_305 = vector.load %arg9[%swap3A_303, %swap3A_304] : memref<1024x256xf32, #tpu.memory_space<vmem>>, vector<1024x256xf32>
    tpu.vector_store %arg9[%swap3A_303, %swap3A_304], %add3A_300 {strides = array<i32>} : memref<1024x256xf32, #tpu.memory_space<vmem>>, vector<1024x256xf32>,
    %convert_element_type3A_306 = arith.truncf %mul3A_302 : vector<1024x256xf32> to vector<1024x256xbf16>
    %swap3A_307 = arith.constant 0 : index
    %swap3A_308 = arith.constant 128 : index
    %swap3A_309 = vector.load %arg8[%swap3A_307, %swap3A_308] : memref<1024x384xbf16, #tpu.memory_space<vmem>>, vector<1024x256xbf16>
    tpu.vector_store %arg8[%swap3A_307, %swap3A_308], %convert_element_type3A_306 {strides = array<i32>} : memref<1024x384xbf16, #tpu.memory_space<vmem>>, vector<1024x256xbf16>,
    %eq3A_310 = arith.constant 4 : i32
    %eq3A_311 = arith.cmpi eq, %arg0, %eq3A_310 : i32
    %convert_element_type3A_312 = arith.extui %eq3A_311 : i1 to i32
    %cond3A_313 = arith.constant 0 : i32
    %cond3A_314 = arith.cmpi ne, %convert_element_type3A_312, %cond3A_313 : i32
    scf.if %cond3A_314 {
      %swap3A_315 = arith.constant 0 : index
      %swap3A_316 = arith.constant 0 : index
      %swap3A_317 = vector.load %arg6[%swap3A_315, %swap3A_316] : memref<1024x256xf32, #tpu.memory_space<vmem>>, vector<1024x256xf32>
      tpu.vector_store %arg6[%swap3A_315, %swap3A_316], %mul3A_302 {strides = array<i32>} : memref<1024x256xf32, #tpu.memory_space<vmem>>, vector<1024x256xf32>,
      %swap3A_318 = arith.constant 0 : index
      %swap3A_319 = arith.constant 0 : index
      %swap3A_320 = vector.load %arg7[%swap3A_318, %swap3A_319] : memref<1024x256xf32, #tpu.memory_space<vmem>>, vector<1024x256xf32>
      tpu.vector_store %arg7[%swap3A_318, %swap3A_319], %add3A_300 {strides = array<i32>} : memref<1024x256xf32, #tpu.memory_space<vmem>>, vector<1024x256xf32>,
    } else {
    }
    return
  }
  func.func @transform_0(%arg0: i32) -> (i32, i32, i32) {
    %c0_i32 = arith.constant 0 : i32
    %c0_i32_0 = arith.constant 0 : i32
    %c0_i32_1 = arith.constant 0 : i32
    return %arg0, %c0_i32, %c0_i32_0 : i32, i32, i32
  }
  func.func @transform_1(%arg0: i32) -> (i32, i32) {
    %c0_i32 = arith.constant 0 : i32
    %c0_i32_0 = arith.constant 0 : i32
    %c0_i32_1 = arith.constant 0 : i32
    return %c0_i32, %c0_i32_0 : i32, i32
  }
  func.func @transform_2(%arg0: i32) -> (i32, i32) {
    %c0_i32 = arith.constant 0 : i32
    %c0_i32_0 = arith.constant 0 : i32
    %c0_i32_1 = arith.constant 0 : i32
    return %c0_i32, %c0_i32_0 : i32, i32
  }
  func.func @transform_3(%arg0: i32) -> (i32, i32) {
    %c0_i32 = arith.constant 0 : i32
    %c0_i32_0 = arith.constant 0 : i32
    %c0_i32_1 = arith.constant 0 : i32
    return %c0_i32, %c0_i32_0 : i32, i32
  }
  func.func @transform_4(%arg0: i32) -> (i32, i32) {
    %c0_i32 = arith.constant 0 : i32
    %c0_i32_0 = arith.constant 0 : i32
    %c0_i32_1 = arith.constant 0 : i32
    return %c0_i32, %c0_i32_0 : i32, i32
  }
  func.func @transform_5(%arg0: i32) -> (i32, i32) {
    %c0_i32 = arith.constant 0 : i32
    %c0_i32_0 = arith.constant 0 : i32
    %c0_i32_1 = arith.constant 0 : i32
    return %c0_i32, %c0_i32_0 : i32, i32
  }
  func.func @transform_6(%arg0: i32) -> (i32, i32) {
    %c0_i32 = arith.constant 0 : i32
    %c0_i32_0 = arith.constant 0 : i32
    %c0_i32_1 = arith.constant 0 : i32
    return %c0_i32, %c0_i32_0 : i32, i32
  }
}

</mosaic_0001>

<sc_bundles>
// kernel: kernel.6.cloned.1.call-start
scs
__scs_entry_jumppad:
0x0: {  	(pc) =	sbr.rel $0x88, $3  }
0x1: {  	(tag) =	ssettag $0x0;
	lr =	simm.s32 $0x1  }
0x2: {  	[smem:$0x3F9B] =	sst lr;
	_ =	strace $0xD0000000  }
0x3: {  	_ = 	snop  }
0x4: {  	_ = 	snop  }
0x5: {  	_ = 	snop  }
0x6: {  	_ = 	snop  }
0x7: {  	_ = 	snop  }
__scs_overlays_trampoline_lowered:
0x8: {  	[smem:$0x3FAA] =	sst s0  }
0x9: {  	[smem:$0x3FAB] =	sst s1  }
0xa: {  	[smem:$0x3FAC] =	sst s2  }
0xb: {  	[smem:$0x3FAD] =	sst s3  }
0xc: {  	[smem:$0x3FAE] =	sst s4  }
0xd: {  	[smem:$0x3FAF] =	sst s5  }
0xe: {  	[smem:$0x3FB0] =	sst s6  }
0xf: {  	[smem:$0x3FB1] =	sst s7  }
0x10: {  	[smem:$0x3FB2] =	sst s8  }
0x11: {  	[smem:$0x3FB3] =	sst s9;
	s0 =	simm.s32 @!p0 $0x0  }
0x12: {  	s1 =	sld [smem:$0x3F99];
	s0 =	simm.s32 @p0 $0x1  }
0x13: {  	[smem:$0x3FB4] =	sst s0;
	s0 =	simm.s32 @!p1 $0x0  }
0x14: {  	s2 =	sld [smem:$0x3F98];
	s0 =	simm.s32 @p1 $0x1  }
0x15: {  	[smem:$0x3FB5] =	sst s0;
	s0 =	simm.s32 @!p2 $0x0  }
0x16: {  	s3 =	sld [smem:$0x3FDB];
	s0 =	simm.s32 @p2 $0x1  }
0x17: {  	s4 =	simm.s32 $0x1BF5;
	[smem:$0x3FB7] =	sst s0  }
0x18: {  	s0 =	sld [smem:$0x3F9A];
	_ =	swait.ge [sflag:s4], $0x0  }
0x19: {  	s7 =	sld [smem:$0x3F9B]  }
0x1a: {  	s8 =	sadd.s32 $0xFFFFE003, lr  }
0x1b: {  	s9 =	sadd.s32 $0xFFFFFEF7, lr;
	s5 =	simm.s32 $0xFFFFFFFF;
	p2 =	slt.u32 s8, $0xFFFFF086  }
0x1c: {  	p1 =	slt.u32 s9, $0xF7A;
	s5 =	simm.s32 @!p2 $0x0  }
0x1d: {  	s5 =	simm.s32 @p1 $0x1;
	p0 =	seq.s32 s7, s2  }
0x1e: {  	s7 =	smul.u32 @!p0 $0xF7A, s2;
	p2 =	seq.s32 @!p0 s5, $0x0  }
0x1f: {  	s9 =	smul.u32 $0xF7A, s1;
	s8 =	simm.s32 @!p0 $0x1BF5;
	p2 =	por !p2, p0  }
0x20: {  	[sflag:s8] =	ssyncset.s32 @!p0 $0xFFFFF086;
	s6 =	sadd.s32 @!p0 s3, s7;
	s7 =	simm.s32 @!p0 $0x108  }
0x21: {  	s3 =	sadd.s32 s3, s9;
	s6 =	sadd.s32 @!p0 $0x88, s6;
	s7 =	simm.s32 @p2 $0x1082  }
0x22: {  	[simem:s7], [sflag:s8] =	dma.local @!p0 [hbm:s6], $0xF7A  }
0x23: {  	s9 =	sor.u32 $0xD0000000, s2;
	s6 =	simm.s32 $0x108;
	_ =	swait.ge @!p0 [sflag:s8], $0x0  }
0x24: {  	s3 =	sadd.s32 $0x88, s3;
	s6 =	simm.s32 @!p1 $0x1082;
	[sflag:s4] =	ssyncset.s32 $0xFFFFF086  }
0x25: {  	[simem:s6], [sflag:s4] =	dma.local [hbm:s3], $0xF7A  }
0x26: {  	[smem:$0x3F9B] =	sst s1;
	(tag) =	ssettag s2;
	_ =	strace s9  }
0x27: {  	s1 =	sld [smem:$0x3FAB]  }
0x28: {  	s2 =	sld [smem:$0x3FAC]  }
0x29: {  	s4 =	sld [smem:$0x3FAE]  }
0x2a: {  	p0 =	seq.s32 s5, $0x0;
	s5 =	sld [smem:$0x3FAF]  }
0x2b: {  	s6 =	sld [smem:$0x3FB0]  }
0x2c: {  	s7 =	sld [smem:$0x3FB1]  }
0x2d: {  	s3 =	simm.s32 $0x108;
	s8 =	sld [smem:$0x3FB2]  }
0x2e: {  	s3 =	simm.s32 @!p0 $0x1082;
	s9 =	sld [smem:$0x3FB3]  }
0x2f: {  	lr =	sadd.s32 s0, s3;
	s0 =	sld [smem:$0x3FAA]  }
0x30: {  	s3 =	sld [smem:$0x3FAD]  }
0x31: {  	[smem:$0x3FB6] =	sst s10  }
0x32: {  	s10 =	sld [smem:$0x3FB4];
	_ =	sdelay $0x3  }
0x33: {  	p0 =	seq.s32 s10, $0x1;
	s10 =	sld [smem:$0x3FB6];
	_ =	sdelay $0x3  }
0x34: {  	[smem:$0x3FB6] =	sst s10  }
0x35: {  	s10 =	sld [smem:$0x3FB5];
	_ =	sdelay $0x3  }
0x36: {  	p1 =	seq.s32 s10, $0x1;
	s10 =	sld [smem:$0x3FB6];
	_ =	sdelay $0x3  }
0x37: {  	[smem:$0x3FB6] =	sst s10  }
0x38: {  	s10 =	sld [smem:$0x3FB7]  }
0x39: {  	_ = 	snop;
	(pc) =	sbr.ind lr, $3  }
0x3a: {  	_ = 	snop  }
0x3b: {  	_ = 	snop  }
0x3c: {  	p2 =	seq.s32 s10, $0x1;
	s10 =	sld [smem:$0x3FB6]  }
0x3d: {  	_ =	shalt  }
0x3e: {  	_ =	shalt  }
0x3f: {  	_ =	shalt  }
0x40: {  	_ =	shalt  }
0x41: {  	_ =	shalt  }
0x42: {  	_ =	shalt  }
0x43: {  	_ =	shalt  }
0x44: {  	_ =	shalt  }
0x45: {  	_ =	shalt  }
0x46: {  	_ =	shalt  }
0x47: {  	_ =	shalt  }
0x48: {  	_ =	shalt  }
0x49: {  	_ =	shalt  }
0x4a: {  	_ =	shalt  }
0x4b: {  	_ =	shalt  }
0x4c: {  	_ =	shalt  }
0x4d: {  	_ =	shalt  }
0x4e: {  	_ =	shalt  }
0x4f: {  	_ =	shalt  }
0x50: {  	_ =	shalt  }
0x51: {  	_ =	shalt  }
0x52: {  	_ =	shalt  }
0x53: {  	_ =	shalt  }
0x54: {  	_ =	shalt  }
0x55: {  	_ =	shalt  }
0x56: {  	_ =	shalt  }
0x57: {  	_ =	shalt  }
0x58: {  	_ =	shalt  }
0x59: {  	_ =	shalt  }
0x5a: {  	_ =	shalt  }
0x5b: {  	_ =	shalt  }
0x5c: {  	_ =	shalt  }
0x5d: {  	_ =	shalt  }
0x5e: {  	_ =	shalt  }
0x5f: {  	_ =	shalt  }
0x60: {  	_ =	shalt  }
0x61: {  	_ =	shalt  }
0x62: {  	_ =	shalt  }
0x63: {  	_ =	shalt  }
0x64: {  	_ =	shalt  }
0x65: {  	_ =	shalt  }
0x66: {  	_ =	shalt  }
0x67: {  	_ =	shalt  }
0x68: {  	_ =	shalt  }
0x69: {  	_ =	shalt  }
0x6a: {  	_ =	shalt  }
0x6b: {  	_ =	shalt  }
0x6c: {  	_ =	shalt  }
0x6d: {  	_ =	shalt  }
0x6e: {  	_ =	shalt  }
0x6f: {  	_ =	shalt  }
0x70: {  	_ =	shalt  }
0x71: {  	_ =	shalt  }
0x72: {  	_ =	shalt  }
0x73: {  	_ =	shalt  }
0x74: {  	_ =	shalt  }
0x75: {  	_ =	shalt  }
0x76: {  	_ =	shalt  }
0x77: {  	_ =	shalt  }
0x78: {  	_ =	shalt  }
0x79: {  	_ =	shalt  }
0x7a: {  	_ =	shalt  }
0x7b: {  	_ =	shalt  }
0x7c: {  	_ =	shalt  }
0x7d: {  	_ =	shalt  }
0x7e: {  	_ =	shalt  }
0x7f: {  	_ =	shalt  }
0x80: {  	_ =	shalt  }
0x81: {  	_ =	shalt  }
0x82: {  	_ =	shalt  }
0x83: {  	_ =	shalt  }
0x84: {  	_ =	shalt  }
0x85: {  	_ =	shalt  }
0x86: {  	_ =	shalt  }
0x87: {  	_ =	shalt  }
.Lfunc_end0:
.L_simem_size_0:
called_computation_lowered:
.L_overlay_start_0:
0x88: {  	s2 =	sld [smem:$0x3FD9]  }
0x89: {  	s3 =	sld [smem:$0x3FFE];
	_ =	sdelay $0x1  }
0x8a: {  	s1 =	srdreg.scid  }
0x8b: {  	s0 =	sand.u32 $0x1, s1  }
0x8c: {  	s14 =	sshll.u32 s0, $0xA;
	s2 =	sadd.s32 s3, s2  }
0x8d: {  	s2 =	sadd.s32 s2, s14  }
0x8e: {  	[smem:$0x3FC2] =	sst s2  }
0x8f: {  	_ = 	snop  }
0x90: {  	s2 =	sld [smem:$0x3FD0];
	_ =	sdelay $0x2  }
0x91: {  	s4 =	simm.s32 $0xB;
	s5 =	simm.s32 $0x10;
	s15 =	sld [smem:$0x3FC8]  }
0x92: {  	[smem:s5], [sflag:s4] =	dma.local [hbm:s2], $0x1  }
0x93: {  	_ =	swait.eq [sflag:s4], $0x1  }
0x94: {  	[sflag:s4] =	ssyncset.done $0x0  }
0x95: {  	[sflag:s4] =	ssyncadd.s32 $0xFFFFFFFF  }
0x96: {  	s16 =	sld [smem:$0x10];
	(tm) =	ssettm $0x1  }
0x97: {  	s17 =	sld [smem:$0x3FFB];
	_ =	sdelay $0x3  }
0x98: {  	_ =	strace s17  }
0x99: {  	s4 =	sld [smem:$0x3FFC];
	_ =	sdelay $0x3  }
0x9a: {  	_ =	strace s4  }
0x9b: {  	s4 =	sld [smem:$0x3FFD];
	_ =	sdelay $0x3  }
0x9c: {  	_ =	strace s4  }
0x9d: {  	_ =	strace $0x8FFFFFFF  }
0x9e: {  	s18 =	sld [smem:$0x3FDB];
	_ =	sdelay $0x1  }
0x9f: {  	s19 =	simm.s32 $_scs_section_size  }
0xa0: {  	s6 =	simm.s32 $_size__tile_overlayer_lowered;
	s7 =	simm.s32 $_tile_overlayer_lowered  }
0xa1: {  	s22 =	simm.s32 $0x1BFF;
	s21 =	sshll.u32 s7, $0x1;
	s4 =	sadd.s32 s19, s18  }
0xa2: {  	s8 =	simm.s32 $0x0;
	s20 =	sshll.u32 s6, $0x1;
	s6 =	sadd.s32 s21, s4  }
0xa3: {  	[timem:s8], [sflag:s22] =	dma.local [hbm:s6], s20  }
0xa4: {  	_ =	swait.ge [sflag:s22], s20  }
0xa5: {  	s5 =	ssub.s32 $0x0, s20;
	[sflag:s22] =	ssyncset.done $0x0  }
0xa6: {  	[sflag:s22] =	ssyncadd.s32 s5;
	_ =	sdelay $0x1  }
0xa7: {  	s23 =	simm.s32 $0x1B8B  }
0xa8: {  	_ =	swait.ge [sflag:s23], $0x1  }
0xa9: {  	[sflag:s23] =	ssyncset.done $0x0  }
0xaa: {  	s25 =	simm.s32 $0x1B8E;
	s24 =	sld [smem:$0x3FFE];
	[sflag:s23] =	ssyncadd.s32 $0xFFFFFFFF  }
0xab: {  	s26 =	simm.s32 $execute0_lowered;
	[smem:$0x3FD2] =	sst s25  }
0xac: {  	s6 =	sshll.u32 s26, $0x1;
	_ =	strace $0x80000046;
	[dreg:$0x1] =	wrdreg $0xFFFFFFFF  }
0xad: {  	s28 =	simm.s32 $_size_execute0_lowered;
	s4 =	sadd.s32 s4, s6;
	[dreg:$0x0] =	wrdreg $0x0  }
0xae: {  	s6 =	sshll.u32 s28, $0x1;
	[dreg:$0x2] =	wrdreg s4  }
0xaf: {  	[dreg:$0x3] =	wrdreg s6  }
0xb0: {  	[dreg:$0x4] =	wrdreg $0xC0  }
0xb1: {  	_ =	task [dreg:s8], $0x5FFFF  }
0xb2: {  	[dreg:$0x1] =	wrdreg $0xFFFFFFFF  }
0xb3: {  	[dreg:$0x0] =	wrdreg $0x60  }
0xb4: {  	[dreg:$0x2] =	wrdreg s15  }
0xb5: {  	[dreg:$0x3] =	wrdreg s16  }
0xb6: {  	[dreg:$0x4] =	wrdreg s24  }
0xb7: {  	[dreg:$0x5] =	wrdreg $0x9  }
0xb8: {  	_ =	task.clear_ibuf [dreg:s8], $0x6FFFF;
	_ =	strace $0x90000046  }
0xb9: {  	s29 =	simm.s32 $0x9;
	_ =	strace $0x80000048  }
0xba: {  	_ =	swait.ge [sflag:s29], $0x1  }
0xbb: {  	[sflag:s29] =	ssyncadd.s32 $0xFFFFFFFF  }
0xbc: {  	_ =	strace $0x90000048  }
0xbd: {  	_ =	sfence  }
0xbe: {  	s30 =	sld [smem:$0x0];
	_ =	sdelay $0x2  }
0xbf: {  	s31 =	sshll.u32 s1, $0xD;
	s1 =	sshrl.u32 s1, $0x2  }
0xc0: {  	s3 =	sand.u32 $0x4000, s31;
	s1 =	sadd.s32 s1, s30  }
0xc1: {  	s0 =	sor.u32 s3, s0;
	s1 =	sshll.u32 s1, $0x11  }
0xc2: {  	s0 =	sor.u32 s1, s0  }
0xc3: {  	s0 =	sadd.s32 $0x8F2B, s0  }
0xc4: {  	[sflag:s0] =	ssyncadd.remote.s32 $0x1  }
0xc5: {  	_ =	sfence.sel $0xFFFF  }
0xc6: {  	[dreg:$0x0] =	wrdreg $0xFFFFFFFF;
	(pc) =	sbr.abs _section_cstart, $3  }
0xc7: {  	[dreg:$0x1] =	wrdreg $0xFFFFFFFF  }
0xc8: {  	_ =	task.clear_ibuf [dreg:s8], $0x2FFFF;
	_ =	strace $0x9FFFFFFF  }
0xc9: {  	(tm) =	ssettm $0x7FFFFFFF  }
tec
execute0_lowered:
.L_overlay_start_1:
0x0: {  	(tag) =	ssettag $0x1  }
0x1: {  	s3 =	rddreg [dreg:$0x0]  }
0x2: {  	s0 =	rddreg [dreg:$0x1]  }
0x3: {  	s1 =	srdreg.scid;
	s2 =	stileid.u32  }
0x4: {  	s4 =	rddreg [dreg:$0x2];
	s28 =	simm.s32 $0x9;
	s10 =	simm.s32 $0x800  }
0x5: {  	s29 =	simm.s32 $0x80;
	s9 =	simm.s32 $0x3000;
	s30 =	simm.s32 $0x100  }
0x6: {  	s31 =	simm.s32 $0x180;
	s15 =	simm.s32 $0x8000;
	s14 =	simm.s32 $0x1  }
0x7: {  	s26 =	simm.s32 $0x200;
	s12 =	simm.s32 $0x2;
	s25 =	simm.s32 $0x280  }
0x8: {  	s13 =	simm.s32 $0x7;
	p0 =	por $0x0, $0x0;
	s16 =	simm.s32 $0x8  }
0x9: {  	s1 =	sand.u32 $0x1, s1;
	s5 =	sshll.u32 s2, $0x1;
	s2 =	simm.s32 $0x0  }
0xa: {  	s4 =	sadd.s32 $0x1C00, s4;
	s5 =	sor.u32 s1, s5;
	[smem:$0x7FF] =	sst s2  }
0xb: {  	s1 =	ssub.s32 $0x2, s1;
	s6 =	smul.u32 $0x19000, s5;
	_ =	strace $0x80000047  }
0xc: {  	s7 =	sshll.u32 s5, $0x8;
	s5 =	smul.u32 $0x3200, s5;
	s21 =	sshrl.u32 s1, $0x1  }
0xd: {  	s0 =	sadd.s32 s0, s7;
	s1 =	ssub.s32 s1, s21;
	s7 =	simm.s32 $0x6  }
0xe: {  	s21 =	simm.s32 $0x480;
	s6 =	sshrl.u32 s6, $0x3;
	[dreg:$0x4] =	wrdreg s0  }
0xf: {  	s17 =	sadd.s32 s4, s5;
	s24 =	smax.u32 s1, $0x1;
	s4 =	sadd.s32 s4, s6  }
0x10: {  	[dreg:$0x5] =	wrdreg s17;
	s17 =	simm.s32 $0x50;
	s6 =	simm.s32 $0x5  }
0x11: {  	p1 =	sne.s32 s24, $0x1;
	s1 =	sadd.s32 $0xFFFFFFFF, s24;
	s24 =	simm.s32 $0x300  }
0x12: {  	s0 =	rddreg [dreg:$0x4];
	s18 =	sadd.s32 $0x500, s4;
	s19 =	sadd.s32 $0xA00, s4  }
0x13: {  	s20 =	sadd.s32 $0xF00, s4;
	s22 =	sadd.s32 $0x1400, s4;
	[dreg:$0x6] =	wrdreg s18  }
.Ltmp0:
0x14: {  	s23 =	sadd.s32 $0x1900, s4;
	[dreg:$0x7] =	wrdreg s19;
	(pc) =	sbr.rel @!p1 .LBB2_3-.Ltmp0, $4  }
0x15: {  	s11 =	sadd.s32 $0x1E00, s4;
	s8 =	sadd.s32 $0x2300, s4;
	[dreg:$0x8] =	wrdreg s20  }
0x16: {  	s5 =	sadd.s32 $0x2800, s4;
	s4 =	sadd.s32 $0x2D00, s4;
	[dreg:$0x9] =	wrdreg s22  }
0x17: {  	[dreg:$0xa] =	wrdreg s23;
	s18 =	simm.s32 $0x5800;
	s19 =	simm.s32 $0x3  }
0x18: {  	s20 =	simm.s32 $0x4;
	s23 =	simm.s32 $0x380;
	s22 =	simm.s32 $0x400  }
0x19: {  	[tilespmem:s2], [sflag:$0x9] =	stream.linear.gather [hbm4b:s0+s2], $0x500, $0x38;
	[tilespmem:$0xA800] =	vst v63  }
0x1a: {  	_ =	swait.ge [sflag:s28], $0x500  }
0x1b: {  	[sflag:s28] =	ssyncset.done $0x0  }
0x1c: {  	[sflag:s28] =	ssyncadd.s32 $0xFFFFFB00  }
0x1d: {  	[tilespmem:s10], [sflag:$0x1] =	stream.indirect.gather [hbm4b:s3+s17], $0x80, s2, s17, $0xb8;
	[tilespmem:$0xA800] =	vst v63  }
0x1e: {  	_ = 	snop  }
0x1f: {  	[tilespmem:s9], [sflag:$0x2] =	stream.indirect.gather [hbm4b:s3+s17], $0x80, s29, s17, $0xb8;
	[tilespmem:$0xA800] =	vst v63  }
0x20: {  	_ = 	snop  }
0x21: {  	[tilespmem:s18], [sflag:$0x3] =	stream.indirect.gather [hbm4b:s3+s17], $0x80, s30, s17, $0xb8;
	[tilespmem:$0xA800] =	vst v63  }
0x22: {  	_ = 	snop  }
0x23: {  	[tilespmem:s15], [sflag:$0x4] =	stream.indirect.gather [hbm4b:s3+s17], $0x80, s31, s17, $0xb8;
	[tilespmem:$0xA800] =	vst v63  }
0x24: {  	_ =	swait.ge [sflag:s14], $0x2800  }
0x25: {  	[sflag:s14] =	ssyncset.done $0x0  }
0x26: {  	s0 =	rddreg [dreg:$0x5];
	[sflag:s14] =	ssyncadd.s32 $0xFFFFD800  }
0x27: {  	[hbm4b:s0+s2] =	stream.linear.scatter [tilespmem:s10], [sflag:$0x5], $0x2800, $0x38;
	[tilespmem:$0xA800] =	vst v63  }
0x28: {  	_ =	swait.ge [sflag:s6], $0x2800  }
0x29: {  	[sflag:s6] =	ssyncset.done $0x0  }
0x2a: {  	[sflag:s6] =	ssyncadd.s32 $0xFFFFD800  }
0x2b: {  	[tilespmem:s10], [sflag:$0x1] =	stream.indirect.gather [hbm4b:s3+s17], $0x80, s26, s17, $0xb8;
	[tilespmem:$0xA800] =	vst v63  }
0x2c: {  	_ =	swait.ge [sflag:s12], $0x2800  }
0x2d: {  	[sflag:s12] =	ssyncset.done $0x0  }
0x2e: {  	s0 =	rddreg [dreg:$0x6];
	[sflag:s12] =	ssyncadd.s32 $0xFFFFD800  }
0x2f: {  	[hbm4b:s0+s2] =	stream.linear.scatter [tilespmem:s9], [sflag:$0x6], $0x2800, $0x38;
	[tilespmem:$0xA800] =	vst v63  }
0x30: {  	_ =	swait.ge [sflag:s7], $0x2800  }
0x31: {  	[sflag:s7] =	ssyncset.done $0x0  }
0x32: {  	[sflag:s7] =	ssyncadd.s32 $0xFFFFD800  }
0x33: {  	[tilespmem:s9], [sflag:$0x2] =	stream.indirect.gather [hbm4b:s3+s17], $0x80, s25, s17, $0xb8;
	[tilespmem:$0xA800] =	vst v63  }
0x34: {  	_ =	swait.ge [sflag:s19], $0x2800  }
0x35: {  	[sflag:s19] =	ssyncset.done $0x0  }
0x36: {  	s0 =	rddreg [dreg:$0x7];
	[sflag:s19] =	ssyncadd.s32 $0xFFFFD800  }
0x37: {  	[hbm4b:s0+s2] =	stream.linear.scatter [tilespmem:s18], [sflag:$0x7], $0x2800, $0x38;
	[tilespmem:$0xA800] =	vst v63  }
0x38: {  	_ =	swait.ge [sflag:s13], $0x2800  }
0x39: {  	[sflag:s13] =	ssyncset.done $0x0  }
0x3a: {  	[sflag:s13] =	ssyncadd.s32 $0xFFFFD800  }
0x3b: {  	[tilespmem:s18], [sflag:$0x3] =	stream.indirect.gather [hbm4b:s3+s17], $0x80, s24, s17, $0xb8;
	[tilespmem:$0xA800] =	vst v63  }
0x3c: {  	_ =	swait.ge [sflag:s20], $0x2800  }
0x3d: {  	[sflag:s20] =	ssyncset.done $0x0  }
0x3e: {  	s0 =	rddreg [dreg:$0x8];
	[sflag:s20] =	ssyncadd.s32 $0xFFFFD800  }
0x3f: {  	[hbm4b:s0+s2] =	stream.linear.scatter [tilespmem:s15], [sflag:$0x8], $0x2800, $0x38;
	[tilespmem:$0xA800] =	vst v63  }
0x40: {  	_ =	swait.ge [sflag:s16], $0x2800  }
0x41: {  	[sflag:s16] =	ssyncset.done $0x0  }
0x42: {  	[sflag:s16] =	ssyncadd.s32 $0xFFFFD800  }
0x43: {  	[tilespmem:s15], [sflag:$0x4] =	stream.indirect.gather [hbm4b:s3+s17], $0x80, s23, s17, $0xb8;
	[tilespmem:$0xA800] =	vst v63  }
0x44: {  	_ =	swait.ge [sflag:s14], $0x2800  }
0x45: {  	[sflag:s14] =	ssyncset.done $0x0  }
0x46: {  	s0 =	rddreg [dreg:$0x9];
	[sflag:s14] =	ssyncadd.s32 $0xFFFFD800  }
0x47: {  	[hbm4b:s0+s2] =	stream.linear.scatter [tilespmem:s10], [sflag:$0x5], $0x2800, $0x38;
	[tilespmem:$0xA800] =	vst v63  }
0x48: {  	_ =	swait.ge [sflag:s6], $0x2800  }
0x49: {  	[sflag:s6] =	ssyncset.done $0x0  }
0x4a: {  	[sflag:s6] =	ssyncadd.s32 $0xFFFFD800  }
0x4b: {  	[tilespmem:s10], [sflag:$0x1] =	stream.indirect.gather [hbm4b:s3+s17], $0x80, s22, s17, $0xb8;
	[tilespmem:$0xA800] =	vst v63  }
0x4c: {  	_ =	swait.ge [sflag:s12], $0x2800  }
0x4d: {  	[sflag:s12] =	ssyncset.done $0x0  }
0x4e: {  	s0 =	rddreg [dreg:$0xa];
	[sflag:s12] =	ssyncadd.s32 $0xFFFFD800  }
0x4f: {  	[hbm4b:s0+s2] =	stream.linear.scatter [tilespmem:s9], [sflag:$0x6], $0x2800, $0x38;
	[tilespmem:$0xA800] =	vst v63  }
0x50: {  	_ =	swait.ge [sflag:s7], $0x2800  }
0x51: {  	[sflag:s7] =	ssyncset.done $0x0  }
0x52: {  	[sflag:s7] =	ssyncadd.s32 $0xFFFFD800  }
0x53: {  	[tilespmem:s9], [sflag:$0x2] =	stream.indirect.gather [hbm4b:s3+s17], $0x80, s21, s17, $0xb8;
	[tilespmem:$0xA800] =	vst v63  }
0x54: {  	_ =	swait.ge [sflag:s19], $0x2800  }
0x55: {  	[sflag:s19] =	ssyncset.done $0x0  }
0x56: {  	[sflag:s19] =	ssyncadd.s32 $0xFFFFD800  }
0x57: {  	[hbm4b:s11+s2] =	stream.linear.scatter [tilespmem:s18], [sflag:$0x7], $0x2800, $0x38;
	[tilespmem:$0xA800] =	vst v63  }
0x58: {  	_ =	swait.ge [sflag:s20], $0x2800  }
0x59: {  	[sflag:s20] =	ssyncset.done $0x0  }
0x5a: {  	[sflag:s20] =	ssyncadd.s32 $0xFFFFD800  }
0x5b: {  	[hbm4b:s8+s2] =	stream.linear.scatter [tilespmem:s15], [sflag:$0x8], $0x2800, $0x38;
	[tilespmem:$0xA800] =	vst v63  }
0x5c: {  	_ =	swait.ge [sflag:s14], $0x2800  }
0x5d: {  	[sflag:s14] =	ssyncset.done $0x0  }
0x5e: {  	[sflag:s14] =	ssyncadd.s32 $0xFFFFD800  }
0x5f: {  	[hbm4b:s5+s2] =	stream.linear.scatter [tilespmem:s10], [sflag:$0x5], $0x2800, $0x38;
	[tilespmem:$0xA800] =	vst v63  }
0x60: {  	_ =	swait.ge [sflag:s12], $0x2800  }
0x61: {  	[sflag:s12] =	ssyncset.done $0x0  }
0x62: {  	[sflag:s12] =	ssyncadd.s32 $0xFFFFD800  }
0x63: {  	[hbm4b:s4+s2] =	stream.linear.scatter [tilespmem:s9], [sflag:$0x6], $0x2800, $0x38;
	[tilespmem:$0xA800] =	vst v63  }
0x64: {  	_ =	swait.ge [sflag:s13], $0x2800  }
0x65: {  	[sflag:s13] =	ssyncset.done $0x0  }
0x66: {  	[sflag:s13] =	ssyncadd.s32 $0xFFFFD800  }
0x67: {  	_ =	swait.ge [sflag:s16], $0x2800  }
0x68: {  	[sflag:s16] =	ssyncset.done $0x0  }
0x69: {  	p1 =	sne.s32 s1, $0x1;
	[sflag:s16] =	ssyncadd.s32 $0xFFFFD800  }
.Ltmp1:
0x6a: {  	_ =	swait.ge [sflag:s6], $0x2800;
	(pc) =	sbr.rel @!p1 .LBB2_3-.Ltmp1, $4  }
0x6b: {  	[sflag:s6] =	ssyncset.done $0x0  }
0x6c: {  	[sflag:s6] =	ssyncadd.s32 $0xFFFFD800  }
0x6d: {  	s1 =	sadd.s32 $0xFFFFFFFF, s1;
	_ =	swait.ge [sflag:s7], $0x2800  }
0x6e: {  	p0 =	por $0x1, $0x1;
	s0 =	rddreg [dreg:$0x4];
	[sflag:s7] =	ssyncset.done $0x0  }
.LBB2_2:
0x6f: {  	[sflag:s7] =	ssyncadd.s32 $0xFFFFD800  }
0x70: {  	[tilespmem:s2], [sflag:$0x9] =	stream.linear.gather [hbm4b:s0+s2], $0x500, $0x38;
	[tilespmem:$0xA800] =	vst v63  }
0x71: {  	_ =	swait.ge [sflag:s28], $0x500  }
0x72: {  	[sflag:s28] =	ssyncset.done $0x0  }
0x73: {  	[sflag:s28] =	ssyncadd.s32 $0xFFFFFB00  }
0x74: {  	[tilespmem:s10], [sflag:$0x1] =	stream.indirect.gather [hbm4b:s3+s17], $0x80, s2, s17, $0xb8;
	[tilespmem:$0xA800] =	vst v63  }
0x75: {  	_ = 	snop  }
0x76: {  	[tilespmem:s9], [sflag:$0x2] =	stream.indirect.gather [hbm4b:s3+s17], $0x80, s29, s17, $0xb8;
	[tilespmem:$0xA800] =	vst v63  }
0x77: {  	_ = 	snop  }
0x78: {  	[tilespmem:s18], [sflag:$0x3] =	stream.indirect.gather [hbm4b:s3+s17], $0x80, s30, s17, $0xb8;
	[tilespmem:$0xA800] =	vst v63  }
0x79: {  	_ = 	snop  }
0x7a: {  	[tilespmem:s15], [sflag:$0x4] =	stream.indirect.gather [hbm4b:s3+s17], $0x80, s31, s17, $0xb8;
	[tilespmem:$0xA800] =	vst v63  }
0x7b: {  	_ =	swait.ge [sflag:s14], $0x2800  }
0x7c: {  	[sflag:s14] =	ssyncset.done $0x0  }
0x7d: {  	s0 =	rddreg [dreg:$0x5];
	[sflag:s14] =	ssyncadd.s32 $0xFFFFD800  }
0x7e: {  	[hbm4b:s0+s2] =	stream.linear.scatter [tilespmem:s10], [sflag:$0x5], $0x2800, $0x38;
	[tilespmem:$0xA800] =	vst v63  }
0x7f: {  	_ =	swait.ge [sflag:s6], $0x2800  }
0x80: {  	[sflag:s6] =	ssyncset.done $0x0  }
0x81: {  	[sflag:s6] =	ssyncadd.s32 $0xFFFFD800  }
0x82: {  	[tilespmem:s10], [sflag:$0x1] =	stream.indirect.gather [hbm4b:s3+s17], $0x80, s26, s17, $0xb8;
	[tilespmem:$0xA800] =	vst v63  }
0x83: {  	_ =	swait.ge [sflag:s12], $0x2800  }
0x84: {  	[sflag:s12] =	ssyncset.done $0x0  }
0x85: {  	s0 =	rddreg [dreg:$0x6];
	[sflag:s12] =	ssyncadd.s32 $0xFFFFD800  }
0x86: {  	[hbm4b:s0+s2] =	stream.linear.scatter [tilespmem:s9], [sflag:$0x6], $0x2800, $0x38;
	[tilespmem:$0xA800] =	vst v63  }
0x87: {  	_ =	swait.ge [sflag:s7], $0x2800  }
0x88: {  	[sflag:s7] =	ssyncset.done $0x0  }
0x89: {  	[sflag:s7] =	ssyncadd.s32 $0xFFFFD800  }
0x8a: {  	[tilespmem:s9], [sflag:$0x2] =	stream.indirect.gather [hbm4b:s3+s17], $0x80, s25, s17, $0xb8;
	[tilespmem:$0xA800] =	vst v63  }
0x8b: {  	_ =	swait.ge [sflag:s19], $0x2800  }
0x8c: {  	[sflag:s19] =	ssyncset.done $0x0  }
0x8d: {  	s0 =	rddreg [dreg:$0x7];
	[sflag:s19] =	ssyncadd.s32 $0xFFFFD800  }
0x8e: {  	[hbm4b:s0+s2] =	stream.linear.scatter [tilespmem:s18], [sflag:$0x7], $0x2800, $0x38;
	[tilespmem:$0xA800] =	vst v63  }
0x8f: {  	_ =	swait.ge [sflag:s13], $0x2800  }
0x90: {  	[sflag:s13] =	ssyncset.done $0x0  }
0x91: {  	[sflag:s13] =	ssyncadd.s32 $0xFFFFD800  }
0x92: {  	[tilespmem:s18], [sflag:$0x3] =	stream.indirect.gather [hbm4b:s3+s17], $0x80, s24, s17, $0xb8;
	[tilespmem:$0xA800] =	vst v63  }
0x93: {  	_ =	swait.ge [sflag:s20], $0x2800  }
0x94: {  	[sflag:s20] =	ssyncset.done $0x0  }
0x95: {  	s0 =	rddreg [dreg:$0x8];
	[sflag:s20] =	ssyncadd.s32 $0xFFFFD800  }
0x96: {  	[hbm4b:s0+s2] =	stream.linear.scatter [tilespmem:s15], [sflag:$0x8], $0x2800, $0x38;
	[tilespmem:$0xA800] =	vst v63  }
0x97: {  	_ =	swait.ge [sflag:s16], $0x2800  }
0x98: {  	[sflag:s16] =	ssyncset.done $0x0  }
0x99: {  	[sflag:s16] =	ssyncadd.s32 $0xFFFFD800  }
0x9a: {  	[tilespmem:s15], [sflag:$0x4] =	stream.indirect.gather [hbm4b:s3+s17], $0x80, s23, s17, $0xb8;
	[tilespmem:$0xA800] =	vst v63  }
0x9b: {  	_ =	swait.ge [sflag:s14], $0x2800  }
0x9c: {  	[sflag:s14] =	ssyncset.done $0x0  }
0x9d: {  	s0 =	rddreg [dreg:$0x9];
	[sflag:s14] =	ssyncadd.s32 $0xFFFFD800  }
0x9e: {  	[hbm4b:s0+s2] =	stream.linear.scatter [tilespmem:s10], [sflag:$0x5], $0x2800, $0x38;
	[tilespmem:$0xA800] =	vst v63  }
0x9f: {  	_ =	swait.ge [sflag:s6], $0x2800  }
0xa0: {  	[sflag:s6] =	ssyncset.done $0x0  }
0xa1: {  	[sflag:s6] =	ssyncadd.s32 $0xFFFFD800  }
0xa2: {  	[tilespmem:s10], [sflag:$0x1] =	stream.indirect.gather [hbm4b:s3+s17], $0x80, s22, s17, $0xb8;
	[tilespmem:$0xA800] =	vst v63  }
0xa3: {  	_ =	swait.ge [sflag:s12], $0x2800  }
0xa4: {  	[sflag:s12] =	ssyncset.done $0x0  }
0xa5: {  	s0 =	rddreg [dreg:$0xa];
	[sflag:s12] =	ssyncadd.s32 $0xFFFFD800  }
0xa6: {  	[hbm4b:s0+s2] =	stream.linear.scatter [tilespmem:s9], [sflag:$0x6], $0x2800, $0x38;
	[tilespmem:$0xA800] =	vst v63  }
0xa7: {  	_ =	swait.ge [sflag:s7], $0x2800  }
0xa8: {  	[sflag:s7] =	ssyncset.done $0x0  }
0xa9: {  	[sflag:s7] =	ssyncadd.s32 $0xFFFFD800  }
0xaa: {  	[tilespmem:s9], [sflag:$0x2] =	stream.indirect.gather [hbm4b:s3+s17], $0x80, s21, s17, $0xb8;
	[tilespmem:$0xA800] =	vst v63  }
0xab: {  	_ =	swait.ge [sflag:s19], $0x2800  }
0xac: {  	[sflag:s19] =	ssyncset.done $0x0  }
0xad: {  	[sflag:s19] =	ssyncadd.s32 $0xFFFFD800  }
0xae: {  	[hbm4b:s11+s2] =	stream.linear.scatter [tilespmem:s18], [sflag:$0x7], $0x2800, $0x38;
	[tilespmem:$0xA800] =	vst v63  }
0xaf: {  	_ =	swait.ge [sflag:s20], $0x2800  }
0xb0: {  	[sflag:s20] =	ssyncset.done $0x0  }
0xb1: {  	[sflag:s20] =	ssyncadd.s32 $0xFFFFD800  }
0xb2: {  	[hbm4b:s8+s2] =	stream.linear.scatter [tilespmem:s15], [sflag:$0x8], $0x2800, $0x38;
	[tilespmem:$0xA800] =	vst v63  }
0xb3: {  	_ =	swait.ge [sflag:s14], $0x2800  }
0xb4: {  	[sflag:s14] =	ssyncset.done $0x0  }
0xb5: {  	[sflag:s14] =	ssyncadd.s32 $0xFFFFD800  }
0xb6: {  	[hbm4b:s5+s2] =	stream.linear.scatter [tilespmem:s10], [sflag:$0x5], $0x2800, $0x38;
	[tilespmem:$0xA800] =	vst v63  }
0xb7: {  	_ =	swait.ge [sflag:s12], $0x2800  }
0xb8: {  	[sflag:s12] =	ssyncset.done $0x0  }
0xb9: {  	[sflag:s12] =	ssyncadd.s32 $0xFFFFD800  }
0xba: {  	[hbm4b:s4+s2] =	stream.linear.scatter [tilespmem:s9], [sflag:$0x6], $0x2800, $0x38;
	[tilespmem:$0xA800] =	vst v63  }
0xbb: {  	_ =	swait.ge [sflag:s13], $0x2800  }
0xbc: {  	[sflag:s13] =	ssyncset.done $0x0  }
0xbd: {  	[sflag:s13] =	ssyncadd.s32 $0xFFFFD800  }
0xbe: {  	_ =	swait.ge [sflag:s16], $0x2800  }
0xbf: {  	[sflag:s16] =	ssyncset.done $0x0  }
0xc0: {  	p1 =	sne.s32 s1, $0x1;
	[sflag:s16] =	ssyncadd.s32 $0xFFFFD800  }
.Ltmp2:
0xc1: {  	_ =	swait.ge [sflag:s6], $0x2800;
	(pc) =	sbr.rel @p1 .LBB2_2-.Ltmp2, $4  }
0xc2: {  	[sflag:s6] =	ssyncset.done $0x0  }
0xc3: {  	[sflag:s6] =	ssyncadd.s32 $0xFFFFD800  }
0xc4: {  	_ =	swait.ge [sflag:s7], $0x2800  }
0xc5: {  	s1 =	sadd.s32 $0xFFFFFFFF, s1;
	s0 =	rddreg [dreg:$0x4];
	[sflag:s7] =	ssyncset.done $0x0  }
.LBB2_3:
0xc6: {  	[sflag:s7] =	ssyncadd.s32 @p0 $0xFFFFD800  }
0xc7: {  	[tilespmem:s2], [sflag:$0x9] =	stream.linear.gather [hbm4b:s0+s2], $0x500, $0x38;
	[tilespmem:$0xA800] =	vst v63  }
0xc8: {  	_ =	swait.ge [sflag:s28], $0x500  }
0xc9: {  	[sflag:s28] =	ssyncset.done $0x0  }
0xca: {  	[sflag:s28] =	ssyncadd.s32 $0xFFFFFB00  }
0xcb: {  	[tilespmem:s10], [sflag:$0x1] =	stream.indirect.gather [hbm4b:s3+s17], $0x80, s2, s17, $0xb8;
	[tilespmem:$0xA800] =	vst v63  }
0xcc: {  	_ = 	snop  }
0xcd: {  	[tilespmem:s9], [sflag:$0x2] =	stream.indirect.gather [hbm4b:s3+s17], $0x80, s29, s17, $0xb8;
	[tilespmem:$0xA800] =	vst v63  }
0xce: {  	_ = 	snop  }
0xcf: {  	[tilespmem:s18], [sflag:$0x3] =	stream.indirect.gather [hbm4b:s3+s17], $0x80, s30, s17, $0xb8;
	[tilespmem:$0xA800] =	vst v63  }
0xd0: {  	_ = 	snop  }
0xd1: {  	[tilespmem:s15], [sflag:$0x4] =	stream.indirect.gather [hbm4b:s3+s17], $0x80, s31, s17, $0xb8;
	[tilespmem:$0xA800] =	vst v63  }
0xd2: {  	_ =	swait.ge [sflag:s14], $0x2800  }
0xd3: {  	[sflag:s14] =	ssyncset.done $0x0  }
0xd4: {  	s31 =	rddreg [dreg:$0x5];
	[sflag:s14] =	ssyncadd.s32 $0xFFFFD800  }
0xd5: {  	[hbm4b:s31+s2] =	stream.linear.scatter [tilespmem:s10], [sflag:$0x5], $0x2800, $0x38;
	[tilespmem:$0xA800] =	vst v63  }
0xd6: {  	_ =	swait.ge [sflag:s6], $0x2800  }
0xd7: {  	[sflag:s6] =	ssyncset.done $0x0  }
0xd8: {  	[sflag:s6] =	ssyncadd.s32 $0xFFFFD800  }
0xd9: {  	[tilespmem:s10], [sflag:$0x1] =	stream.indirect.gather [hbm4b:s3+s17], $0x80, s26, s17, $0xb8;
	[tilespmem:$0xA800] =	vst v63  }
0xda: {  	_ =	swait.ge [sflag:s12], $0x2800  }
0xdb: {  	[sflag:s12] =	ssyncset.done $0x0  }
0xdc: {  	s1 =	rddreg [dreg:$0x6];
	[sflag:s12] =	ssyncadd.s32 $0xFFFFD800  }
0xdd: {  	[hbm4b:s1+s2] =	stream.linear.scatter [tilespmem:s9], [sflag:$0x6], $0x2800, $0x38;
	[tilespmem:$0xA800] =	vst v63  }
0xde: {  	_ =	swait.ge [sflag:s7], $0x2800  }
0xdf: {  	[sflag:s7] =	ssyncset.done $0x0  }
0xe0: {  	[sflag:s7] =	ssyncadd.s32 $0xFFFFD800  }
0xe1: {  	[tilespmem:s9], [sflag:$0x2] =	stream.indirect.gather [hbm4b:s3+s17], $0x80, s25, s17, $0xb8;
	[tilespmem:$0xA800] =	vst v63  }
0xe2: {  	_ =	swait.ge [sflag:s19], $0x2800  }
0xe3: {  	[sflag:s19] =	ssyncset.done $0x0  }
0xe4: {  	s26 =	rddreg [dreg:$0x7];
	[sflag:s19] =	ssyncadd.s32 $0xFFFFD800  }
0xe5: {  	[hbm4b:s26+s2] =	stream.linear.scatter [tilespmem:s18], [sflag:$0x7], $0x2800, $0x38;
	[tilespmem:$0xA800] =	vst v63  }
0xe6: {  	_ =	swait.ge [sflag:s13], $0x2800  }
0xe7: {  	[sflag:s13] =	ssyncset.done $0x0  }
0xe8: {  	[sflag:s13] =	ssyncadd.s32 $0xFFFFD800  }
0xe9: {  	[tilespmem:s18], [sflag:$0x3] =	stream.indirect.gather [hbm4b:s3+s17], $0x80, s24, s17, $0xb8;
	[tilespmem:$0xA800] =	vst v63  }
0xea: {  	_ =	swait.ge [sflag:s20], $0x2800  }
0xeb: {  	[sflag:s20] =	ssyncset.done $0x0  }
0xec: {  	s28 =	rddreg [dreg:$0x8];
	[sflag:s20] =	ssyncadd.s32 $0xFFFFD800  }
0xed: {  	[hbm4b:s28+s2] =	stream.linear.scatter [tilespmem:s15], [sflag:$0x8], $0x2800, $0x38;
	[tilespmem:$0xA800] =	vst v63  }
0xee: {  	_ =	swait.ge [sflag:s16], $0x2800  }
0xef: {  	[sflag:s16] =	ssyncset.done $0x0  }
0xf0: {  	[sflag:s16] =	ssyncadd.s32 $0xFFFFD800  }
0xf1: {  	[tilespmem:s15], [sflag:$0x4] =	stream.indirect.gather [hbm4b:s3+s17], $0x80, s23, s17, $0xb8;
	[tilespmem:$0xA800] =	vst v63  }
0xf2: {  	_ =	swait.ge [sflag:s14], $0x2800  }
0xf3: {  	[sflag:s14] =	ssyncset.done $0x0  }
0xf4: {  	s29 =	rddreg [dreg:$0x9];
	[sflag:s14] =	ssyncadd.s32 $0xFFFFD800  }
0xf5: {  	[hbm4b:s29+s2] =	stream.linear.scatter [tilespmem:s10], [sflag:$0x5], $0x2800, $0x38;
	[tilespmem:$0xA800] =	vst v63  }
0xf6: {  	_ =	swait.ge [sflag:s6], $0x2800  }
0xf7: {  	[sflag:s6] =	ssyncset.done $0x0  }
0xf8: {  	[sflag:s6] =	ssyncadd.s32 $0xFFFFD800  }
0xf9: {  	[tilespmem:s10], [sflag:$0x1] =	stream.indirect.gather [hbm4b:s3+s17], $0x80, s22, s17, $0xb8;
	[tilespmem:$0xA800] =	vst v63  }
0xfa: {  	_ =	swait.ge [sflag:s12], $0x2800  }
0xfb: {  	[sflag:s12] =	ssyncset.done $0x0  }
0xfc: {  	s30 =	rddreg [dreg:$0xa];
	[sflag:s12] =	ssyncadd.s32 $0xFFFFD800  }
0xfd: {  	[hbm4b:s30+s2] =	stream.linear.scatter [tilespmem:s9], [sflag:$0x6], $0x2800, $0x38;
	[tilespmem:$0xA800] =	vst v63  }
0xfe: {  	_ =	swait.ge [sflag:s7], $0x2800  }
0xff: {  	[sflag:s7] =	ssyncset.done $0x0  }
0x100: {  	[sflag:s7] =	ssyncadd.s32 $0xFFFFD800  }
0x101: {  	[tilespmem:s9], [sflag:$0x2] =	stream.indirect.gather [hbm4b:s3+s17], $0x80, s21, s17, $0xb8;
	[tilespmem:$0xA800] =	vst v63  }
0x102: {  	_ =	swait.ge [sflag:s19], $0x2800  }
0x103: {  	[sflag:s19] =	ssyncset.done $0x0  }
0x104: {  	[sflag:s19] =	ssyncadd.s32 $0xFFFFD800  }
0x105: {  	[hbm4b:s11+s2] =	stream.linear.scatter [tilespmem:s18], [sflag:$0x7], $0x2800, $0x38;
	[tilespmem:$0xA800] =	vst v63  }
0x106: {  	_ =	swait.ge [sflag:s20], $0x2800  }
0x107: {  	[sflag:s20] =	ssyncset.done $0x0  }
0x108: {  	[sflag:s20] =	ssyncadd.s32 $0xFFFFD800  }
0x109: {  	[hbm4b:s8+s2] =	stream.linear.scatter [tilespmem:s15], [sflag:$0x8], $0x2800, $0x38;
	[tilespmem:$0xA800] =	vst v63  }
0x10a: {  	_ =	swait.ge [sflag:s14], $0x2800  }
0x10b: {  	[sflag:s14] =	ssyncset.done $0x0  }
0x10c: {  	[sflag:s14] =	ssyncadd.s32 $0xFFFFD800  }
0x10d: {  	[hbm4b:s5+s2] =	stream.linear.scatter [tilespmem:s10], [sflag:$0x5], $0x2800, $0x38;
	[tilespmem:$0xA800] =	vst v63  }
0x10e: {  	_ =	swait.ge [sflag:s12], $0x2800  }
0x10f: {  	[sflag:s12] =	ssyncset.done $0x0  }
0x110: {  	[sflag:s12] =	ssyncadd.s32 $0xFFFFD800  }
0x111: {  	[hbm4b:s4+s2] =	stream.linear.scatter [tilespmem:s9], [sflag:$0x6], $0x2800, $0x38;
	[tilespmem:$0xA800] =	vst v63  }
0x112: {  	_ =	swait.ge [sflag:s13], $0x2800  }
0x113: {  	[sflag:s13] =	ssyncset.done $0x0  }
0x114: {  	[sflag:s13] =	ssyncadd.s32 $0xFFFFD800  }
0x115: {  	_ =	swait.ge [sflag:s16], $0x2800  }
0x116: {  	[sflag:s16] =	ssyncset.done $0x0  }
0x117: {  	[sflag:s16] =	ssyncadd.s32 $0xFFFFD800  }
0x118: {  	_ =	swait.ge [sflag:s6], $0x2800  }
0x119: {  	[sflag:s6] =	ssyncset.done $0x0  }
0x11a: {  	[sflag:s6] =	ssyncadd.s32 $0xFFFFD800  }
0x11b: {  	_ =	swait.ge [sflag:s7], $0x2800  }
0x11c: {  	[sflag:s7] =	ssyncset.done $0x0  }
0x11d: {  	[sflag:s7] =	ssyncadd.s32 $0xFFFFD800  }
0x11e: {  	_ =	sfence.sel $0x180000  }
0x11f: {  	[bflag:$0x0] =	sbarrier.arrive $0xFFFF  }
0x120: {  	_ =	strace $0x90000047  }
0x121: {  	s31 =	stileid.u32;
	[bflag:$0x2] =	sbarrier.arrive $0xFFFF  }
0x122: {  	p0 =	sne.s32 s31, $0x0;
	s0 =	rddreg [dreg:$0x3]  }
0x123: {  	s0 =	sadd.s32 @!p0 $0x100000, s0  }
0x124: {  	[sflag:s0] =	ssyncadd.tile.s32 @!p0 $0x1;
	_ =	shalt  }
.Lfunc_end2:
_tile_overlayer_lowered:
.L_overlay_start_2:
0x125: {  	(tag) =	ssettag $0x2  }
0x126: {  	s0 =	rddreg [dreg:$0x0];
	s2 =	stileid.u32  }
0x127: {  	s1 =	rddreg [dreg:$0x1];
	p0 =	sne.s32 s2, $0x0  }
0x128: {  	s3 =	rddreg [dreg:$0x2];
	[bflag:$0x3] =	sbarrier.arrive $0xFFFF;
	s2 =	simm.s32 @!p0 $0x1C09  }
0x129: {  	[timem:s3], [sflag:s2] =	dma.local @!p0 [hbm:s0], s1  }
0x12a: {  	s0 =	simm.s32 @!p0 $0x9  }
0x12b: {  	_ =	swait.ge @!p0 [sflag:s0], s1  }
0x12c: {  	s1 =	ssub.s32 @!p0 $0x0, s1;
	[sflag:s0] =	ssyncset.done @!p0 $0x0  }
0x12d: {  	[sflag:s0] =	ssyncadd.s32 @!p0 s1  }
0x12e: {  	[bflag:$0x3] =	sbarrier.arrive $0xFFFF  }
0x12f: {  	_ =	shalt  }

// kernel: kernel.9.cloned.1.call-start
scs
__scs_entry_jumppad:
0x0: {  	(pc) =	sbr.rel $0x88, $3  }
0x1: {  	(tag) =	ssettag $0x0;
	lr =	simm.s32 $0x1  }
0x2: {  	[smem:$0x3F9B] =	sst lr;
	_ =	strace $0xD0000000  }
0x3: {  	_ = 	snop  }
0x4: {  	_ = 	snop  }
0x5: {  	_ = 	snop  }
0x6: {  	_ = 	snop  }
0x7: {  	_ = 	snop  }
__scs_overlays_trampoline_lowered:
0x8: {  	[smem:$0x3FAA] =	sst s0  }
0x9: {  	[smem:$0x3FAB] =	sst s1  }
0xa: {  	[smem:$0x3FAC] =	sst s2  }
0xb: {  	[smem:$0x3FAD] =	sst s3  }
0xc: {  	[smem:$0x3FAE] =	sst s4  }
0xd: {  	[smem:$0x3FAF] =	sst s5  }
0xe: {  	[smem:$0x3FB0] =	sst s6  }
0xf: {  	[smem:$0x3FB1] =	sst s7  }
0x10: {  	[smem:$0x3FB2] =	sst s8  }
0x11: {  	[smem:$0x3FB3] =	sst s9;
	s0 =	simm.s32 @!p0 $0x0  }
0x12: {  	s1 =	sld [smem:$0x3F99];
	s0 =	simm.s32 @p0 $0x1  }
0x13: {  	[smem:$0x3FB4] =	sst s0;
	s0 =	simm.s32 @!p1 $0x0  }
0x14: {  	s2 =	sld [smem:$0x3F98];
	s0 =	simm.s32 @p1 $0x1  }
0x15: {  	[smem:$0x3FB5] =	sst s0;
	s0 =	simm.s32 @!p2 $0x0  }
0x16: {  	s3 =	sld [smem:$0x3FDB];
	s0 =	simm.s32 @p2 $0x1  }
0x17: {  	s4 =	simm.s32 $0x1BF5;
	[smem:$0x3FB7] =	sst s0  }
0x18: {  	s0 =	sld [smem:$0x3F9A];
	_ =	swait.ge [sflag:s4], $0x0  }
0x19: {  	s7 =	sld [smem:$0x3F9B]  }
0x1a: {  	s8 =	sadd.s32 $0xFFFFE003, lr  }
0x1b: {  	s9 =	sadd.s32 $0xFFFFFEF7, lr;
	s5 =	simm.s32 $0xFFFFFFFF;
	p2 =	slt.u32 s8, $0xFFFFF086  }
0x1c: {  	p1 =	slt.u32 s9, $0xF7A;
	s5 =	simm.s32 @!p2 $0x0  }
0x1d: {  	s5 =	simm.s32 @p1 $0x1;
	p0 =	seq.s32 s7, s2  }
0x1e: {  	s7 =	smul.u32 @!p0 $0xF7A, s2;
	p2 =	seq.s32 @!p0 s5, $0x0  }
0x1f: {  	s9 =	smul.u32 $0xF7A, s1;
	s8 =	simm.s32 @!p0 $0x1BF5;
	p2 =	por !p2, p0  }
0x20: {  	[sflag:s8] =	ssyncset.s32 @!p0 $0xFFFFF086;
	s6 =	sadd.s32 @!p0 s3, s7;
	s7 =	simm.s32 @!p0 $0x108  }
0x21: {  	s3 =	sadd.s32 s3, s9;
	s6 =	sadd.s32 @!p0 $0x88, s6;
	s7 =	simm.s32 @p2 $0x1082  }
0x22: {  	[simem:s7], [sflag:s8] =	dma.local @!p0 [hbm:s6], $0xF7A  }
0x23: {  	s9 =	sor.u32 $0xD0000000, s2;
	s6 =	simm.s32 $0x108;
	_ =	swait.ge @!p0 [sflag:s8], $0x0  }
0x24: {  	s3 =	sadd.s32 $0x88, s3;
	s6 =	simm.s32 @!p1 $0x1082;
	[sflag:s4] =	ssyncset.s32 $0xFFFFF086  }
0x25: {  	[simem:s6], [sflag:s4] =	dma.local [hbm:s3], $0xF7A  }
0x26: {  	[smem:$0x3F9B] =	sst s1;
	(tag) =	ssettag s2;
	_ =	strace s9  }
0x27: {  	s1 =	sld [smem:$0x3FAB]  }
0x28: {  	s2 =	sld [smem:$0x3FAC]  }
0x29: {  	s4 =	sld [smem:$0x3FAE]  }
0x2a: {  	p0 =	seq.s32 s5, $0x0;
	s5 =	sld [smem:$0x3FAF]  }
0x2b: {  	s6 =	sld [smem:$0x3FB0]  }
0x2c: {  	s7 =	sld [smem:$0x3FB1]  }
0x2d: {  	s3 =	simm.s32 $0x108;
	s8 =	sld [smem:$0x3FB2]  }
0x2e: {  	s3 =	simm.s32 @!p0 $0x1082;
	s9 =	sld [smem:$0x3FB3]  }
0x2f: {  	lr =	sadd.s32 s0, s3;
	s0 =	sld [smem:$0x3FAA]  }
0x30: {  	s3 =	sld [smem:$0x3FAD]  }
0x31: {  	[smem:$0x3FB6] =	sst s10  }
0x32: {  	s10 =	sld [smem:$0x3FB4];
	_ =	sdelay $0x3  }
0x33: {  	p0 =	seq.s32 s10, $0x1;
	s10 =	sld [smem:$0x3FB6];
	_ =	sdelay $0x3  }
0x34: {  	[smem:$0x3FB6] =	sst s10  }
0x35: {  	s10 =	sld [smem:$0x3FB5];
	_ =	sdelay $0x3  }
0x36: {  	p1 =	seq.s32 s10, $0x1;
	s10 =	sld [smem:$0x3FB6];
	_ =	sdelay $0x3  }
0x37: {  	[smem:$0x3FB6] =	sst s10  }
0x38: {  	s10 =	sld [smem:$0x3FB7]  }
0x39: {  	_ = 	snop;
	(pc) =	sbr.ind lr, $3  }
0x3a: {  	_ = 	snop  }
0x3b: {  	_ = 	snop  }
0x3c: {  	p2 =	seq.s32 s10, $0x1;
	s10 =	sld [smem:$0x3FB6]  }
0x3d: {  	_ =	shalt  }
0x3e: {  	_ =	shalt  }
0x3f: {  	_ =	shalt  }
0x40: {  	_ =	shalt  }
0x41: {  	_ =	shalt  }
0x42: {  	_ =	shalt  }
0x43: {  	_ =	shalt  }
0x44: {  	_ =	shalt  }
0x45: {  	_ =	shalt  }
0x46: {  	_ =	shalt  }
0x47: {  	_ =	shalt  }
0x48: {  	_ =	shalt  }
0x49: {  	_ =	shalt  }
0x4a: {  	_ =	shalt  }
0x4b: {  	_ =	shalt  }
0x4c: {  	_ =	shalt  }
0x4d: {  	_ =	shalt  }
0x4e: {  	_ =	shalt  }
0x4f: {  	_ =	shalt  }
0x50: {  	_ =	shalt  }
0x51: {  	_ =	shalt  }
0x52: {  	_ =	shalt  }
0x53: {  	_ =	shalt  }
0x54: {  	_ =	shalt  }
0x55: {  	_ =	shalt  }
0x56: {  	_ =	shalt  }
0x57: {  	_ =	shalt  }
0x58: {  	_ =	shalt  }
0x59: {  	_ =	shalt  }
0x5a: {  	_ =	shalt  }
0x5b: {  	_ =	shalt  }
0x5c: {  	_ =	shalt  }
0x5d: {  	_ =	shalt  }
0x5e: {  	_ =	shalt  }
0x5f: {  	_ =	shalt  }
0x60: {  	_ =	shalt  }
0x61: {  	_ =	shalt  }
0x62: {  	_ =	shalt  }
0x63: {  	_ =	shalt  }
0x64: {  	_ =	shalt  }
0x65: {  	_ =	shalt  }
0x66: {  	_ =	shalt  }
0x67: {  	_ =	shalt  }
0x68: {  	_ =	shalt  }
0x69: {  	_ =	shalt  }
0x6a: {  	_ =	shalt  }
0x6b: {  	_ =	shalt  }
0x6c: {  	_ =	shalt  }
0x6d: {  	_ =	shalt  }
0x6e: {  	_ =	shalt  }
0x6f: {  	_ =	shalt  }
0x70: {  	_ =	shalt  }
0x71: {  	_ =	shalt  }
0x72: {  	_ =	shalt  }
0x73: {  	_ =	shalt  }
0x74: {  	_ =	shalt  }
0x75: {  	_ =	shalt  }
0x76: {  	_ =	shalt  }
0x77: {  	_ =	shalt  }
0x78: {  	_ =	shalt  }
0x79: {  	_ =	shalt  }
0x7a: {  	_ =	shalt  }
0x7b: {  	_ =	shalt  }
0x7c: {  	_ =	shalt  }
0x7d: {  	_ =	shalt  }
0x7e: {  	_ =	shalt  }
0x7f: {  	_ =	shalt  }
0x80: {  	_ =	shalt  }
0x81: {  	_ =	shalt  }
0x82: {  	_ =	shalt  }
0x83: {  	_ =	shalt  }
0x84: {  	_ =	shalt  }
0x85: {  	_ =	shalt  }
0x86: {  	_ =	shalt  }
0x87: {  	_ =	shalt  }
.Lfunc_end0:
.L_simem_size_0:
called_computation.1_lowered:
.L_overlay_start_0:
0x88: {  	s2 =	sld [smem:$0x3FD9]  }
0x89: {  	s3 =	sld [smem:$0x3FFE];
	_ =	sdelay $0x1  }
0x8a: {  	s1 =	srdreg.scid  }
0x8b: {  	s0 =	sand.u32 $0x1, s1  }
0x8c: {  	s15 =	sshll.u32 s0, $0xA;
	s2 =	sadd.s32 s3, s2  }
0x8d: {  	s2 =	sadd.s32 s2, s15  }
0x8e: {  	[smem:$0x3FC2] =	sst s2  }
0x8f: {  	_ = 	snop  }
0x90: {  	s16 =	sld [smem:$0x3FD0];
	_ =	sdelay $0x2  }
0x91: {  	s4 =	simm.s32 $0xB;
	s5 =	simm.s32 $0x10;
	s2 =	sld [smem:$0x3FC8]  }
0x92: {  	[smem:s5], [sflag:s4] =	dma.local [hbm:s16], $0x1  }
0x93: {  	_ =	swait.eq [sflag:s4], $0x1  }
0x94: {  	[sflag:s4] =	ssyncset.done $0x0  }
0x95: {  	[sflag:s4] =	ssyncadd.s32 $0xFFFFFFFF  }
0x96: {  	s17 =	sld [smem:$0x11];
	(tm) =	ssettm $0x1  }
0x97: {  	s18 =	sld [smem:$0x3FFB];
	_ =	sdelay $0x3  }
0x98: {  	_ =	strace s18  }
0x99: {  	s3 =	sld [smem:$0x3FFC];
	_ =	sdelay $0x3  }
0x9a: {  	_ =	strace s3  }
0x9b: {  	s3 =	sld [smem:$0x3FFD];
	_ =	sdelay $0x3  }
0x9c: {  	_ =	strace s3  }
0x9d: {  	_ =	strace $0x8FFFFFFF  }
0x9e: {  	s19 =	sld [smem:$0x3FDB];
	_ =	sdelay $0x1  }
0x9f: {  	s20 =	simm.s32 $_scs_section_size  }
0xa0: {  	s6 =	simm.s32 $_size__tile_overlayer_lowered;
	s7 =	simm.s32 $_tile_overlayer_lowered  }
0xa1: {  	s8 =	simm.s32 $0x1BFF;
	s21 =	sshll.u32 s7, $0x1;
	s5 =	sadd.s32 s20, s19  }
0xa2: {  	s22 =	simm.s32 $0x0;
	s6 =	sshll.u32 s6, $0x1;
	s7 =	sadd.s32 s21, s5  }
0xa3: {  	[timem:s22], [sflag:s8] =	dma.local [hbm:s7], s6  }
0xa4: {  	_ =	swait.ge [sflag:s8], s6  }
0xa5: {  	s6 =	ssub.s32 $0x0, s6;
	[sflag:s8] =	ssyncset.done $0x0  }
0xa6: {  	[sflag:s8] =	ssyncadd.s32 s6;
	_ =	sdelay $0x1  }
0xa7: {  	s23 =	simm.s32 $0x1B8B  }
0xa8: {  	_ =	swait.ge [sflag:s23], $0x1  }
0xa9: {  	[sflag:s23] =	ssyncset.done $0x0  }
0xaa: {  	[sflag:s23] =	ssyncadd.s32 $0xFFFFFFFF  }
0xab: {  	s6 =	sld [smem:$0x0]  }
0xac: {  	s7 =	sand.u32 $0xFFFFFFFE, s1  }
0xad: {  	p0 =	sne.s32 s1, s7  }
0xae: {  	s7 =	sshll.u32 @p0 s7, $0xE  }
0xaf: {  	s7 =	sadd.s32 @p0 $0x11B8D, s7;
	s8 =	sshll.u32 @p0 s6, $0x11  }
0xb0: {  	s7 =	sor.u32 @p0 s8, s7  }
0xb1: {  	[sflag:s7] =	ssyncadd.remote.s32 @p0 $0x1;
	_ =	sdelay $0x1  }
0xb2: {  	s7 =	simm.s32 @p0 $0x1B8D  }
0xb3: {  	_ =	swait.eq @p0 [sflag:s7], $0x1  }
0xb4: {  	[sflag:s7] =	ssyncadd.s32 @p0 $0xFFFFFFFF  }
0xb5: {  	s8 =	sshll.u32 @!p0 s1, $0xE  }
0xb6: {  	s8 =	sor.u32 @!p0 $0x4000, s8;
	s7 =	simm.s32 @!p0 $0x1B8D  }
0xb7: {  	s6 =	sshll.u32 @!p0 s6, $0x11;
	s8 =	sadd.s32 @!p0 $0x11B8D, s8;
	_ =	swait.eq @!p0 [sflag:s7], $0x1  }
0xb8: {  	s6 =	sor.u32 @!p0 s6, s8;
	[sflag:s7] =	ssyncadd.s32 @!p0 $0xFFFFFFFF  }
0xb9: {  	s25 =	simm.s32 $0x1B8E;
	s24 =	sld [smem:$0x3FFE];
	[sflag:s6] =	ssyncadd.remote.s32 @!p0 $0x1  }
0xba: {  	s26 =	simm.s32 $execute0_lowered;
	[smem:$0x3FD2] =	sst s25  }
0xbb: {  	s7 =	sshll.u32 s26, $0x1;
	_ =	strace $0x80000049;
	[dreg:$0x1] =	wrdreg $0xFFFFFFFF  }
0xbc: {  	s28 =	simm.s32 $_size_execute0_lowered;
	s5 =	sadd.s32 s5, s7;
	[dreg:$0x0] =	wrdreg $0x0  }
0xbd: {  	s7 =	sshll.u32 s28, $0x1;
	[dreg:$0x2] =	wrdreg s5  }
0xbe: {  	[dreg:$0x3] =	wrdreg s7  }
0xbf: {  	[dreg:$0x4] =	wrdreg $0xC0  }
0xc0: {  	_ =	task [dreg:s22], $0x5FFFF  }
0xc1: {  	[dreg:$0x1] =	wrdreg $0xFFFFFFFF  }
0xc2: {  	[dreg:$0x0] =	wrdreg $0x60  }
0xc3: {  	[dreg:$0x2] =	wrdreg s2  }
0xc4: {  	[dreg:$0x3] =	wrdreg s17  }
0xc5: {  	[dreg:$0x4] =	wrdreg s24  }
0xc6: {  	[dreg:$0x5] =	wrdreg $0xA  }
0xc7: {  	_ =	task.clear_ibuf [dreg:s22], $0x6FFFF;
	_ =	strace $0x90000049  }
0xc8: {  	s29 =	simm.s32 $0xA;
	_ =	strace $0x8000004B  }
0xc9: {  	_ =	swait.ge [sflag:s29], $0x1  }
0xca: {  	[sflag:s29] =	ssyncadd.s32 $0xFFFFFFFF  }
0xcb: {  	_ =	strace $0x9000004B  }
0xcc: {  	_ =	sfence  }
0xcd: {  	s30 =	sld [smem:$0x0];
	_ =	sdelay $0x2  }
0xce: {  	s31 =	sshll.u32 s1, $0xD;
	s1 =	sshrl.u32 s1, $0x2  }
0xcf: {  	s4 =	sand.u32 $0x4000, s31;
	s1 =	sadd.s32 s1, s30  }
0xd0: {  	s0 =	sor.u32 s4, s0;
	s1 =	sshll.u32 s1, $0x11  }
0xd1: {  	s0 =	sor.u32 s1, s0  }
0xd2: {  	s0 =	sadd.s32 $0x8F2B, s0  }
0xd3: {  	[sflag:s0] =	ssyncadd.remote.s32 $0x1  }
0xd4: {  	_ =	sfence.sel $0xFFFF  }
0xd5: {  	[dreg:$0x0] =	wrdreg $0xFFFFFFFF;
	(pc) =	sbr.abs _section_cstart, $3  }
0xd6: {  	[dreg:$0x1] =	wrdreg $0xFFFFFFFF  }
0xd7: {  	_ =	task.clear_ibuf [dreg:s22], $0x2FFFF;
	_ =	strace $0x9FFFFFFF  }
0xd8: {  	(tm) =	ssettm $0x7FFFFFFF  }
0xd9: {  	_ =	shalt  }
tec
execute0_lowered:
.L_overlay_start_1:
0x0: {  	(tag) =	ssettag $0x1  }
0x1: {  	s3 =	rddreg [dreg:$0x0]  }
0x2: {  	s0 =	rddreg [dreg:$0x1]  }
0x3: {  	s1 =	srdreg.scid;
	s2 =	stileid.u32  }
0x4: {  	s4 =	rddreg [dreg:$0x2];
	s28 =	simm.s32 $0x9;
	s10 =	simm.s32 $0x800  }
0x5: {  	s29 =	simm.s32 $0x80;
	s9 =	simm.s32 $0x3000;
	s30 =	simm.s32 $0x100  }
0x6: {  	s31 =	simm.s32 $0x180;
	s15 =	simm.s32 $0x8000;
	s14 =	simm.s32 $0x1  }
0x7: {  	s26 =	simm.s32 $0x200;
	s12 =	simm.s32 $0x2;
	s25 =	simm.s32 $0x280  }
0x8: {  	s13 =	simm.s32 $0x7;
	p0 =	por $0x0, $0x0;
	s16 =	simm.s32 $0x8  }
0x9: {  	s1 =	sand.u32 $0x1, s1;
	s5 =	sshll.u32 s2, $0x1;
	s2 =	simm.s32 $0x0  }
0xa: {  	s4 =	sadd.s32 $0x65C00, s4;
	s5 =	sor.u32 s1, s5;
	[smem:$0x7FF] =	sst s2  }
0xb: {  	s1 =	ssub.s32 $0x2, s1;
	s6 =	smul.u32 $0x19000, s5;
	_ =	strace $0x8000004A  }
0xc: {  	s7 =	sshll.u32 s5, $0x8;
	s5 =	smul.u32 $0x3200, s5;
	s21 =	sshrl.u32 s1, $0x1  }
0xd: {  	s0 =	sadd.s32 s0, s7;
	s1 =	ssub.s32 s1, s21;
	s7 =	simm.s32 $0x6  }
0xe: {  	s21 =	simm.s32 $0x480;
	s6 =	sshrl.u32 s6, $0x3;
	[dreg:$0x4] =	wrdreg s0  }
0xf: {  	s17 =	sadd.s32 s4, s5;
	s24 =	smax.u32 s1, $0x1;
	s4 =	sadd.s32 s4, s6  }
0x10: {  	[dreg:$0x5] =	wrdreg s17;
	s17 =	simm.s32 $0x50;
	s6 =	simm.s32 $0x5  }
0x11: {  	p1 =	sne.s32 s24, $0x1;
	s1 =	sadd.s32 $0xFFFFFFFF, s24;
	s24 =	simm.s32 $0x300  }
0x12: {  	s0 =	rddreg [dreg:$0x4];
	s18 =	sadd.s32 $0x500, s4;
	s19 =	sadd.s32 $0xA00, s4  }
0x13: {  	s20 =	sadd.s32 $0xF00, s4;
	s22 =	sadd.s32 $0x1400, s4;
	[dreg:$0x6] =	wrdreg s18  }
.Ltmp0:
0x14: {  	s23 =	sadd.s32 $0x1900, s4;
	[dreg:$0x7] =	wrdreg s19;
	(pc) =	sbr.rel @!p1 .LBB2_3-.Ltmp0, $4  }
0x15: {  	s11 =	sadd.s32 $0x1E00, s4;
	s8 =	sadd.s32 $0x2300, s4;
	[dreg:$0x8] =	wrdreg s20  }
0x16: {  	s5 =	sadd.s32 $0x2800, s4;
	s4 =	sadd.s32 $0x2D00, s4;
	[dreg:$0x9] =	wrdreg s22  }
0x17: {  	[dreg:$0xa] =	wrdreg s23;
	s18 =	simm.s32 $0x5800;
	s19 =	simm.s32 $0x3  }
0x18: {  	s20 =	simm.s32 $0x4;
	s23 =	simm.s32 $0x380;
	s22 =	simm.s32 $0x400  }
0x19: {  	[tilespmem:s2], [sflag:$0x9] =	stream.linear.gather [hbm4b:s0+s2], $0x500, $0x38;
	[tilespmem:$0xA800] =	vst v63  }
0x1a: {  	_ =	swait.ge [sflag:s28], $0x500  }
0x1b: {  	[sflag:s28] =	ssyncset.done $0x0  }
0x1c: {  	[sflag:s28] =	ssyncadd.s32 $0xFFFFFB00  }
0x1d: {  	[tilespmem:s10], [sflag:$0x1] =	stream.indirect.gather [hbm4b:s3+s17], $0x80, s2, s17, $0xb8;
	[tilespmem:$0xA800] =	vst v63  }
0x1e: {  	_ = 	snop  }
0x1f: {  	[tilespmem:s9], [sflag:$0x2] =	stream.indirect.gather [hbm4b:s3+s17], $0x80, s29, s17, $0xb8;
	[tilespmem:$0xA800] =	vst v63  }
0x20: {  	_ = 	snop  }
0x21: {  	[tilespmem:s18], [sflag:$0x3] =	stream.indirect.gather [hbm4b:s3+s17], $0x80, s30, s17, $0xb8;
	[tilespmem:$0xA800] =	vst v63  }
0x22: {  	_ = 	snop  }
0x23: {  	[tilespmem:s15], [sflag:$0x4] =	stream.indirect.gather [hbm4b:s3+s17], $0x80, s31, s17, $0xb8;
	[tilespmem:$0xA800] =	vst v63  }
0x24: {  	_ =	swait.ge [sflag:s14], $0x2800  }
0x25: {  	[sflag:s14] =	ssyncset.done $0x0  }
0x26: {  	s0 =	rddreg [dreg:$0x5];
	[sflag:s14] =	ssyncadd.s32 $0xFFFFD800  }
0x27: {  	[hbm4b:s0+s2] =	stream.linear.scatter [tilespmem:s10], [sflag:$0x5], $0x2800, $0x38;
	[tilespmem:$0xA800] =	vst v63  }
0x28: {  	_ =	swait.ge [sflag:s6], $0x2800  }
0x29: {  	[sflag:s6] =	ssyncset.done $0x0  }
0x2a: {  	[sflag:s6] =	ssyncadd.s32 $0xFFFFD800  }
0x2b: {  	[tilespmem:s10], [sflag:$0x1] =	stream.indirect.gather [hbm4b:s3+s17], $0x80, s26, s17, $0xb8;
	[tilespmem:$0xA800] =	vst v63  }
0x2c: {  	_ =	swait.ge [sflag:s12], $0x2800  }
0x2d: {  	[sflag:s12] =	ssyncset.done $0x0  }
0x2e: {  	s0 =	rddreg [dreg:$0x6];
	[sflag:s12] =	ssyncadd.s32 $0xFFFFD800  }
0x2f: {  	[hbm4b:s0+s2] =	stream.linear.scatter [tilespmem:s9], [sflag:$0x6], $0x2800, $0x38;
	[tilespmem:$0xA800] =	vst v63  }
0x30: {  	_ =	swait.ge [sflag:s7], $0x2800  }
0x31: {  	[sflag:s7] =	ssyncset.done $0x0  }
0x32: {  	[sflag:s7] =	ssyncadd.s32 $0xFFFFD800  }
0x33: {  	[tilespmem:s9], [sflag:$0x2] =	stream.indirect.gather [hbm4b:s3+s17], $0x80, s25, s17, $0xb8;
	[tilespmem:$0xA800] =	vst v63  }
0x34: {  	_ =	swait.ge [sflag:s19], $0x2800  }
0x35: {  	[sflag:s19] =	ssyncset.done $0x0  }
0x36: {  	s0 =	rddreg [dreg:$0x7];
	[sflag:s19] =	ssyncadd.s32 $0xFFFFD800  }
0x37: {  	[hbm4b:s0+s2] =	stream.linear.scatter [tilespmem:s18], [sflag:$0x7], $0x2800, $0x38;
	[tilespmem:$0xA800] =	vst v63  }
0x38: {  	_ =	swait.ge [sflag:s13], $0x2800  }
0x39: {  	[sflag:s13] =	ssyncset.done $0x0  }
0x3a: {  	[sflag:s13] =	ssyncadd.s32 $0xFFFFD800  }
0x3b: {  	[tilespmem:s18], [sflag:$0x3] =	stream.indirect.gather [hbm4b:s3+s17], $0x80, s24, s17, $0xb8;
	[tilespmem:$0xA800] =	vst v63  }
0x3c: {  	_ =	swait.ge [sflag:s20], $0x2800  }
0x3d: {  	[sflag:s20] =	ssyncset.done $0x0  }
0x3e: {  	s0 =	rddreg [dreg:$0x8];
	[sflag:s20] =	ssyncadd.s32 $0xFFFFD800  }
0x3f: {  	[hbm4b:s0+s2] =	stream.linear.scatter [tilespmem:s15], [sflag:$0x8], $0x2800, $0x38;
	[tilespmem:$0xA800] =	vst v63  }
0x40: {  	_ =	swait.ge [sflag:s16], $0x2800  }
0x41: {  	[sflag:s16] =	ssyncset.done $0x0  }
0x42: {  	[sflag:s16] =	ssyncadd.s32 $0xFFFFD800  }
0x43: {  	[tilespmem:s15], [sflag:$0x4] =	stream.indirect.gather [hbm4b:s3+s17], $0x80, s23, s17, $0xb8;
	[tilespmem:$0xA800] =	vst v63  }
0x44: {  	_ =	swait.ge [sflag:s14], $0x2800  }
0x45: {  	[sflag:s14] =	ssyncset.done $0x0  }
0x46: {  	s0 =	rddreg [dreg:$0x9];
	[sflag:s14] =	ssyncadd.s32 $0xFFFFD800  }
0x47: {  	[hbm4b:s0+s2] =	stream.linear.scatter [tilespmem:s10], [sflag:$0x5], $0x2800, $0x38;
	[tilespmem:$0xA800] =	vst v63  }
0x48: {  	_ =	swait.ge [sflag:s6], $0x2800  }
0x49: {  	[sflag:s6] =	ssyncset.done $0x0  }
0x4a: {  	[sflag:s6] =	ssyncadd.s32 $0xFFFFD800  }
0x4b: {  	[tilespmem:s10], [sflag:$0x1] =	stream.indirect.gather [hbm4b:s3+s17], $0x80, s22, s17, $0xb8;
	[tilespmem:$0xA800] =	vst v63  }
0x4c: {  	_ =	swait.ge [sflag:s12], $0x2800  }
0x4d: {  	[sflag:s12] =	ssyncset.done $0x0  }
0x4e: {  	s0 =	rddreg [dreg:$0xa];
	[sflag:s12] =	ssyncadd.s32 $0xFFFFD800  }
0x4f: {  	[hbm4b:s0+s2] =	stream.linear.scatter [tilespmem:s9], [sflag:$0x6], $0x2800, $0x38;
	[tilespmem:$0xA800] =	vst v63  }
0x50: {  	_ =	swait.ge [sflag:s7], $0x2800  }
0x51: {  	[sflag:s7] =	ssyncset.done $0x0  }
0x52: {  	[sflag:s7] =	ssyncadd.s32 $0xFFFFD800  }
0x53: {  	[tilespmem:s9], [sflag:$0x2] =	stream.indirect.gather [hbm4b:s3+s17], $0x80, s21, s17, $0xb8;
	[tilespmem:$0xA800] =	vst v63  }
0x54: {  	_ =	swait.ge [sflag:s19], $0x2800  }
0x55: {  	[sflag:s19] =	ssyncset.done $0x0  }
0x56: {  	[sflag:s19] =	ssyncadd.s32 $0xFFFFD800  }
0x57: {  	[hbm4b:s11+s2] =	stream.linear.scatter [tilespmem:s18], [sflag:$0x7], $0x2800, $0x38;
	[tilespmem:$0xA800] =	vst v63  }
0x58: {  	_ =	swait.ge [sflag:s20], $0x2800  }
0x59: {  	[sflag:s20] =	ssyncset.done $0x0  }
0x5a: {  	[sflag:s20] =	ssyncadd.s32 $0xFFFFD800  }
0x5b: {  	[hbm4b:s8+s2] =	stream.linear.scatter [tilespmem:s15], [sflag:$0x8], $0x2800, $0x38;
	[tilespmem:$0xA800] =	vst v63  }
0x5c: {  	_ =	swait.ge [sflag:s14], $0x2800  }
0x5d: {  	[sflag:s14] =	ssyncset.done $0x0  }
0x5e: {  	[sflag:s14] =	ssyncadd.s32 $0xFFFFD800  }
0x5f: {  	[hbm4b:s5+s2] =	stream.linear.scatter [tilespmem:s10], [sflag:$0x5], $0x2800, $0x38;
	[tilespmem:$0xA800] =	vst v63  }
0x60: {  	_ =	swait.ge [sflag:s12], $0x2800  }
0x61: {  	[sflag:s12] =	ssyncset.done $0x0  }
0x62: {  	[sflag:s12] =	ssyncadd.s32 $0xFFFFD800  }
0x63: {  	[hbm4b:s4+s2] =	stream.linear.scatter [tilespmem:s9], [sflag:$0x6], $0x2800, $0x38;
	[tilespmem:$0xA800] =	vst v63  }
0x64: {  	_ =	swait.ge [sflag:s13], $0x2800  }
0x65: {  	[sflag:s13] =	ssyncset.done $0x0  }
0x66: {  	[sflag:s13] =	ssyncadd.s32 $0xFFFFD800  }
0x67: {  	_ =	swait.ge [sflag:s16], $0x2800  }
0x68: {  	[sflag:s16] =	ssyncset.done $0x0  }
0x69: {  	p1 =	sne.s32 s1, $0x1;
	[sflag:s16] =	ssyncadd.s32 $0xFFFFD800  }
.Ltmp1:
0x6a: {  	_ =	swait.ge [sflag:s6], $0x2800;
	(pc) =	sbr.rel @!p1 .LBB2_3-.Ltmp1, $4  }
0x6b: {  	[sflag:s6] =	ssyncset.done $0x0  }
0x6c: {  	[sflag:s6] =	ssyncadd.s32 $0xFFFFD800  }
0x6d: {  	s1 =	sadd.s32 $0xFFFFFFFF, s1;
	_ =	swait.ge [sflag:s7], $0x2800  }
0x6e: {  	p0 =	por $0x1, $0x1;
	s0 =	rddreg [dreg:$0x4];
	[sflag:s7] =	ssyncset.done $0x0  }
.LBB2_2:
0x6f: {  	[sflag:s7] =	ssyncadd.s32 $0xFFFFD800  }
0x70: {  	[tilespmem:s2], [sflag:$0x9] =	stream.linear.gather [hbm4b:s0+s2], $0x500, $0x38;
	[tilespmem:$0xA800] =	vst v63  }
0x71: {  	_ =	swait.ge [sflag:s28], $0x500  }
0x72: {  	[sflag:s28] =	ssyncset.done $0x0  }
0x73: {  	[sflag:s28] =	ssyncadd.s32 $0xFFFFFB00  }
0x74: {  	[tilespmem:s10], [sflag:$0x1] =	stream.indirect.gather [hbm4b:s3+s17], $0x80, s2, s17, $0xb8;
	[tilespmem:$0xA800] =	vst v63  }
0x75: {  	_ = 	snop  }
0x76: {  	[tilespmem:s9], [sflag:$0x2] =	stream.indirect.gather [hbm4b:s3+s17], $0x80, s29, s17, $0xb8;
	[tilespmem:$0xA800] =	vst v63  }
0x77: {  	_ = 	snop  }
0x78: {  	[tilespmem:s18], [sflag:$0x3] =	stream.indirect.gather [hbm4b:s3+s17], $0x80, s30, s17, $0xb8;
	[tilespmem:$0xA800] =	vst v63  }
0x79: {  	_ = 	snop  }
0x7a: {  	[tilespmem:s15], [sflag:$0x4] =	stream.indirect.gather [hbm4b:s3+s17], $0x80, s31, s17, $0xb8;
	[tilespmem:$0xA800] =	vst v63  }
0x7b: {  	_ =	swait.ge [sflag:s14], $0x2800  }
0x7c: {  	[sflag:s14] =	ssyncset.done $0x0  }
0x7d: {  	s0 =	rddreg [dreg:$0x5];
	[sflag:s14] =	ssyncadd.s32 $0xFFFFD800  }
0x7e: {  	[hbm4b:s0+s2] =	stream.linear.scatter [tilespmem:s10], [sflag:$0x5], $0x2800, $0x38;
	[tilespmem:$0xA800] =	vst v63  }
0x7f: {  	_ =	swait.ge [sflag:s6], $0x2800  }
0x80: {  	[sflag:s6] =	ssyncset.done $0x0  }
0x81: {  	[sflag:s6] =	ssyncadd.s32 $0xFFFFD800  }
0x82: {  	[tilespmem:s10], [sflag:$0x1] =	stream.indirect.gather [hbm4b:s3+s17], $0x80, s26, s17, $0xb8;
	[tilespmem:$0xA800] =	vst v63  }
0x83: {  	_ =	swait.ge [sflag:s12], $0x2800  }
0x84: {  	[sflag:s12] =	ssyncset.done $0x0  }
0x85: {  	s0 =	rddreg [dreg:$0x6];
	[sflag:s12] =	ssyncadd.s32 $0xFFFFD800  }
0x86: {  	[hbm4b:s0+s2] =	stream.linear.scatter [tilespmem:s9], [sflag:$0x6], $0x2800, $0x38;
	[tilespmem:$0xA800] =	vst v63  }
0x87: {  	_ =	swait.ge [sflag:s7], $0x2800  }
0x88: {  	[sflag:s7] =	ssyncset.done $0x0  }
0x89: {  	[sflag:s7] =	ssyncadd.s32 $0xFFFFD800  }
0x8a: {  	[tilespmem:s9], [sflag:$0x2] =	stream.indirect.gather [hbm4b:s3+s17], $0x80, s25, s17, $0xb8;
	[tilespmem:$0xA800] =	vst v63  }
0x8b: {  	_ =	swait.ge [sflag:s19], $0x2800  }
0x8c: {  	[sflag:s19] =	ssyncset.done $0x0  }
0x8d: {  	s0 =	rddreg [dreg:$0x7];
	[sflag:s19] =	ssyncadd.s32 $0xFFFFD800  }
0x8e: {  	[hbm4b:s0+s2] =	stream.linear.scatter [tilespmem:s18], [sflag:$0x7], $0x2800, $0x38;
	[tilespmem:$0xA800] =	vst v63  }
0x8f: {  	_ =	swait.ge [sflag:s13], $0x2800  }
0x90: {  	[sflag:s13] =	ssyncset.done $0x0  }
0x91: {  	[sflag:s13] =	ssyncadd.s32 $0xFFFFD800  }
0x92: {  	[tilespmem:s18], [sflag:$0x3] =	stream.indirect.gather [hbm4b:s3+s17], $0x80, s24, s17, $0xb8;
	[tilespmem:$0xA800] =	vst v63  }
0x93: {  	_ =	swait.ge [sflag:s20], $0x2800  }
0x94: {  	[sflag:s20] =	ssyncset.done $0x0  }
0x95: {  	s0 =	rddreg [dreg:$0x8];
	[sflag:s20] =	ssyncadd.s32 $0xFFFFD800  }
0x96: {  	[hbm4b:s0+s2] =	stream.linear.scatter [tilespmem:s15], [sflag:$0x8], $0x2800, $0x38;
	[tilespmem:$0xA800] =	vst v63  }
0x97: {  	_ =	swait.ge [sflag:s16], $0x2800  }
0x98: {  	[sflag:s16] =	ssyncset.done $0x0  }
0x99: {  	[sflag:s16] =	ssyncadd.s32 $0xFFFFD800  }
0x9a: {  	[tilespmem:s15], [sflag:$0x4] =	stream.indirect.gather [hbm4b:s3+s17], $0x80, s23, s17, $0xb8;
	[tilespmem:$0xA800] =	vst v63  }
0x9b: {  	_ =	swait.ge [sflag:s14], $0x2800  }
0x9c: {  	[sflag:s14] =	ssyncset.done $0x0  }
0x9d: {  	s0 =	rddreg [dreg:$0x9];
	[sflag:s14] =	ssyncadd.s32 $0xFFFFD800  }
0x9e: {  	[hbm4b:s0+s2] =	stream.linear.scatter [tilespmem:s10], [sflag:$0x5], $0x2800, $0x38;
	[tilespmem:$0xA800] =	vst v63  }
0x9f: {  	_ =	swait.ge [sflag:s6], $0x2800  }
0xa0: {  	[sflag:s6] =	ssyncset.done $0x0  }
0xa1: {  	[sflag:s6] =	ssyncadd.s32 $0xFFFFD800  }
0xa2: {  	[tilespmem:s10], [sflag:$0x1] =	stream.indirect.gather [hbm4b:s3+s17], $0x80, s22, s17, $0xb8;
	[tilespmem:$0xA800] =	vst v63  }
0xa3: {  	_ =	swait.ge [sflag:s12], $0x2800  }
0xa4: {  	[sflag:s12] =	ssyncset.done $0x0  }
0xa5: {  	s0 =	rddreg [dreg:$0xa];
	[sflag:s12] =	ssyncadd.s32 $0xFFFFD800  }
0xa6: {  	[hbm4b:s0+s2] =	stream.linear.scatter [tilespmem:s9], [sflag:$0x6], $0x2800, $0x38;
	[tilespmem:$0xA800] =	vst v63  }
0xa7: {  	_ =	swait.ge [sflag:s7], $0x2800  }
0xa8: {  	[sflag:s7] =	ssyncset.done $0x0  }
0xa9: {  	[sflag:s7] =	ssyncadd.s32 $0xFFFFD800  }
0xaa: {  	[tilespmem:s9], [sflag:$0x2] =	stream.indirect.gather [hbm4b:s3+s17], $0x80, s21, s17, $0xb8;
	[tilespmem:$0xA800] =	vst v63  }
0xab: {  	_ =	swait.ge [sflag:s19], $0x2800  }
0xac: {  	[sflag:s19] =	ssyncset.done $0x0  }
0xad: {  	[sflag:s19] =	ssyncadd.s32 $0xFFFFD800  }
0xae: {  	[hbm4b:s11+s2] =	stream.linear.scatter [tilespmem:s18], [sflag:$0x7], $0x2800, $0x38;
	[tilespmem:$0xA800] =	vst v63  }
0xaf: {  	_ =	swait.ge [sflag:s20], $0x2800  }
0xb0: {  	[sflag:s20] =	ssyncset.done $0x0  }
0xb1: {  	[sflag:s20] =	ssyncadd.s32 $0xFFFFD800  }
0xb2: {  	[hbm4b:s8+s2] =	stream.linear.scatter [tilespmem:s15], [sflag:$0x8], $0x2800, $0x38;
	[tilespmem:$0xA800] =	vst v63  }
0xb3: {  	_ =	swait.ge [sflag:s14], $0x2800  }
0xb4: {  	[sflag:s14] =	ssyncset.done $0x0  }
0xb5: {  	[sflag:s14] =	ssyncadd.s32 $0xFFFFD800  }
0xb6: {  	[hbm4b:s5+s2] =	stream.linear.scatter [tilespmem:s10], [sflag:$0x5], $0x2800, $0x38;
	[tilespmem:$0xA800] =	vst v63  }
0xb7: {  	_ =	swait.ge [sflag:s12], $0x2800  }
0xb8: {  	[sflag:s12] =	ssyncset.done $0x0  }
0xb9: {  	[sflag:s12] =	ssyncadd.s32 $0xFFFFD800  }
0xba: {  	[hbm4b:s4+s2] =	stream.linear.scatter [tilespmem:s9], [sflag:$0x6], $0x2800, $0x38;
	[tilespmem:$0xA800] =	vst v63  }
0xbb: {  	_ =	swait.ge [sflag:s13], $0x2800  }
0xbc: {  	[sflag:s13] =	ssyncset.done $0x0  }
0xbd: {  	[sflag:s13] =	ssyncadd.s32 $0xFFFFD800  }
0xbe: {  	_ =	swait.ge [sflag:s16], $0x2800  }
0xbf: {  	[sflag:s16] =	ssyncset.done $0x0  }
0xc0: {  	p1 =	sne.s32 s1, $0x1;
	[sflag:s16] =	ssyncadd.s32 $0xFFFFD800  }
.Ltmp2:
0xc1: {  	_ =	swait.ge [sflag:s6], $0x2800;
	(pc) =	sbr.rel @p1 .LBB2_2-.Ltmp2, $4  }
0xc2: {  	[sflag:s6] =	ssyncset.done $0x0  }
0xc3: {  	[sflag:s6] =	ssyncadd.s32 $0xFFFFD800  }
0xc4: {  	_ =	swait.ge [sflag:s7], $0x2800  }
0xc5: {  	s1 =	sadd.s32 $0xFFFFFFFF, s1;
	s0 =	rddreg [dreg:$0x4];
	[sflag:s7] =	ssyncset.done $0x0  }
.LBB2_3:
0xc6: {  	[sflag:s7] =	ssyncadd.s32 @p0 $0xFFFFD800  }
0xc7: {  	[tilespmem:s2], [sflag:$0x9] =	stream.linear.gather [hbm4b:s0+s2], $0x500, $0x38;
	[tilespmem:$0xA800] =	vst v63  }
0xc8: {  	_ =	swait.ge [sflag:s28], $0x500  }
0xc9: {  	[sflag:s28] =	ssyncset.done $0x0  }
0xca: {  	[sflag:s28] =	ssyncadd.s32 $0xFFFFFB00  }
0xcb: {  	[tilespmem:s10], [sflag:$0x1] =	stream.indirect.gather [hbm4b:s3+s17], $0x80, s2, s17, $0xb8;
	[tilespmem:$0xA800] =	vst v63  }
0xcc: {  	_ = 	snop  }
0xcd: {  	[tilespmem:s9], [sflag:$0x2] =	stream.indirect.gather [hbm4b:s3+s17], $0x80, s29, s17, $0xb8;
	[tilespmem:$0xA800] =	vst v63  }
0xce: {  	_ = 	snop  }
0xcf: {  	[tilespmem:s18], [sflag:$0x3] =	stream.indirect.gather [hbm4b:s3+s17], $0x80, s30, s17, $0xb8;
	[tilespmem:$0xA800] =	vst v63  }
0xd0: {  	_ = 	snop  }
0xd1: {  	[tilespmem:s15], [sflag:$0x4] =	stream.indirect.gather [hbm4b:s3+s17], $0x80, s31, s17, $0xb8;
	[tilespmem:$0xA800] =	vst v63  }
0xd2: {  	_ =	swait.ge [sflag:s14], $0x2800  }
0xd3: {  	[sflag:s14] =	ssyncset.done $0x0  }
0xd4: {  	s31 =	rddreg [dreg:$0x5];
	[sflag:s14] =	ssyncadd.s32 $0xFFFFD800  }
0xd5: {  	[hbm4b:s31+s2] =	stream.linear.scatter [tilespmem:s10], [sflag:$0x5], $0x2800, $0x38;
	[tilespmem:$0xA800] =	vst v63  }
0xd6: {  	_ =	swait.ge [sflag:s6], $0x2800  }
0xd7: {  	[sflag:s6] =	ssyncset.done $0x0  }
0xd8: {  	[sflag:s6] =	ssyncadd.s32 $0xFFFFD800  }
0xd9: {  	[tilespmem:s10], [sflag:$0x1] =	stream.indirect.gather [hbm4b:s3+s17], $0x80, s26, s17, $0xb8;
	[tilespmem:$0xA800] =	vst v63  }
0xda: {  	_ =	swait.ge [sflag:s12], $0x2800  }
0xdb: {  	[sflag:s12] =	ssyncset.done $0x0  }
0xdc: {  	s1 =	rddreg [dreg:$0x6];
	[sflag:s12] =	ssyncadd.s32 $0xFFFFD800  }
0xdd: {  	[hbm4b:s1+s2] =	stream.linear.scatter [tilespmem:s9], [sflag:$0x6], $0x2800, $0x38;
	[tilespmem:$0xA800] =	vst v63  }
0xde: {  	_ =	swait.ge [sflag:s7], $0x2800  }
0xdf: {  	[sflag:s7] =	ssyncset.done $0x0  }
0xe0: {  	[sflag:s7] =	ssyncadd.s32 $0xFFFFD800  }
0xe1: {  	[tilespmem:s9], [sflag:$0x2] =	stream.indirect.gather [hbm4b:s3+s17], $0x80, s25, s17, $0xb8;
	[tilespmem:$0xA800] =	vst v63  }
0xe2: {  	_ =	swait.ge [sflag:s19], $0x2800  }
0xe3: {  	[sflag:s19] =	ssyncset.done $0x0  }
0xe4: {  	s26 =	rddreg [dreg:$0x7];
	[sflag:s19] =	ssyncadd.s32 $0xFFFFD800  }
0xe5: {  	[hbm4b:s26+s2] =	stream.linear.scatter [tilespmem:s18], [sflag:$0x7], $0x2800, $0x38;
	[tilespmem:$0xA800] =	vst v63  }
0xe6: {  	_ =	swait.ge [sflag:s13], $0x2800  }
0xe7: {  	[sflag:s13] =	ssyncset.done $0x0  }
0xe8: {  	[sflag:s13] =	ssyncadd.s32 $0xFFFFD800  }
0xe9: {  	[tilespmem:s18], [sflag:$0x3] =	stream.indirect.gather [hbm4b:s3+s17], $0x80, s24, s17, $0xb8;
	[tilespmem:$0xA800] =	vst v63  }
0xea: {  	_ =	swait.ge [sflag:s20], $0x2800  }
0xeb: {  	[sflag:s20] =	ssyncset.done $0x0  }
0xec: {  	s28 =	rddreg [dreg:$0x8];
	[sflag:s20] =	ssyncadd.s32 $0xFFFFD800  }
0xed: {  	[hbm4b:s28+s2] =	stream.linear.scatter [tilespmem:s15], [sflag:$0x8], $0x2800, $0x38;
	[tilespmem:$0xA800] =	vst v63  }
0xee: {  	_ =	swait.ge [sflag:s16], $0x2800  }
0xef: {  	[sflag:s16] =	ssyncset.done $0x0  }
0xf0: {  	[sflag:s16] =	ssyncadd.s32 $0xFFFFD800  }
0xf1: {  	[tilespmem:s15], [sflag:$0x4] =	stream.indirect.gather [hbm4b:s3+s17], $0x80, s23, s17, $0xb8;
	[tilespmem:$0xA800] =	vst v63  }
0xf2: {  	_ =	swait.ge [sflag:s14], $0x2800  }
0xf3: {  	[sflag:s14] =	ssyncset.done $0x0  }
0xf4: {  	s29 =	rddreg [dreg:$0x9];
	[sflag:s14] =	ssyncadd.s32 $0xFFFFD800  }
0xf5: {  	[hbm4b:s29+s2] =	stream.linear.scatter [tilespmem:s10], [sflag:$0x5], $0x2800, $0x38;
	[tilespmem:$0xA800] =	vst v63  }
0xf6: {  	_ =	swait.ge [sflag:s6], $0x2800  }
0xf7: {  	[sflag:s6] =	ssyncset.done $0x0  }
0xf8: {  	[sflag:s6] =	ssyncadd.s32 $0xFFFFD800  }
0xf9: {  	[tilespmem:s10], [sflag:$0x1] =	stream.indirect.gather [hbm4b:s3+s17], $0x80, s22, s17, $0xb8;
	[tilespmem:$0xA800] =	vst v63  }
0xfa: {  	_ =	swait.ge [sflag:s12], $0x2800  }
0xfb: {  	[sflag:s12] =	ssyncset.done $0x0  }
0xfc: {  	s30 =	rddreg [dreg:$0xa];
	[sflag:s12] =	ssyncadd.s32 $0xFFFFD800  }
0xfd: {  	[hbm4b:s30+s2] =	stream.linear.scatter [tilespmem:s9], [sflag:$0x6], $0x2800, $0x38;
	[tilespmem:$0xA800] =	vst v63  }
0xfe: {  	_ =	swait.ge [sflag:s7], $0x2800  }
0xff: {  	[sflag:s7] =	ssyncset.done $0x0  }
0x100: {  	[sflag:s7] =	ssyncadd.s32 $0xFFFFD800  }
0x101: {  	[tilespmem:s9], [sflag:$0x2] =	stream.indirect.gather [hbm4b:s3+s17], $0x80, s21, s17, $0xb8;
	[tilespmem:$0xA800] =	vst v63  }
0x102: {  	_ =	swait.ge [sflag:s19], $0x2800  }
0x103: {  	[sflag:s19] =	ssyncset.done $0x0  }
0x104: {  	[sflag:s19] =	ssyncadd.s32 $0xFFFFD800  }
0x105: {  	[hbm4b:s11+s2] =	stream.linear.scatter [tilespmem:s18], [sflag:$0x7], $0x2800, $0x38;
	[tilespmem:$0xA800] =	vst v63  }
0x106: {  	_ =	swait.ge [sflag:s20], $0x2800  }
0x107: {  	[sflag:s20] =	ssyncset.done $0x0  }
0x108: {  	[sflag:s20] =	ssyncadd.s32 $0xFFFFD800  }
0x109: {  	[hbm4b:s8+s2] =	stream.linear.scatter [tilespmem:s15], [sflag:$0x8], $0x2800, $0x38;
	[tilespmem:$0xA800] =	vst v63  }
0x10a: {  	_ =	swait.ge [sflag:s14], $0x2800  }
0x10b: {  	[sflag:s14] =	ssyncset.done $0x0  }
0x10c: {  	[sflag:s14] =	ssyncadd.s32 $0xFFFFD800  }
0x10d: {  	[hbm4b:s5+s2] =	stream.linear.scatter [tilespmem:s10], [sflag:$0x5], $0x2800, $0x38;
	[tilespmem:$0xA800] =	vst v63  }
0x10e: {  	_ =	swait.ge [sflag:s12], $0x2800  }
0x10f: {  	[sflag:s12] =	ssyncset.done $0x0  }
0x110: {  	[sflag:s12] =	ssyncadd.s32 $0xFFFFD800  }
0x111: {  	[hbm4b:s4+s2] =	stream.linear.scatter [tilespmem:s9], [sflag:$0x6], $0x2800, $0x38;
	[tilespmem:$0xA800] =	vst v63  }
0x112: {  	_ =	swait.ge [sflag:s13], $0x2800  }
0x113: {  	[sflag:s13] =	ssyncset.done $0x0  }
0x114: {  	[sflag:s13] =	ssyncadd.s32 $0xFFFFD800  }
0x115: {  	_ =	swait.ge [sflag:s16], $0x2800  }
0x116: {  	[sflag:s16] =	ssyncset.done $0x0  }
0x117: {  	[sflag:s16] =	ssyncadd.s32 $0xFFFFD800  }
0x118: {  	_ =	swait.ge [sflag:s6], $0x2800  }
0x119: {  	[sflag:s6] =	ssyncset.done $0x0  }
0x11a: {  	[sflag:s6] =	ssyncadd.s32 $0xFFFFD800  }
0x11b: {  	_ =	swait.ge [sflag:s7], $0x2800  }
0x11c: {  	[sflag:s7] =	ssyncset.done $0x0  }
0x11d: {  	[sflag:s7] =	ssyncadd.s32 $0xFFFFD800  }
0x11e: {  	_ =	sfence.sel $0x180000  }
0x11f: {  	[bflag:$0x0] =	sbarrier.arrive $0xFFFF  }
0x120: {  	_ =	strace $0x9000004A  }
0x121: {  	s31 =	stileid.u32;
	[bflag:$0x2] =	sbarrier.arrive $0xFFFF  }
0x122: {  	p0 =	sne.s32 s31, $0x0;
	s0 =	rddreg [dreg:$0x3]  }
0x123: {  	s0 =	sadd.s32 @!p0 $0x100000, s0  }
0x124: {  	[sflag:s0] =	ssyncadd.tile.s32 @!p0 $0x1;
	_ =	shalt  }
.Lfunc_end2:
_tile_overlayer_lowered:
.L_overlay_start_2:
0x125: {  	(tag) =	ssettag $0x2  }
0x126: {  	s0 =	rddreg [dreg:$0x0];
	s2 =	stileid.u32  }
0x127: {  	s1 =	rddreg [dreg:$0x1];
	p0 =	sne.s32 s2, $0x0  }
0x128: {  	s3 =	rddreg [dreg:$0x2];
	[bflag:$0x3] =	sbarrier.arrive $0xFFFF;
	s2 =	simm.s32 @!p0 $0x1C09  }
0x129: {  	[timem:s3], [sflag:s2] =	dma.local @!p0 [hbm:s0], s1  }
0x12a: {  	s0 =	simm.s32 @!p0 $0x9  }
0x12b: {  	_ =	swait.ge @!p0 [sflag:s0], s1  }
0x12c: {  	s1 =	ssub.s32 @!p0 $0x0, s1;
	[sflag:s0] =	ssyncset.done @!p0 $0x0  }
0x12d: {  	[sflag:s0] =	ssyncadd.s32 @!p0 s1  }
0x12e: {  	[bflag:$0x3] =	sbarrier.arrive $0xFFFF  }
0x12f: {  	_ =	shalt  }

</sc_bundles>
